<compile_context>
chip_gen: v7x
topology: tpu7x:2x2x1
jax: 0.10.2.dev20260603
libtpu: 0.0.44.dev20260713+nightly
codegen_flags: <defaults>
</compile_context>

<pallas_src>
import jax
import jax.numpy as jnp
from jax import lax
from jax.experimental import pallas as pl
from jax.experimental.pallas import tpu as pltpu
from jax.experimental.pallas import tpu_sc as plsc

N = 10000
E = 320000
DI = 128
DH = 256
NC = 2
NS = 16
LANES = 16
HD = DI // NC
CHUNK = 128
EPS = E // NS
CPW = EPS // CHUNK
TAIL = EPS - CPW * CHUNK
EPSD = EPS // NC
CPWD = EPSD // CHUNK
TAILD = EPSD - CPWD * CHUNK
N_PAD = 10112
RPS = N_PAD // NS

_MESH = dict(core_axis_name="c", subcore_axis_name="s")


def _zero_stripe(zb, sh, ro):
  off = 0
  for sz in (CHUNK, CHUNK, CHUNK, CHUNK, RPS - 4 * CHUNK):
    pltpu.sync_copy(zb.at[pl.ds(0, sz)], sh.at[pl.ds(ro + off, sz)])
    off += sz


def _seg_sum_body(table, srcw, dstw, part, src_v, dst_v,
                  rows0, rows1, rows2, rows3, zb, acc_sh,
                  gs0, gs1, gs2, gs3, ss0, ss1, ss2, ss3):
  rows = (rows0, rows1, rows2, rows3)
  gsem = (gs0, gs1, gs2, gs3)
  ssem = (ss0, ss1, ss2, ss3)

  c = lax.axis_index("c")
  s = lax.axis_index("s")
  ro = s * RPS

  def zrow(i, carry):
    for j in range(HD // LANES):
      zb[i, 16 * j:16 * j + 16] = jnp.zeros((LANES,), jnp.float32)
    return carry
  lax.fori_loop(0, CHUNK, zrow, 0)

  _zero_stripe(zb, acc_sh, ro)

  pltpu.sync_copy(srcw.at[pl.ds(s * EPS, EPS)], src_v)
  pltpu.sync_copy(dstw.at[pl.ds(s * EPS, EPS)], dst_v)

  plsc.subcore_barrier()

  def gather(ci, b):
    pltpu.async_copy(table.at[c].at[src_v.at[pl.ds(ci * CHUNK, CHUNK)]],
                     rows[b], gsem[b])

  def gather_wait(b):
    pltpu.make_async_copy(table.at[c].at[src_v.at[pl.ds(0, CHUNK)]],
                          rows[b], gsem[b]).wait()

  def scatter(ci, b):
    pltpu.async_copy(rows[b], acc_sh.at[dst_v.at[pl.ds(ci * CHUNK, CHUNK)]],
                     ssem[b], add=True)

  def scatter_wait(b):
    pltpu.make_async_copy(rows[b], acc_sh.at[dst_v.at[pl.ds(0, CHUNK)]],
                          ssem[b]).wait()

  gather(0, 0)
  gather(1, 1)

  def step(k, carry):
    for b in range(4):
      ci = 4 * k + b

      @pl.when(ci >= 2)
      def _(b=b):
        scatter_wait((b + 2) % 4)

      @pl.when(ci + 2 < CPW)
      def _(b=b, ci=ci):
        gather(ci + 2, (b + 2) % 4)

      gather_wait(b)
      scatter(ci, b)
    return carry
  lax.fori_loop(0, CPW // 4, step, 0)

  scatter_wait(2)
  scatter_wait(3)

  tsrc = table.at[c].at[src_v.at[pl.ds(CPW * CHUNK, TAIL)]]
  trow = rows0.at[pl.ds(0, TAIL)]
  tdst = acc_sh.at[dst_v.at[pl.ds(CPW * CHUNK, TAIL)]]
  pltpu.async_copy(tsrc, trow, gs0)
  pltpu.make_async_copy(tsrc, trow, gs0).wait()
  pltpu.async_copy(trow, tdst, ss0, add=True)
  pltpu.make_async_copy(trow, tdst, ss0).wait()

  plsc.subcore_barrier()

  pltpu.sync_copy(acc_sh.at[pl.ds(ro, RPS)],
                  part.at[pl.ds(ro, RPS), pl.ds(c * HD, HD)])


def _make_seg_sum():
  scratch = (
      pltpu.VMEM((EPS,), jnp.int32),
      pltpu.VMEM((EPS,), jnp.int32),
      pltpu.VMEM((CHUNK, HD), jnp.float32),
      pltpu.VMEM((CHUNK, HD), jnp.float32),
      pltpu.VMEM((CHUNK, HD), jnp.float32),
      pltpu.VMEM((CHUNK, HD), jnp.float32),
      pltpu.VMEM((CHUNK, HD), jnp.float32),
      pltpu.VMEM_SHARED((N_PAD, HD), jnp.float32),
      pltpu.SemaphoreType.DMA,
      pltpu.SemaphoreType.DMA,
      pltpu.SemaphoreType.DMA,
      pltpu.SemaphoreType.DMA,
      pltpu.SemaphoreType.DMA,
      pltpu.SemaphoreType.DMA,
      pltpu.SemaphoreType.DMA,
      pltpu.SemaphoreType.DMA,
  )
  return pl.kernel(
      _seg_sum_body,
      out_type=(jax.ShapeDtypeStruct((N_PAD, DI), jnp.float32),),
      mesh=plsc.VectorSubcoreMesh(**_MESH),
      scratch_types=scratch,
      compiler_params=pltpu.CompilerParams(use_tc_tiling_on_sc=False),
      name="seg_sum",
  )


def _deg_body(dstw, degp, dst_v, ones_v, zb16, deg_sh, dsem):
  c = lax.axis_index("c")
  s = lax.axis_index("s")
  ro = s * RPS

  def frow(i, carry):
    ones_v[i] = jnp.ones((LANES,), jnp.float32)
    zb16[i] = jnp.zeros((LANES,), jnp.float32)
    return carry
  lax.fori_loop(0, CHUNK, frow, 0)

  _zero_stripe(zb16, deg_sh, ro)

  pltpu.sync_copy(dstw.at[pl.ds(s * EPS + c * EPSD, EPSD)], dst_v)

  plsc.subcore_barrier()

  def deg_wait():
    pltpu.make_async_copy(ones_v, deg_sh.at[dst_v.at[pl.ds(0, CHUNK)]],
                          dsem).wait()

  def step(k, carry):
    pltpu.async_copy(ones_v, deg_sh.at[dst_v.at[pl.ds(k * CHUNK, CHUNK)]],
                     dsem, add=True)

    @pl.when(k >= 4)
    def _():
      deg_wait()
    return carry
  lax.fori_loop(0, CPWD, step, 0)

  for _ in range(4):
    deg_wait()

  tones = ones_v.at[pl.ds(0, TAILD)]
  tdst = deg_sh.at[dst_v.at[pl.ds(CPWD * CHUNK, TAILD)]]
  pltpu.async_copy(tones, tdst, dsem, add=True)
  pltpu.make_async_copy(tones, tdst, dsem).wait()

  plsc.subcore_barrier()

  pltpu.sync_copy(deg_sh.at[pl.ds(ro, RPS)], degp.at[c, pl.ds(ro, RPS)])


def _make_deg():
  scratch = (
      pltpu.VMEM((EPSD,), jnp.int32),
      pltpu.VMEM((CHUNK, LANES), jnp.float32),
      pltpu.VMEM((CHUNK, LANES), jnp.float32),
      pltpu.VMEM_SHARED((N_PAD, LANES), jnp.float32),
      pltpu.SemaphoreType.DMA,
  )
  return pl.kernel(
      _deg_body,
      out_type=(jax.ShapeDtypeStruct((NC, N_PAD, LANES), jnp.float32),),
      mesh=plsc.VectorSubcoreMesh(**_MESH),
      scratch_types=scratch,
      compiler_params=pltpu.CompilerParams(use_tc_tiling_on_sc=False),
      name="deg_count",
  )


_seg_sum = _make_seg_sum()
_deg_count = _make_deg()

_DN = (((1,), (1,)), ((), ()))
_RB = 1000


def _deg_inv(degp_ref, i):
  deg = (degp_ref[0, pl.ds(i * _RB, _RB), 0:1]
         + degp_ref[1, pl.ds(i * _RB, _RB), 0:1])
  return 1.0 / jnp.maximum(deg, 1.0)


def _tc1_body(part_ref, degp_ref, x_ref, wl1_ref, bl1_ref, wr1_ref,
              wl2_ref, wr2_ref, bl2_ref, p_ref, q_ref):
  i = pl.program_id(0)
  inv = _deg_inv(degp_ref, i)
  mean = part_ref[...] * inv
  h = (lax.dot_general(mean, wl1_ref[...], _DN, preferred_element_type=jnp.float32)
       + bl1_ref[...]
       + lax.dot_general(x_ref[...], wr1_ref[...], _DN,
                         preferred_element_type=jnp.float32))
  p = lax.dot_general(h, wl2_ref[...], _DN, preferred_element_type=jnp.float32)
  p_ref[0] = p[:, :HD]
  p_ref[1] = p[:, HD:]
  q_ref[...] = (lax.dot_general(h, wr2_ref[...], _DN,
                                preferred_element_type=jnp.float32)
                + bl2_ref[...])


def _tc2_body(part_ref, degp_ref, q_ref, out_ref):
  i = pl.program_id(0)
  inv = _deg_inv(degp_ref, i)
  out_ref[...] = part_ref[...] * inv + q_ref[...]


def _tc1(part, degp, x, Wl1, bl1, Wr1, Wl2, Wr2, bl2):
  grid = (N // _RB,)
  return pl.pallas_call(
      _tc1_body,
      grid=grid,
      in_specs=[
          pl.BlockSpec((_RB, DI), lambda i: (i, 0)),
          pl.BlockSpec((NC, N_PAD, LANES), lambda i: (0, 0, 0)),
          pl.BlockSpec((_RB, DI), lambda i: (i, 0)),
          pl.BlockSpec((DH, DI), lambda i: (0, 0)),
          pl.BlockSpec((1, DH), lambda i: (0, 0)),
          pl.BlockSpec((DH, DI), lambda i: (0, 0)),
          pl.BlockSpec((DI, DH), lambda i: (0, 0)),
          pl.BlockSpec((DI, DH), lambda i: (0, 0)),
          pl.BlockSpec((1, DI), lambda i: (0, 0)),
      ],
      out_specs=[
          pl.BlockSpec((NC, _RB, HD), lambda i: (0, i, 0)),
          pl.BlockSpec((_RB, DI), lambda i: (i, 0)),
      ],
      out_shape=[
          jax.ShapeDtypeStruct((NC, N, HD), jnp.float32),
          jax.ShapeDtypeStruct((N, DI), jnp.float32),
      ],
      name="sage_dense1",
  )(part, degp, x, Wl1, bl1, Wr1, Wl2, Wr2, bl2)


def _tc2(part, degp, q):
  grid = (N // _RB,)
  return pl.pallas_call(
      _tc2_body,
      grid=grid,
      in_specs=[
          pl.BlockSpec((_RB, DI), lambda i: (i, 0)),
          pl.BlockSpec((NC, N_PAD, LANES), lambda i: (0, 0, 0)),
          pl.BlockSpec((_RB, DI), lambda i: (i, 0)),
      ],
      out_specs=pl.BlockSpec((_RB, DI), lambda i: (i, 0)),
      out_shape=jax.ShapeDtypeStruct((N, DI), jnp.float32),
      name="sage_dense2",
  )(part, degp, q)


def kernel(x, edge_index, Wl1, bl1, Wr1, Wl2, bl2, Wr2):
  src = edge_index[0]
  dst = edge_index[1]
  xh = jnp.stack([x[:, :HD], x[:, HD:]], axis=0)

  (part1,) = _seg_sum(xh, src, dst)
  (degp,) = _deg_count(dst)
  p, q = _tc1(part1, degp, x, Wl1, bl1[None, :], Wr1, Wl2, Wr2, bl2[None, :])
  (part2,) = _seg_sum(p, src, dst)
  return _tc2(part2, degp, q)

# --- scband reference (transcript-rebuilt; emitter-appended) ---
"""Pipeline reference for scband-gnntime-70274254897667 (READ-ONLY COPY).

The authoritative reference and input builder live on the scoring server;
editing this copy changes nothing except your own understanding.
"""

import jax, jax.numpy as jnp
import numpy as np

N_NODES = 10000
N_EDGES = 320000
D_IN = 128
D_H = 256
D_OUT = 128


def setup_inputs(seed: int = 0) -> dict:
    key = jax.random.key(seed)
    ks = jax.random.split(key, 8)
    x = jax.random.normal(ks[0], (N_NODES, D_IN), dtype=jnp.float32)
    edge_index = jax.random.randint(ks[1], (2, N_EDGES), 0, N_NODES, dtype=jnp.int32)
    # SAGEConv layer 1: lin_l (aggregated neighbors, with bias), lin_r (root, no bias)
    Wl1 = jax.random.normal(ks[2], (D_H, D_IN), dtype=jnp.float32) * (1.0 / np.sqrt(D_IN))
    bl1 = jnp.zeros((D_H,), dtype=jnp.float32)
    Wr1 = jax.random.normal(ks[3], (D_H, D_IN), dtype=jnp.float32) * (1.0 / np.sqrt(D_IN))
    # SAGEConv layer 2
    Wl2 = jax.random.normal(ks[4], (D_OUT, D_H), dtype=jnp.float32) * (1.0 / np.sqrt(D_H))
    bl2 = jnp.zeros((D_OUT,), dtype=jnp.float32)
    Wr2 = jax.random.normal(ks[5], (D_OUT, D_H), dtype=jnp.float32) * (1.0 / np.sqrt(D_H))
    return {"x": x, "edge_index": edge_index, "Wl1": Wl1, "bl1": bl1, "Wr1": Wr1,
            "Wl2": Wl2, "bl2": bl2, "Wr2": Wr2}


def _sage_conv(x, edge_index, Wl, bl, Wr):
    # PyG SAGEConv with mean aggregation:
    # out_i = lin_l(mean_{j in N(i)} x_j) + lin_r(x_i)
    src = edge_index[0]
    dst = edge_index[1]
    msg = jnp.take(x, src, axis=0)
    agg = jax.ops.segment_sum(msg, dst, num_segments=N_NODES)
    deg = jax.ops.segment_sum(jnp.ones((src.shape[0],), dtype=x.dtype), dst, num_segments=N_NODES)
    mean = agg / jnp.clip(deg, 1.0)[:, None]
    return mean @ Wl.T + bl + x @ Wr.T


def reference(x, edge_index, Wl1, bl1, Wr1, Wl2, bl2, Wr2):
    # gnn_style == 'GraphSage': h = sage1(x, ei); h = drop(h) [identity in eval]; h = sage2(h, ei)
    h = _sage_conv(x, edge_index, Wl1, bl1, Wr1)
    h = _sage_conv(h, edge_index, Wl2, bl2, Wr2)
    return h

if __name__ == "__main__":
    import jax
    _d = setup_inputs()
    print(jax.jit(kernel)(*tuple(_d.values())))

</pallas_src>

<mosaic_0001>
#map = affine_map<(d0, d1) -> (0)>
#map1 = affine_map<(d0, d1) -> (0, 0, 0)>
module attributes {stable_mosaic.version = 14 : i64} {
  func.func @deg_count(%arg0: i32, %arg1: i32, %arg2: memref<320000xi32, #tpu.memory_space<hbm>>, %arg3: memref<2x10112x16xf32, #tpu.memory_space<hbm>>, %arg4: memref<10000xi32, #tpu.memory_space<vmem>>, %arg5: memref<128x16xf32, #tpu.memory_space<vmem>>, %arg6: memref<128x16xf32, #tpu.memory_space<vmem>>, %arg7: memref<10112x16xf32, #tpu.memory_space<vmem_shared>>, %arg8: memref<!tpu.dma_semaphore, #tpu.memory_space<semaphore_mem>>) attributes {dimension_semantics = [#tpu.dimension_semantics<core_parallel>, #tpu.dimension_semantics<subcore_parallel>], iteration_bounds = array<i64: 2, 16>, scalar_prefetch = 0 : i64, scratch_operands = 5 : i64, tpu.core_type = #tpu.core_type<sc_vector_subcore>, window_params = [{transform_indices = #map}, {transform_indices = #map1}]} {
    %mul3A = arith.constant 632 : i32
    %mul3A_0 = arith.muli %arg1, %mul3A : i32
    %scan3A = arith.constant 0 : i32
    %scan3A_1 = arith.constant 0 : i32
    %scan3A_2 = arith.constant 128 : i32
    %scan3A_3 = arith.addi %scan3A_1, %scan3A_2 : i32
    %scan3A_4 = arith.constant 1 : i32
    scf.for %scan3A_61 = %scan3A_1 to %scan3A_3 step %scan3A_4  : i32 {
      %broadcast_in_dim3A = arith.constant 1.000000e+00 : f32
      %broadcast_in_dim3A_62 = vector.broadcast %broadcast_in_dim3A : f32 to vector<16xf32>
      %swap3A = arith.index_cast %scan3A_61 : i32 to index
      %swap3A_63 = arith.constant 0 : index
      %swap3A_64 = tpu.vector_load %arg5[%swap3A, %swap3A_63] {strides = array<i32>} : memref<128x16xf32, #tpu.memory_space<vmem>>, vector<1x16xf32>,
      %swap3A_65 = vector.shape_cast %swap3A_64 : vector<1x16xf32> to vector<16xf32>
      %swap3A_66 = vector.shape_cast %broadcast_in_dim3A_62 : vector<16xf32> to vector<1x16xf32>
      tpu.vector_store %arg5[%swap3A, %swap3A_63], %swap3A_66 {strides = array<i32>} : memref<128x16xf32, #tpu.memory_space<vmem>>, vector<1x16xf32>,
      %broadcast_in_dim3A_67 = arith.constant 0.000000e+00 : f32
      %broadcast_in_dim3A_68 = vector.broadcast %broadcast_in_dim3A_67 : f32 to vector<16xf32>
      %swap3A_69 = arith.index_cast %scan3A_61 : i32 to index
      %swap3A_70 = arith.constant 0 : index
      %swap3A_71 = tpu.vector_load %arg6[%swap3A_69, %swap3A_70] {strides = array<i32>} : memref<128x16xf32, #tpu.memory_space<vmem>>, vector<1x16xf32>,
      %swap3A_72 = vector.shape_cast %swap3A_71 : vector<1x16xf32> to vector<16xf32>
      %swap3A_73 = vector.shape_cast %broadcast_in_dim3A_68 : vector<16xf32> to vector<1x16xf32>
      tpu.vector_store %arg6[%swap3A_69, %swap3A_70], %swap3A_73 {strides = array<i32>} : memref<128x16xf32, #tpu.memory_space<vmem>>, vector<1x16xf32>,
    }
    %scan3A_5 = arith.constant 128 : i32
    %add3A = arith.constant 0 : i32
    %add3A_6 = arith.addi %mul3A_0, %add3A : i32
    "tpu.region"() ({
      %run_scoped3A = tpu.sem_alloc : memref<!tpu.dma_semaphore, #tpu.memory_space<semaphore_mem>>
      %dma_start3A_61 = arith.constant 0 : i32
      %dma_start3A_62 = arith.constant 0 : i32
      %dma_start3A_63 = tpu.memref_slice %arg6[%dma_start3A_61, %dma_start3A_62] : memref<128x16xf32, #tpu.memory_space<vmem>> -> memref<128x16xf32, #tpu.memory_space<vmem>>
      %dma_start3A_64 = arith.constant 0 : i32
      %dma_start3A_65 = tpu.memref_slice %arg7[%add3A_6, %dma_start3A_64] : memref<10112x16xf32, #tpu.memory_space<vmem_shared>> -> memref<128x16xf32, #tpu.memory_space<vmem_shared>>
      %dma_start3A_66 = arith.constant 0 : i32
      %dma_start3A_67 = tpu.memref_slice %arg7[%add3A_6, %dma_start3A_66] : memref<10112x16xf32, #tpu.memory_space<vmem_shared>> -> memref<128x16xf32, #tpu.memory_space<vmem_shared>>
      %dma_start3A_68 = arith.constant 0 : i32
      %dma_start3A_69 = arith.constant 0 : i32
      %dma_start3A_70 = tpu.memref_slice %arg6[%dma_start3A_68, %dma_start3A_69] : memref<128x16xf32, #tpu.memory_space<vmem>> -> memref<128x16xf32, #tpu.memory_space<vmem>>
      tpu.enqueue_dma source(%dma_start3A_70 : memref<128x16xf32, #tpu.memory_space<vmem>>) target(%dma_start3A_67 : memref<128x16xf32, #tpu.memory_space<vmem_shared>>) target_semaphore(%run_scoped3A : memref<!tpu.dma_semaphore, #tpu.memory_space<semaphore_mem>>)
      %dma_wait3A_71 = arith.constant 0 : i32
      %dma_wait3A_72 = arith.constant 0 : i32
      %dma_wait3A_73 = tpu.memref_slice %arg6[%dma_wait3A_71, %dma_wait3A_72] : memref<128x16xf32, #tpu.memory_space<vmem>> -> memref<128x16xf32, #tpu.memory_space<vmem>>
      %dma_wait3A_74 = arith.constant 0 : i32
      %dma_wait3A_75 = tpu.memref_slice %arg7[%add3A_6, %dma_wait3A_74] : memref<10112x16xf32, #tpu.memory_space<vmem_shared>> -> memref<128x16xf32, #tpu.memory_space<vmem_shared>>
      %dma_wait3A_76 = arith.constant 0 : i32
      %dma_wait3A_77 = tpu.memref_slice %arg7[%add3A_6, %dma_wait3A_76] : memref<10112x16xf32, #tpu.memory_space<vmem_shared>> -> memref<128x16xf32, #tpu.memory_space<vmem_shared>>
      %dma_wait3A_78 = arith.constant 0 : i32
      %dma_wait3A_79 = arith.constant 0 : i32
      %dma_wait3A_80 = tpu.memref_slice %arg6[%dma_wait3A_78, %dma_wait3A_79] : memref<128x16xf32, #tpu.memory_space<vmem>> -> memref<128x16xf32, #tpu.memory_space<vmem>>
      tpu.wait_dma2 semaphore(%run_scoped3A : memref<!tpu.dma_semaphore, #tpu.memory_space<semaphore_mem>>) src(%dma_wait3A_80 : memref<128x16xf32, #tpu.memory_space<vmem>>) dst(%dma_wait3A_77 : memref<128x16xf32, #tpu.memory_space<vmem_shared>>)
      tpu.yield
    }) : () -> ()
    %add3A_7 = arith.constant 128 : i32
    %add3A_8 = arith.addi %mul3A_0, %add3A_7 : i32
    "tpu.region"() ({
      %run_scoped3A = tpu.sem_alloc : memref<!tpu.dma_semaphore, #tpu.memory_space<semaphore_mem>>
      %dma_start3A_61 = arith.constant 0 : i32
      %dma_start3A_62 = arith.constant 0 : i32
      %dma_start3A_63 = tpu.memref_slice %arg6[%dma_start3A_61, %dma_start3A_62] : memref<128x16xf32, #tpu.memory_space<vmem>> -> memref<128x16xf32, #tpu.memory_space<vmem>>
      %dma_start3A_64 = arith.constant 0 : i32
      %dma_start3A_65 = tpu.memref_slice %arg7[%add3A_8, %dma_start3A_64] : memref<10112x16xf32, #tpu.memory_space<vmem_shared>> -> memref<128x16xf32, #tpu.memory_space<vmem_shared>>
      %dma_start3A_66 = arith.constant 0 : i32
      %dma_start3A_67 = tpu.memref_slice %arg7[%add3A_8, %dma_start3A_66] : memref<10112x16xf32, #tpu.memory_space<vmem_shared>> -> memref<128x16xf32, #tpu.memory_space<vmem_shared>>
      %dma_start3A_68 = arith.constant 0 : i32
      %dma_start3A_69 = arith.constant 0 : i32
      %dma_start3A_70 = tpu.memref_slice %arg6[%dma_start3A_68, %dma_start3A_69] : memref<128x16xf32, #tpu.memory_space<vmem>> -> memref<128x16xf32, #tpu.memory_space<vmem>>
      tpu.enqueue_dma source(%dma_start3A_70 : memref<128x16xf32, #tpu.memory_space<vmem>>) target(%dma_start3A_67 : memref<128x16xf32, #tpu.memory_space<vmem_shared>>) target_semaphore(%run_scoped3A : memref<!tpu.dma_semaphore, #tpu.memory_space<semaphore_mem>>)
      %dma_wait3A_71 = arith.constant 0 : i32
      %dma_wait3A_72 = arith.constant 0 : i32
      %dma_wait3A_73 = tpu.memref_slice %arg6[%dma_wait3A_71, %dma_wait3A_72] : memref<128x16xf32, #tpu.memory_space<vmem>> -> memref<128x16xf32, #tpu.memory_space<vmem>>
      %dma_wait3A_74 = arith.constant 0 : i32
      %dma_wait3A_75 = tpu.memref_slice %arg7[%add3A_8, %dma_wait3A_74] : memref<10112x16xf32, #tpu.memory_space<vmem_shared>> -> memref<128x16xf32, #tpu.memory_space<vmem_shared>>
      %dma_wait3A_76 = arith.constant 0 : i32
      %dma_wait3A_77 = tpu.memref_slice %arg7[%add3A_8, %dma_wait3A_76] : memref<10112x16xf32, #tpu.memory_space<vmem_shared>> -> memref<128x16xf32, #tpu.memory_space<vmem_shared>>
      %dma_wait3A_78 = arith.constant 0 : i32
      %dma_wait3A_79 = arith.constant 0 : i32
      %dma_wait3A_80 = tpu.memref_slice %arg6[%dma_wait3A_78, %dma_wait3A_79] : memref<128x16xf32, #tpu.memory_space<vmem>> -> memref<128x16xf32, #tpu.memory_space<vmem>>
      tpu.wait_dma2 semaphore(%run_scoped3A : memref<!tpu.dma_semaphore, #tpu.memory_space<semaphore_mem>>) src(%dma_wait3A_80 : memref<128x16xf32, #tpu.memory_space<vmem>>) dst(%dma_wait3A_77 : memref<128x16xf32, #tpu.memory_space<vmem_shared>>)
      tpu.yield
    }) : () -> ()
    %add3A_9 = arith.constant 256 : i32
    %add3A_10 = arith.addi %mul3A_0, %add3A_9 : i32
    "tpu.region"() ({
      %run_scoped3A = tpu.sem_alloc : memref<!tpu.dma_semaphore, #tpu.memory_space<semaphore_mem>>
      %dma_start3A_61 = arith.constant 0 : i32
      %dma_start3A_62 = arith.constant 0 : i32
      %dma_start3A_63 = tpu.memref_slice %arg6[%dma_start3A_61, %dma_start3A_62] : memref<128x16xf32, #tpu.memory_space<vmem>> -> memref<128x16xf32, #tpu.memory_space<vmem>>
      %dma_start3A_64 = arith.constant 0 : i32
      %dma_start3A_65 = tpu.memref_slice %arg7[%add3A_10, %dma_start3A_64] : memref<10112x16xf32, #tpu.memory_space<vmem_shared>> -> memref<128x16xf32, #tpu.memory_space<vmem_shared>>
      %dma_start3A_66 = arith.constant 0 : i32
      %dma_start3A_67 = tpu.memref_slice %arg7[%add3A_10, %dma_start3A_66] : memref<10112x16xf32, #tpu.memory_space<vmem_shared>> -> memref<128x16xf32, #tpu.memory_space<vmem_shared>>
      %dma_start3A_68 = arith.constant 0 : i32
      %dma_start3A_69 = arith.constant 0 : i32
      %dma_start3A_70 = tpu.memref_slice %arg6[%dma_start3A_68, %dma_start3A_69] : memref<128x16xf32, #tpu.memory_space<vmem>> -> memref<128x16xf32, #tpu.memory_space<vmem>>
      tpu.enqueue_dma source(%dma_start3A_70 : memref<128x16xf32, #tpu.memory_space<vmem>>) target(%dma_start3A_67 : memref<128x16xf32, #tpu.memory_space<vmem_shared>>) target_semaphore(%run_scoped3A : memref<!tpu.dma_semaphore, #tpu.memory_space<semaphore_mem>>)
      %dma_wait3A_71 = arith.constant 0 : i32
      %dma_wait3A_72 = arith.constant 0 : i32
      %dma_wait3A_73 = tpu.memref_slice %arg6[%dma_wait3A_71, %dma_wait3A_72] : memref<128x16xf32, #tpu.memory_space<vmem>> -> memref<128x16xf32, #tpu.memory_space<vmem>>
      %dma_wait3A_74 = arith.constant 0 : i32
      %dma_wait3A_75 = tpu.memref_slice %arg7[%add3A_10, %dma_wait3A_74] : memref<10112x16xf32, #tpu.memory_space<vmem_shared>> -> memref<128x16xf32, #tpu.memory_space<vmem_shared>>
      %dma_wait3A_76 = arith.constant 0 : i32
      %dma_wait3A_77 = tpu.memref_slice %arg7[%add3A_10, %dma_wait3A_76] : memref<10112x16xf32, #tpu.memory_space<vmem_shared>> -> memref<128x16xf32, #tpu.memory_space<vmem_shared>>
      %dma_wait3A_78 = arith.constant 0 : i32
      %dma_wait3A_79 = arith.constant 0 : i32
      %dma_wait3A_80 = tpu.memref_slice %arg6[%dma_wait3A_78, %dma_wait3A_79] : memref<128x16xf32, #tpu.memory_space<vmem>> -> memref<128x16xf32, #tpu.memory_space<vmem>>
      tpu.wait_dma2 semaphore(%run_scoped3A : memref<!tpu.dma_semaphore, #tpu.memory_space<semaphore_mem>>) src(%dma_wait3A_80 : memref<128x16xf32, #tpu.memory_space<vmem>>) dst(%dma_wait3A_77 : memref<128x16xf32, #tpu.memory_space<vmem_shared>>)
      tpu.yield
    }) : () -> ()
    %add3A_11 = arith.constant 384 : i32
    %add3A_12 = arith.addi %mul3A_0, %add3A_11 : i32
    "tpu.region"() ({
      %run_scoped3A = tpu.sem_alloc : memref<!tpu.dma_semaphore, #tpu.memory_space<semaphore_mem>>
      %dma_start3A_61 = arith.constant 0 : i32
      %dma_start3A_62 = arith.constant 0 : i32
      %dma_start3A_63 = tpu.memref_slice %arg6[%dma_start3A_61, %dma_start3A_62] : memref<128x16xf32, #tpu.memory_space<vmem>> -> memref<128x16xf32, #tpu.memory_space<vmem>>
      %dma_start3A_64 = arith.constant 0 : i32
      %dma_start3A_65 = tpu.memref_slice %arg7[%add3A_12, %dma_start3A_64] : memref<10112x16xf32, #tpu.memory_space<vmem_shared>> -> memref<128x16xf32, #tpu.memory_space<vmem_shared>>
      %dma_start3A_66 = arith.constant 0 : i32
      %dma_start3A_67 = tpu.memref_slice %arg7[%add3A_12, %dma_start3A_66] : memref<10112x16xf32, #tpu.memory_space<vmem_shared>> -> memref<128x16xf32, #tpu.memory_space<vmem_shared>>
      %dma_start3A_68 = arith.constant 0 : i32
      %dma_start3A_69 = arith.constant 0 : i32
      %dma_start3A_70 = tpu.memref_slice %arg6[%dma_start3A_68, %dma_start3A_69] : memref<128x16xf32, #tpu.memory_space<vmem>> -> memref<128x16xf32, #tpu.memory_space<vmem>>
      tpu.enqueue_dma source(%dma_start3A_70 : memref<128x16xf32, #tpu.memory_space<vmem>>) target(%dma_start3A_67 : memref<128x16xf32, #tpu.memory_space<vmem_shared>>) target_semaphore(%run_scoped3A : memref<!tpu.dma_semaphore, #tpu.memory_space<semaphore_mem>>)
      %dma_wait3A_71 = arith.constant 0 : i32
      %dma_wait3A_72 = arith.constant 0 : i32
      %dma_wait3A_73 = tpu.memref_slice %arg6[%dma_wait3A_71, %dma_wait3A_72] : memref<128x16xf32, #tpu.memory_space<vmem>> -> memref<128x16xf32, #tpu.memory_space<vmem>>
      %dma_wait3A_74 = arith.constant 0 : i32
      %dma_wait3A_75 = tpu.memref_slice %arg7[%add3A_12, %dma_wait3A_74] : memref<10112x16xf32, #tpu.memory_space<vmem_shared>> -> memref<128x16xf32, #tpu.memory_space<vmem_shared>>
      %dma_wait3A_76 = arith.constant 0 : i32
      %dma_wait3A_77 = tpu.memref_slice %arg7[%add3A_12, %dma_wait3A_76] : memref<10112x16xf32, #tpu.memory_space<vmem_shared>> -> memref<128x16xf32, #tpu.memory_space<vmem_shared>>
      %dma_wait3A_78 = arith.constant 0 : i32
      %dma_wait3A_79 = arith.constant 0 : i32
      %dma_wait3A_80 = tpu.memref_slice %arg6[%dma_wait3A_78, %dma_wait3A_79] : memref<128x16xf32, #tpu.memory_space<vmem>> -> memref<128x16xf32, #tpu.memory_space<vmem>>
      tpu.wait_dma2 semaphore(%run_scoped3A : memref<!tpu.dma_semaphore, #tpu.memory_space<semaphore_mem>>) src(%dma_wait3A_80 : memref<128x16xf32, #tpu.memory_space<vmem>>) dst(%dma_wait3A_77 : memref<128x16xf32, #tpu.memory_space<vmem_shared>>)
      tpu.yield
    }) : () -> ()
    %add3A_13 = arith.constant 512 : i32
    %add3A_14 = arith.addi %mul3A_0, %add3A_13 : i32
    "tpu.region"() ({
      %run_scoped3A = tpu.sem_alloc : memref<!tpu.dma_semaphore, #tpu.memory_space<semaphore_mem>>
      %dma_start3A_61 = arith.constant 0 : i32
      %dma_start3A_62 = arith.constant 0 : i32
      %dma_start3A_63 = tpu.memref_slice %arg6[%dma_start3A_61, %dma_start3A_62] : memref<128x16xf32, #tpu.memory_space<vmem>> -> memref<120x16xf32, #tpu.memory_space<vmem>>
      %dma_start3A_64 = arith.constant 0 : i32
      %dma_start3A_65 = tpu.memref_slice %arg7[%add3A_14, %dma_start3A_64] : memref<10112x16xf32, #tpu.memory_space<vmem_shared>> -> memref<120x16xf32, #tpu.memory_space<vmem_shared>>
      %dma_start3A_66 = arith.constant 0 : i32
      %dma_start3A_67 = tpu.memref_slice %arg7[%add3A_14, %dma_start3A_66] : memref<10112x16xf32, #tpu.memory_space<vmem_shared>> -> memref<120x16xf32, #tpu.memory_space<vmem_shared>>
      %dma_start3A_68 = arith.constant 0 : i32
      %dma_start3A_69 = arith.constant 0 : i32
      %dma_start3A_70 = tpu.memref_slice %arg6[%dma_start3A_68, %dma_start3A_69] : memref<128x16xf32, #tpu.memory_space<vmem>> -> memref<120x16xf32, #tpu.memory_space<vmem>>
      tpu.enqueue_dma source(%dma_start3A_70 : memref<120x16xf32, #tpu.memory_space<vmem>>) target(%dma_start3A_67 : memref<120x16xf32, #tpu.memory_space<vmem_shared>>) target_semaphore(%run_scoped3A : memref<!tpu.dma_semaphore, #tpu.memory_space<semaphore_mem>>)
      %dma_wait3A_71 = arith.constant 0 : i32
      %dma_wait3A_72 = arith.constant 0 : i32
      %dma_wait3A_73 = tpu.memref_slice %arg6[%dma_wait3A_71, %dma_wait3A_72] : memref<128x16xf32, #tpu.memory_space<vmem>> -> memref<120x16xf32, #tpu.memory_space<vmem>>
      %dma_wait3A_74 = arith.constant 0 : i32
      %dma_wait3A_75 = tpu.memref_slice %arg7[%add3A_14, %dma_wait3A_74] : memref<10112x16xf32, #tpu.memory_space<vmem_shared>> -> memref<120x16xf32, #tpu.memory_space<vmem_shared>>
      %dma_wait3A_76 = arith.constant 0 : i32
      %dma_wait3A_77 = tpu.memref_slice %arg7[%add3A_14, %dma_wait3A_76] : memref<10112x16xf32, #tpu.memory_space<vmem_shared>> -> memref<120x16xf32, #tpu.memory_space<vmem_shared>>
      %dma_wait3A_78 = arith.constant 0 : i32
      %dma_wait3A_79 = arith.constant 0 : i32
      %dma_wait3A_80 = tpu.memref_slice %arg6[%dma_wait3A_78, %dma_wait3A_79] : memref<128x16xf32, #tpu.memory_space<vmem>> -> memref<120x16xf32, #tpu.memory_space<vmem>>
      tpu.wait_dma2 semaphore(%run_scoped3A : memref<!tpu.dma_semaphore, #tpu.memory_space<semaphore_mem>>) src(%dma_wait3A_80 : memref<120x16xf32, #tpu.memory_space<vmem>>) dst(%dma_wait3A_77 : memref<120x16xf32, #tpu.memory_space<vmem_shared>>)
      tpu.yield
    }) : () -> ()
    %mul3A_15 = arith.constant 20000 : i32
    %mul3A_16 = arith.muli %arg1, %mul3A_15 : i32
    %mul3A_17 = arith.constant 10000 : i32
    %mul3A_18 = arith.muli %arg0, %mul3A_17 : i32
    %add3A_19 = arith.addi %mul3A_16, %mul3A_18 : i32
    "tpu.region"() ({
      %run_scoped3A = tpu.sem_alloc : memref<!tpu.dma_semaphore, #tpu.memory_space<semaphore_mem>>
      %dma_start3A_61 = tpu.memref_slice %arg2[%add3A_19] : memref<320000xi32, #tpu.memory_space<hbm>> -> memref<10000xi32, #tpu.memory_space<hbm>>
      %dma_start3A_62 = tpu.memref_slice %arg2[%add3A_19] : memref<320000xi32, #tpu.memory_space<hbm>> -> memref<10000xi32, #tpu.memory_space<hbm>>
      tpu.enqueue_dma source(%dma_start3A_62 : memref<10000xi32, #tpu.memory_space<hbm>>) target(%arg4 : memref<10000xi32, #tpu.memory_space<vmem>>) target_semaphore(%run_scoped3A : memref<!tpu.dma_semaphore, #tpu.memory_space<semaphore_mem>>)
      %dma_wait3A_63 = tpu.memref_slice %arg2[%add3A_19] : memref<320000xi32, #tpu.memory_space<hbm>> -> memref<10000xi32, #tpu.memory_space<hbm>>
      %dma_wait3A_64 = tpu.memref_slice %arg2[%add3A_19] : memref<320000xi32, #tpu.memory_space<hbm>> -> memref<10000xi32, #tpu.memory_space<hbm>>
      tpu.wait_dma2 semaphore(%run_scoped3A : memref<!tpu.dma_semaphore, #tpu.memory_space<semaphore_mem>>) src(%dma_wait3A_64 : memref<10000xi32, #tpu.memory_space<hbm>>) dst(%arg4 : memref<10000xi32, #tpu.memory_space<vmem>>)
      tpu.yield
    }) : () -> ()
    %barrier3A = arith.constant 0 : index
    tpu.barrier barrier_id(%barrier3A)
    %scan3A_20 = arith.constant 0 : i32
    %scan3A_21 = arith.constant 0 : i32
    %scan3A_22 = arith.constant 78 : i32
    %scan3A_23 = arith.addi %scan3A_21, %scan3A_22 : i32
    %scan3A_24 = arith.constant 1 : i32
    scf.for %scan3A_61 = %scan3A_21 to %scan3A_23 step %scan3A_24  : i32 {
      %mul3A_62 = arith.constant 128 : i32
      %mul3A_63 = arith.muli %scan3A_61, %mul3A_62 : i32
      %dma_start3A_64 = tpu.memref_slice %arg4[%mul3A_63] : memref<10000xi32, #tpu.memory_space<vmem>> -> memref<128xi32, #tpu.memory_space<vmem>>
      %dma_start3A_65 = arith.constant 0 : i32
      %dma_start3A_66 = arith.constant 0 : i32
      %dma_start3A_67 = tpu.memref_slice %arg7[%dma_start3A_65, %dma_start3A_66] : memref<10112x16xf32, #tpu.memory_space<vmem_shared>> -> memref<10112x16xf32, #tpu.memory_space<vmem_shared>>
      tpu.enqueue_indirect_dma source(%arg5 : memref<128x16xf32, #tpu.memory_space<vmem>>) target(%dma_start3A_67 : memref<10112x16xf32, #tpu.memory_space<vmem_shared>>) offsets(%dma_start3A_64 : memref<128xi32, #tpu.memory_space<vmem>>) semaphore(%arg8 : memref<!tpu.dma_semaphore, #tpu.memory_space<semaphore_mem>>) {add = true}
      %ge3A = arith.constant 4 : i32
      %ge3A_68 = arith.cmpi sge, %scan3A_61, %ge3A : i32
      %convert_element_type3A = arith.extui %ge3A_68 : i1 to i32
      %cond3A = arith.constant 0 : i32
      %cond3A_69 = arith.cmpi ne, %convert_element_type3A, %cond3A : i32
      scf.if %cond3A_69 {
        %dma_wait3A_70 = arith.constant 0 : i32
        %dma_wait3A_71 = tpu.memref_slice %arg4[%dma_wait3A_70] : memref<10000xi32, #tpu.memory_space<vmem>> -> memref<128xi32, #tpu.memory_space<vmem>>
        %dma_wait3A_72 = arith.constant 0 : i32
        %dma_wait3A_73 = arith.constant 0 : i32
        %dma_wait3A_74 = tpu.memref_slice %arg7[%dma_wait3A_72, %dma_wait3A_73] : memref<10112x16xf32, #tpu.memory_space<vmem_shared>> -> memref<10112x16xf32, #tpu.memory_space<vmem_shared>>
        tpu.wait_indirect_dma semaphore(%arg8 : memref<!tpu.dma_semaphore, #tpu.memory_space<semaphore_mem>>) src(%arg5 : memref<128x16xf32, #tpu.memory_space<vmem>>) dst(%dma_wait3A_74 : memref<10112x16xf32, #tpu.memory_space<vmem_shared>>)
      } else {
      }
    }
    %scan3A_25 = arith.constant 78 : i32
    %dma_wait3A = arith.constant 0 : i32
    %dma_wait3A_26 = tpu.memref_slice %arg4[%dma_wait3A] : memref<10000xi32, #tpu.memory_space<vmem>> -> memref<128xi32, #tpu.memory_space<vmem>>
    %dma_wait3A_27 = arith.constant 0 : i32
    %dma_wait3A_28 = arith.constant 0 : i32
    %dma_wait3A_29 = tpu.memref_slice %arg7[%dma_wait3A_27, %dma_wait3A_28] : memref<10112x16xf32, #tpu.memory_space<vmem_shared>> -> memref<10112x16xf32, #tpu.memory_space<vmem_shared>>
    tpu.wait_indirect_dma semaphore(%arg8 : memref<!tpu.dma_semaphore, #tpu.memory_space<semaphore_mem>>) src(%arg5 : memref<128x16xf32, #tpu.memory_space<vmem>>) dst(%dma_wait3A_29 : memref<10112x16xf32, #tpu.memory_space<vmem_shared>>)
    %dma_wait3A_30 = arith.constant 0 : i32
    %dma_wait3A_31 = tpu.memref_slice %arg4[%dma_wait3A_30] : memref<10000xi32, #tpu.memory_space<vmem>> -> memref<128xi32, #tpu.memory_space<vmem>>
    %dma_wait3A_32 = arith.constant 0 : i32
    %dma_wait3A_33 = arith.constant 0 : i32
    %dma_wait3A_34 = tpu.memref_slice %arg7[%dma_wait3A_32, %dma_wait3A_33] : memref<10112x16xf32, #tpu.memory_space<vmem_shared>> -> memref<10112x16xf32, #tpu.memory_space<vmem_shared>>
    tpu.wait_indirect_dma semaphore(%arg8 : memref<!tpu.dma_semaphore, #tpu.memory_space<semaphore_mem>>) src(%arg5 : memref<128x16xf32, #tpu.memory_space<vmem>>) dst(%dma_wait3A_34 : memref<10112x16xf32, #tpu.memory_space<vmem_shared>>)
    %dma_wait3A_35 = arith.constant 0 : i32
    %dma_wait3A_36 = tpu.memref_slice %arg4[%dma_wait3A_35] : memref<10000xi32, #tpu.memory_space<vmem>> -> memref<128xi32, #tpu.memory_space<vmem>>
    %dma_wait3A_37 = arith.constant 0 : i32
    %dma_wait3A_38 = arith.constant 0 : i32
    %dma_wait3A_39 = tpu.memref_slice %arg7[%dma_wait3A_37, %dma_wait3A_38] : memref<10112x16xf32, #tpu.memory_space<vmem_shared>> -> memref<10112x16xf32, #tpu.memory_space<vmem_shared>>
    tpu.wait_indirect_dma semaphore(%arg8 : memref<!tpu.dma_semaphore, #tpu.memory_space<semaphore_mem>>) src(%arg5 : memref<128x16xf32, #tpu.memory_space<vmem>>) dst(%dma_wait3A_39 : memref<10112x16xf32, #tpu.memory_space<vmem_shared>>)
    %dma_wait3A_40 = arith.constant 0 : i32
    %dma_wait3A_41 = tpu.memref_slice %arg4[%dma_wait3A_40] : memref<10000xi32, #tpu.memory_space<vmem>> -> memref<128xi32, #tpu.memory_space<vmem>>
    %dma_wait3A_42 = arith.constant 0 : i32
    %dma_wait3A_43 = arith.constant 0 : i32
    %dma_wait3A_44 = tpu.memref_slice %arg7[%dma_wait3A_42, %dma_wait3A_43] : memref<10112x16xf32, #tpu.memory_space<vmem_shared>> -> memref<10112x16xf32, #tpu.memory_space<vmem_shared>>
    tpu.wait_indirect_dma semaphore(%arg8 : memref<!tpu.dma_semaphore, #tpu.memory_space<semaphore_mem>>) src(%arg5 : memref<128x16xf32, #tpu.memory_space<vmem>>) dst(%dma_wait3A_44 : memref<10112x16xf32, #tpu.memory_space<vmem_shared>>)
    %dma_start3A = arith.constant 0 : i32
    %dma_start3A_45 = arith.constant 0 : i32
    %dma_start3A_46 = tpu.memref_slice %arg5[%dma_start3A, %dma_start3A_45] : memref<128x16xf32, #tpu.memory_space<vmem>> -> memref<16x16xf32, #tpu.memory_space<vmem>>
    %dma_start3A_47 = arith.constant 9984 : i32
    %dma_start3A_48 = tpu.memref_slice %arg4[%dma_start3A_47] : memref<10000xi32, #tpu.memory_space<vmem>> -> memref<16xi32, #tpu.memory_space<vmem>>
    %dma_start3A_49 = arith.constant 0 : i32
    %dma_start3A_50 = arith.constant 0 : i32
    %dma_start3A_51 = tpu.memref_slice %arg7[%dma_start3A_49, %dma_start3A_50] : memref<10112x16xf32, #tpu.memory_space<vmem_shared>> -> memref<10112x16xf32, #tpu.memory_space<vmem_shared>>
    tpu.enqueue_indirect_dma source(%dma_start3A_46 : memref<16x16xf32, #tpu.memory_space<vmem>>) target(%dma_start3A_51 : memref<10112x16xf32, #tpu.memory_space<vmem_shared>>) offsets(%dma_start3A_48 : memref<16xi32, #tpu.memory_space<vmem>>) semaphore(%arg8 : memref<!tpu.dma_semaphore, #tpu.memory_space<semaphore_mem>>) {add = true}
    %dma_wait3A_52 = arith.constant 0 : i32
    %dma_wait3A_53 = arith.constant 0 : i32
    %dma_wait3A_54 = tpu.memref_slice %arg5[%dma_wait3A_52, %dma_wait3A_53] : memref<128x16xf32, #tpu.memory_space<vmem>> -> memref<16x16xf32, #tpu.memory_space<vmem>>
    %dma_wait3A_55 = arith.constant 9984 : i32
    %dma_wait3A_56 = tpu.memref_slice %arg4[%dma_wait3A_55] : memref<10000xi32, #tpu.memory_space<vmem>> -> memref<16xi32, #tpu.memory_space<vmem>>
    %dma_wait3A_57 = arith.constant 0 : i32
    %dma_wait3A_58 = arith.constant 0 : i32
    %dma_wait3A_59 = tpu.memref_slice %arg7[%dma_wait3A_57, %dma_wait3A_58] : memref<10112x16xf32, #tpu.memory_space<vmem_shared>> -> memref<10112x16xf32, #tpu.memory_space<vmem_shared>>
    tpu.wait_indirect_dma semaphore(%arg8 : memref<!tpu.dma_semaphore, #tpu.memory_space<semaphore_mem>>) src(%dma_wait3A_54 : memref<16x16xf32, #tpu.memory_space<vmem>>) dst(%dma_wait3A_59 : memref<10112x16xf32, #tpu.memory_space<vmem_shared>>)
    %barrier3A_60 = arith.constant 0 : index
    tpu.barrier barrier_id(%barrier3A_60)
    "tpu.region"() ({
      %run_scoped3A = tpu.sem_alloc : memref<!tpu.dma_semaphore, #tpu.memory_space<semaphore_mem>>
      %dma_start3A_61 = arith.constant 0 : i32
      %dma_start3A_62 = tpu.memref_slice %arg3[%arg0, %mul3A_0, %dma_start3A_61] : memref<2x10112x16xf32, #tpu.memory_space<hbm>> -> memref<1x632x16xf32, #tpu.memory_space<hbm>>
      %dma_start3A_63 = tpu.memref_squeeze %dma_start3A_62 : memref<1x632x16xf32, #tpu.memory_space<hbm>> -> memref<632x16xf32, #tpu.memory_space<hbm>>
      %dma_start3A_64 = arith.constant 0 : i32
      %dma_start3A_65 = tpu.memref_slice %arg7[%mul3A_0, %dma_start3A_64] : memref<10112x16xf32, #tpu.memory_space<vmem_shared>> -> memref<632x16xf32, #tpu.memory_space<vmem_shared>>
      tpu.enqueue_dma source(%dma_start3A_65 : memref<632x16xf32, #tpu.memory_space<vmem_shared>>) target(%dma_start3A_63 : memref<632x16xf32, #tpu.memory_space<hbm>>) target_semaphore(%run_scoped3A : memref<!tpu.dma_semaphore, #tpu.memory_space<semaphore_mem>>)
      %dma_wait3A_66 = arith.constant 0 : i32
      %dma_wait3A_67 = tpu.memref_slice %arg3[%arg0, %mul3A_0, %dma_wait3A_66] : memref<2x10112x16xf32, #tpu.memory_space<hbm>> -> memref<1x632x16xf32, #tpu.memory_space<hbm>>
      %dma_wait3A_68 = tpu.memref_squeeze %dma_wait3A_67 : memref<1x632x16xf32, #tpu.memory_space<hbm>> -> memref<632x16xf32, #tpu.memory_space<hbm>>
      %dma_wait3A_69 = arith.constant 0 : i32
      %dma_wait3A_70 = tpu.memref_slice %arg7[%mul3A_0, %dma_wait3A_69] : memref<10112x16xf32, #tpu.memory_space<vmem_shared>> -> memref<632x16xf32, #tpu.memory_space<vmem_shared>>
      tpu.wait_dma2 semaphore(%run_scoped3A : memref<!tpu.dma_semaphore, #tpu.memory_space<semaphore_mem>>) src(%dma_wait3A_70 : memref<632x16xf32, #tpu.memory_space<vmem_shared>>) dst(%dma_wait3A_68 : memref<632x16xf32, #tpu.memory_space<hbm>>)
      tpu.yield
    }) : () -> ()
    return
  }
}

#map = affine_map<(d0, d1) -> (0, 0, 0)>
#map1 = affine_map<(d0, d1) -> (0)>
#map2 = affine_map<(d0, d1) -> (0, 0)>
module attributes {stable_mosaic.version = 14 : i64} {
  func.func @seg_sum(%arg0: i32, %arg1: i32, %arg2: memref<2x10000x64xf32, #tpu.memory_space<hbm>>, %arg3: memref<320000xi32, #tpu.memory_space<hbm>>, %arg4: memref<320000xi32, #tpu.memory_space<hbm>>, %arg5: memref<10112x128xf32, #tpu.memory_space<hbm>>, %arg6: memref<20000xi32, #tpu.memory_space<vmem>>, %arg7: memref<20000xi32, #tpu.memory_space<vmem>>, %arg8: memref<128x64xf32, #tpu.memory_space<vmem>>, %arg9: memref<128x64xf32, #tpu.memory_space<vmem>>, %arg10: memref<128x64xf32, #tpu.memory_space<vmem>>, %arg11: memref<128x64xf32, #tpu.memory_space<vmem>>, %arg12: memref<128x64xf32, #tpu.memory_space<vmem>>, %arg13: memref<10112x64xf32, #tpu.memory_space<vmem_shared>>, %arg14: memref<!tpu.dma_semaphore, #tpu.memory_space<semaphore_mem>>, %arg15: memref<!tpu.dma_semaphore, #tpu.memory_space<semaphore_mem>>, %arg16: memref<!tpu.dma_semaphore, #tpu.memory_space<semaphore_mem>>, %arg17: memref<!tpu.dma_semaphore, #tpu.memory_space<semaphore_mem>>, %arg18: memref<!tpu.dma_semaphore, #tpu.memory_space<semaphore_mem>>, %arg19: memref<!tpu.dma_semaphore, #tpu.memory_space<semaphore_mem>>, %arg20: memref<!tpu.dma_semaphore, #tpu.memory_space<semaphore_mem>>, %arg21: memref<!tpu.dma_semaphore, #tpu.memory_space<semaphore_mem>>) attributes {dimension_semantics = [#tpu.dimension_semantics<core_parallel>, #tpu.dimension_semantics<subcore_parallel>], iteration_bounds = array<i64: 2, 16>, scalar_prefetch = 0 : i64, scratch_operands = 16 : i64, tpu.core_type = #tpu.core_type<sc_vector_subcore>, window_params = [{transform_indices = #map}, {transform_indices = #map1}, {transform_indices = #map1}, {transform_indices = #map2}]} {
    %mul3A = arith.constant 632 : i32
    %mul3A_0 = arith.muli %arg1, %mul3A : i32
    %scan3A = arith.constant 0 : i32
    %scan3A_1 = arith.constant 0 : i32
    %scan3A_2 = arith.constant 128 : i32
    %scan3A_3 = arith.addi %scan3A_1, %scan3A_2 : i32
    %scan3A_4 = arith.constant 1 : i32
    scf.for %scan3A_94 = %scan3A_1 to %scan3A_3 step %scan3A_4  : i32 {
      %broadcast_in_dim3A = arith.constant 0.000000e+00 : f32
      %broadcast_in_dim3A_95 = vector.broadcast %broadcast_in_dim3A : f32 to vector<16xf32>
      %swap3A = arith.index_cast %scan3A_94 : i32 to index
      %swap3A_96 = arith.constant 0 : index
      %swap3A_97 = tpu.vector_load %arg12[%swap3A, %swap3A_96] {strides = array<i32>} : memref<128x64xf32, #tpu.memory_space<vmem>>, vector<1x16xf32>,
      %swap3A_98 = vector.shape_cast %swap3A_97 : vector<1x16xf32> to vector<16xf32>
      %swap3A_99 = vector.shape_cast %broadcast_in_dim3A_95 : vector<16xf32> to vector<1x16xf32>
      tpu.vector_store %arg12[%swap3A, %swap3A_96], %swap3A_99 {strides = array<i32>} : memref<128x64xf32, #tpu.memory_space<vmem>>, vector<1x16xf32>,
      %broadcast_in_dim3A_100 = arith.constant 0.000000e+00 : f32
      %broadcast_in_dim3A_101 = vector.broadcast %broadcast_in_dim3A_100 : f32 to vector<16xf32>
      %swap3A_102 = arith.index_cast %scan3A_94 : i32 to index
      %swap3A_103 = arith.constant 16 : index
      %swap3A_104 = tpu.vector_load %arg12[%swap3A_102, %swap3A_103] {strides = array<i32>} : memref<128x64xf32, #tpu.memory_space<vmem>>, vector<1x16xf32>,
      %swap3A_105 = vector.shape_cast %swap3A_104 : vector<1x16xf32> to vector<16xf32>
      %swap3A_106 = vector.shape_cast %broadcast_in_dim3A_101 : vector<16xf32> to vector<1x16xf32>
      tpu.vector_store %arg12[%swap3A_102, %swap3A_103], %swap3A_106 {strides = array<i32>} : memref<128x64xf32, #tpu.memory_space<vmem>>, vector<1x16xf32>,
      %broadcast_in_dim3A_107 = arith.constant 0.000000e+00 : f32
      %broadcast_in_dim3A_108 = vector.broadcast %broadcast_in_dim3A_107 : f32 to vector<16xf32>
      %swap3A_109 = arith.index_cast %scan3A_94 : i32 to index
      %swap3A_110 = arith.constant 32 : index
      %swap3A_111 = tpu.vector_load %arg12[%swap3A_109, %swap3A_110] {strides = array<i32>} : memref<128x64xf32, #tpu.memory_space<vmem>>, vector<1x16xf32>,
      %swap3A_112 = vector.shape_cast %swap3A_111 : vector<1x16xf32> to vector<16xf32>
      %swap3A_113 = vector.shape_cast %broadcast_in_dim3A_108 : vector<16xf32> to vector<1x16xf32>
      tpu.vector_store %arg12[%swap3A_109, %swap3A_110], %swap3A_113 {strides = array<i32>} : memref<128x64xf32, #tpu.memory_space<vmem>>, vector<1x16xf32>,
      %broadcast_in_dim3A_114 = arith.constant 0.000000e+00 : f32
      %broadcast_in_dim3A_115 = vector.broadcast %broadcast_in_dim3A_114 : f32 to vector<16xf32>
      %swap3A_116 = arith.index_cast %scan3A_94 : i32 to index
      %swap3A_117 = arith.constant 48 : index
      %swap3A_118 = tpu.vector_load %arg12[%swap3A_116, %swap3A_117] {strides = array<i32>} : memref<128x64xf32, #tpu.memory_space<vmem>>, vector<1x16xf32>,
      %swap3A_119 = vector.shape_cast %swap3A_118 : vector<1x16xf32> to vector<16xf32>
      %swap3A_120 = vector.shape_cast %broadcast_in_dim3A_115 : vector<16xf32> to vector<1x16xf32>
      tpu.vector_store %arg12[%swap3A_116, %swap3A_117], %swap3A_120 {strides = array<i32>} : memref<128x64xf32, #tpu.memory_space<vmem>>, vector<1x16xf32>,
    }
    %scan3A_5 = arith.constant 128 : i32
    %add3A = arith.constant 0 : i32
    %add3A_6 = arith.addi %mul3A_0, %add3A : i32
    "tpu.region"() ({
      %run_scoped3A = tpu.sem_alloc : memref<!tpu.dma_semaphore, #tpu.memory_space<semaphore_mem>>
      %dma_start3A_94 = arith.constant 0 : i32
      %dma_start3A_95 = arith.constant 0 : i32
      %dma_start3A_96 = tpu.memref_slice %arg12[%dma_start3A_94, %dma_start3A_95] : memref<128x64xf32, #tpu.memory_space<vmem>> -> memref<128x64xf32, #tpu.memory_space<vmem>>
      %dma_start3A_97 = arith.constant 0 : i32
      %dma_start3A_98 = tpu.memref_slice %arg13[%add3A_6, %dma_start3A_97] : memref<10112x64xf32, #tpu.memory_space<vmem_shared>> -> memref<128x64xf32, #tpu.memory_space<vmem_shared>>
      %dma_start3A_99 = arith.constant 0 : i32
      %dma_start3A_100 = tpu.memref_slice %arg13[%add3A_6, %dma_start3A_99] : memref<10112x64xf32, #tpu.memory_space<vmem_shared>> -> memref<128x64xf32, #tpu.memory_space<vmem_shared>>
      %dma_start3A_101 = arith.constant 0 : i32
      %dma_start3A_102 = arith.constant 0 : i32
      %dma_start3A_103 = tpu.memref_slice %arg12[%dma_start3A_101, %dma_start3A_102] : memref<128x64xf32, #tpu.memory_space<vmem>> -> memref<128x64xf32, #tpu.memory_space<vmem>>
      tpu.enqueue_dma source(%dma_start3A_103 : memref<128x64xf32, #tpu.memory_space<vmem>>) target(%dma_start3A_100 : memref<128x64xf32, #tpu.memory_space<vmem_shared>>) target_semaphore(%run_scoped3A : memref<!tpu.dma_semaphore, #tpu.memory_space<semaphore_mem>>)
      %dma_wait3A_104 = arith.constant 0 : i32
      %dma_wait3A_105 = arith.constant 0 : i32
      %dma_wait3A_106 = tpu.memref_slice %arg12[%dma_wait3A_104, %dma_wait3A_105] : memref<128x64xf32, #tpu.memory_space<vmem>> -> memref<128x64xf32, #tpu.memory_space<vmem>>
      %dma_wait3A_107 = arith.constant 0 : i32
      %dma_wait3A_108 = tpu.memref_slice %arg13[%add3A_6, %dma_wait3A_107] : memref<10112x64xf32, #tpu.memory_space<vmem_shared>> -> memref<128x64xf32, #tpu.memory_space<vmem_shared>>
      %dma_wait3A_109 = arith.constant 0 : i32
      %dma_wait3A_110 = tpu.memref_slice %arg13[%add3A_6, %dma_wait3A_109] : memref<10112x64xf32, #tpu.memory_space<vmem_shared>> -> memref<128x64xf32, #tpu.memory_space<vmem_shared>>
      %dma_wait3A_111 = arith.constant 0 : i32
      %dma_wait3A_112 = arith.constant 0 : i32
      %dma_wait3A_113 = tpu.memref_slice %arg12[%dma_wait3A_111, %dma_wait3A_112] : memref<128x64xf32, #tpu.memory_space<vmem>> -> memref<128x64xf32, #tpu.memory_space<vmem>>
      tpu.wait_dma2 semaphore(%run_scoped3A : memref<!tpu.dma_semaphore, #tpu.memory_space<semaphore_mem>>) src(%dma_wait3A_113 : memref<128x64xf32, #tpu.memory_space<vmem>>) dst(%dma_wait3A_110 : memref<128x64xf32, #tpu.memory_space<vmem_shared>>)
      tpu.yield
    }) : () -> ()
    %add3A_7 = arith.constant 128 : i32
    %add3A_8 = arith.addi %mul3A_0, %add3A_7 : i32
    "tpu.region"() ({
      %run_scoped3A = tpu.sem_alloc : memref<!tpu.dma_semaphore, #tpu.memory_space<semaphore_mem>>
      %dma_start3A_94 = arith.constant 0 : i32
      %dma_start3A_95 = arith.constant 0 : i32
      %dma_start3A_96 = tpu.memref_slice %arg12[%dma_start3A_94, %dma_start3A_95] : memref<128x64xf32, #tpu.memory_space<vmem>> -> memref<128x64xf32, #tpu.memory_space<vmem>>
      %dma_start3A_97 = arith.constant 0 : i32
      %dma_start3A_98 = tpu.memref_slice %arg13[%add3A_8, %dma_start3A_97] : memref<10112x64xf32, #tpu.memory_space<vmem_shared>> -> memref<128x64xf32, #tpu.memory_space<vmem_shared>>
      %dma_start3A_99 = arith.constant 0 : i32
      %dma_start3A_100 = tpu.memref_slice %arg13[%add3A_8, %dma_start3A_99] : memref<10112x64xf32, #tpu.memory_space<vmem_shared>> -> memref<128x64xf32, #tpu.memory_space<vmem_shared>>
      %dma_start3A_101 = arith.constant 0 : i32
      %dma_start3A_102 = arith.constant 0 : i32
      %dma_start3A_103 = tpu.memref_slice %arg12[%dma_start3A_101, %dma_start3A_102] : memref<128x64xf32, #tpu.memory_space<vmem>> -> memref<128x64xf32, #tpu.memory_space<vmem>>
      tpu.enqueue_dma source(%dma_start3A_103 : memref<128x64xf32, #tpu.memory_space<vmem>>) target(%dma_start3A_100 : memref<128x64xf32, #tpu.memory_space<vmem_shared>>) target_semaphore(%run_scoped3A : memref<!tpu.dma_semaphore, #tpu.memory_space<semaphore_mem>>)
      %dma_wait3A_104 = arith.constant 0 : i32
      %dma_wait3A_105 = arith.constant 0 : i32
      %dma_wait3A_106 = tpu.memref_slice %arg12[%dma_wait3A_104, %dma_wait3A_105] : memref<128x64xf32, #tpu.memory_space<vmem>> -> memref<128x64xf32, #tpu.memory_space<vmem>>
      %dma_wait3A_107 = arith.constant 0 : i32
      %dma_wait3A_108 = tpu.memref_slice %arg13[%add3A_8, %dma_wait3A_107] : memref<10112x64xf32, #tpu.memory_space<vmem_shared>> -> memref<128x64xf32, #tpu.memory_space<vmem_shared>>
      %dma_wait3A_109 = arith.constant 0 : i32
      %dma_wait3A_110 = tpu.memref_slice %arg13[%add3A_8, %dma_wait3A_109] : memref<10112x64xf32, #tpu.memory_space<vmem_shared>> -> memref<128x64xf32, #tpu.memory_space<vmem_shared>>
      %dma_wait3A_111 = arith.constant 0 : i32
      %dma_wait3A_112 = arith.constant 0 : i32
      %dma_wait3A_113 = tpu.memref_slice %arg12[%dma_wait3A_111, %dma_wait3A_112] : memref<128x64xf32, #tpu.memory_space<vmem>> -> memref<128x64xf32, #tpu.memory_space<vmem>>
      tpu.wait_dma2 semaphore(%run_scoped3A : memref<!tpu.dma_semaphore, #tpu.memory_space<semaphore_mem>>) src(%dma_wait3A_113 : memref<128x64xf32, #tpu.memory_space<vmem>>) dst(%dma_wait3A_110 : memref<128x64xf32, #tpu.memory_space<vmem_shared>>)
      tpu.yield
    }) : () -> ()
    %add3A_9 = arith.constant 256 : i32
    %add3A_10 = arith.addi %mul3A_0, %add3A_9 : i32
    "tpu.region"() ({
      %run_scoped3A = tpu.sem_alloc : memref<!tpu.dma_semaphore, #tpu.memory_space<semaphore_mem>>
      %dma_start3A_94 = arith.constant 0 : i32
      %dma_start3A_95 = arith.constant 0 : i32
      %dma_start3A_96 = tpu.memref_slice %arg12[%dma_start3A_94, %dma_start3A_95] : memref<128x64xf32, #tpu.memory_space<vmem>> -> memref<128x64xf32, #tpu.memory_space<vmem>>
      %dma_start3A_97 = arith.constant 0 : i32
      %dma_start3A_98 = tpu.memref_slice %arg13[%add3A_10, %dma_start3A_97] : memref<10112x64xf32, #tpu.memory_space<vmem_shared>> -> memref<128x64xf32, #tpu.memory_space<vmem_shared>>
      %dma_start3A_99 = arith.constant 0 : i32
      %dma_start3A_100 = tpu.memref_slice %arg13[%add3A_10, %dma_start3A_99] : memref<10112x64xf32, #tpu.memory_space<vmem_shared>> -> memref<128x64xf32, #tpu.memory_space<vmem_shared>>
      %dma_start3A_101 = arith.constant 0 : i32
      %dma_start3A_102 = arith.constant 0 : i32
      %dma_start3A_103 = tpu.memref_slice %arg12[%dma_start3A_101, %dma_start3A_102] : memref<128x64xf32, #tpu.memory_space<vmem>> -> memref<128x64xf32, #tpu.memory_space<vmem>>
      tpu.enqueue_dma source(%dma_start3A_103 : memref<128x64xf32, #tpu.memory_space<vmem>>) target(%dma_start3A_100 : memref<128x64xf32, #tpu.memory_space<vmem_shared>>) target_semaphore(%run_scoped3A : memref<!tpu.dma_semaphore, #tpu.memory_space<semaphore_mem>>)
      %dma_wait3A_104 = arith.constant 0 : i32
      %dma_wait3A_105 = arith.constant 0 : i32
      %dma_wait3A_106 = tpu.memref_slice %arg12[%dma_wait3A_104, %dma_wait3A_105] : memref<128x64xf32, #tpu.memory_space<vmem>> -> memref<128x64xf32, #tpu.memory_space<vmem>>
      %dma_wait3A_107 = arith.constant 0 : i32
      %dma_wait3A_108 = tpu.memref_slice %arg13[%add3A_10, %dma_wait3A_107] : memref<10112x64xf32, #tpu.memory_space<vmem_shared>> -> memref<128x64xf32, #tpu.memory_space<vmem_shared>>
      %dma_wait3A_109 = arith.constant 0 : i32
      %dma_wait3A_110 = tpu.memref_slice %arg13[%add3A_10, %dma_wait3A_109] : memref<10112x64xf32, #tpu.memory_space<vmem_shared>> -> memref<128x64xf32, #tpu.memory_space<vmem_shared>>
      %dma_wait3A_111 = arith.constant 0 : i32
      %dma_wait3A_112 = arith.constant 0 : i32
      %dma_wait3A_113 = tpu.memref_slice %arg12[%dma_wait3A_111, %dma_wait3A_112] : memref<128x64xf32, #tpu.memory_space<vmem>> -> memref<128x64xf32, #tpu.memory_space<vmem>>
      tpu.wait_dma2 semaphore(%run_scoped3A : memref<!tpu.dma_semaphore, #tpu.memory_space<semaphore_mem>>) src(%dma_wait3A_113 : memref<128x64xf32, #tpu.memory_space<vmem>>) dst(%dma_wait3A_110 : memref<128x64xf32, #tpu.memory_space<vmem_shared>>)
      tpu.yield
    }) : () -> ()
    %add3A_11 = arith.constant 384 : i32
    %add3A_12 = arith.addi %mul3A_0, %add3A_11 : i32
    "tpu.region"() ({
      %run_scoped3A = tpu.sem_alloc : memref<!tpu.dma_semaphore, #tpu.memory_space<semaphore_mem>>
      %dma_start3A_94 = arith.constant 0 : i32
      %dma_start3A_95 = arith.constant 0 : i32
      %dma_start3A_96 = tpu.memref_slice %arg12[%dma_start3A_94, %dma_start3A_95] : memref<128x64xf32, #tpu.memory_space<vmem>> -> memref<128x64xf32, #tpu.memory_space<vmem>>
      %dma_start3A_97 = arith.constant 0 : i32
      %dma_start3A_98 = tpu.memref_slice %arg13[%add3A_12, %dma_start3A_97] : memref<10112x64xf32, #tpu.memory_space<vmem_shared>> -> memref<128x64xf32, #tpu.memory_space<vmem_shared>>
      %dma_start3A_99 = arith.constant 0 : i32
      %dma_start3A_100 = tpu.memref_slice %arg13[%add3A_12, %dma_start3A_99] : memref<10112x64xf32, #tpu.memory_space<vmem_shared>> -> memref<128x64xf32, #tpu.memory_space<vmem_shared>>
      %dma_start3A_101 = arith.constant 0 : i32
      %dma_start3A_102 = arith.constant 0 : i32
      %dma_start3A_103 = tpu.memref_slice %arg12[%dma_start3A_101, %dma_start3A_102] : memref<128x64xf32, #tpu.memory_space<vmem>> -> memref<128x64xf32, #tpu.memory_space<vmem>>
      tpu.enqueue_dma source(%dma_start3A_103 : memref<128x64xf32, #tpu.memory_space<vmem>>) target(%dma_start3A_100 : memref<128x64xf32, #tpu.memory_space<vmem_shared>>) target_semaphore(%run_scoped3A : memref<!tpu.dma_semaphore, #tpu.memory_space<semaphore_mem>>)
      %dma_wait3A_104 = arith.constant 0 : i32
      %dma_wait3A_105 = arith.constant 0 : i32
      %dma_wait3A_106 = tpu.memref_slice %arg12[%dma_wait3A_104, %dma_wait3A_105] : memref<128x64xf32, #tpu.memory_space<vmem>> -> memref<128x64xf32, #tpu.memory_space<vmem>>
      %dma_wait3A_107 = arith.constant 0 : i32
      %dma_wait3A_108 = tpu.memref_slice %arg13[%add3A_12, %dma_wait3A_107] : memref<10112x64xf32, #tpu.memory_space<vmem_shared>> -> memref<128x64xf32, #tpu.memory_space<vmem_shared>>
      %dma_wait3A_109 = arith.constant 0 : i32
      %dma_wait3A_110 = tpu.memref_slice %arg13[%add3A_12, %dma_wait3A_109] : memref<10112x64xf32, #tpu.memory_space<vmem_shared>> -> memref<128x64xf32, #tpu.memory_space<vmem_shared>>
      %dma_wait3A_111 = arith.constant 0 : i32
      %dma_wait3A_112 = arith.constant 0 : i32
      %dma_wait3A_113 = tpu.memref_slice %arg12[%dma_wait3A_111, %dma_wait3A_112] : memref<128x64xf32, #tpu.memory_space<vmem>> -> memref<128x64xf32, #tpu.memory_space<vmem>>
      tpu.wait_dma2 semaphore(%run_scoped3A : memref<!tpu.dma_semaphore, #tpu.memory_space<semaphore_mem>>) src(%dma_wait3A_113 : memref<128x64xf32, #tpu.memory_space<vmem>>) dst(%dma_wait3A_110 : memref<128x64xf32, #tpu.memory_space<vmem_shared>>)
      tpu.yield
    }) : () -> ()
    %add3A_13 = arith.constant 512 : i32
    %add3A_14 = arith.addi %mul3A_0, %add3A_13 : i32
    "tpu.region"() ({
      %run_scoped3A = tpu.sem_alloc : memref<!tpu.dma_semaphore, #tpu.memory_space<semaphore_mem>>
      %dma_start3A_94 = arith.constant 0 : i32
      %dma_start3A_95 = arith.constant 0 : i32
      %dma_start3A_96 = tpu.memref_slice %arg12[%dma_start3A_94, %dma_start3A_95] : memref<128x64xf32, #tpu.memory_space<vmem>> -> memref<120x64xf32, #tpu.memory_space<vmem>>
      %dma_start3A_97 = arith.constant 0 : i32
      %dma_start3A_98 = tpu.memref_slice %arg13[%add3A_14, %dma_start3A_97] : memref<10112x64xf32, #tpu.memory_space<vmem_shared>> -> memref<120x64xf32, #tpu.memory_space<vmem_shared>>
      %dma_start3A_99 = arith.constant 0 : i32
      %dma_start3A_100 = tpu.memref_slice %arg13[%add3A_14, %dma_start3A_99] : memref<10112x64xf32, #tpu.memory_space<vmem_shared>> -> memref<120x64xf32, #tpu.memory_space<vmem_shared>>
      %dma_start3A_101 = arith.constant 0 : i32
      %dma_start3A_102 = arith.constant 0 : i32
      %dma_start3A_103 = tpu.memref_slice %arg12[%dma_start3A_101, %dma_start3A_102] : memref<128x64xf32, #tpu.memory_space<vmem>> -> memref<120x64xf32, #tpu.memory_space<vmem>>
      tpu.enqueue_dma source(%dma_start3A_103 : memref<120x64xf32, #tpu.memory_space<vmem>>) target(%dma_start3A_100 : memref<120x64xf32, #tpu.memory_space<vmem_shared>>) target_semaphore(%run_scoped3A : memref<!tpu.dma_semaphore, #tpu.memory_space<semaphore_mem>>)
      %dma_wait3A_104 = arith.constant 0 : i32
      %dma_wait3A_105 = arith.constant 0 : i32
      %dma_wait3A_106 = tpu.memref_slice %arg12[%dma_wait3A_104, %dma_wait3A_105] : memref<128x64xf32, #tpu.memory_space<vmem>> -> memref<120x64xf32, #tpu.memory_space<vmem>>
      %dma_wait3A_107 = arith.constant 0 : i32
      %dma_wait3A_108 = tpu.memref_slice %arg13[%add3A_14, %dma_wait3A_107] : memref<10112x64xf32, #tpu.memory_space<vmem_shared>> -> memref<120x64xf32, #tpu.memory_space<vmem_shared>>
      %dma_wait3A_109 = arith.constant 0 : i32
      %dma_wait3A_110 = tpu.memref_slice %arg13[%add3A_14, %dma_wait3A_109] : memref<10112x64xf32, #tpu.memory_space<vmem_shared>> -> memref<120x64xf32, #tpu.memory_space<vmem_shared>>
      %dma_wait3A_111 = arith.constant 0 : i32
      %dma_wait3A_112 = arith.constant 0 : i32
      %dma_wait3A_113 = tpu.memref_slice %arg12[%dma_wait3A_111, %dma_wait3A_112] : memref<128x64xf32, #tpu.memory_space<vmem>> -> memref<120x64xf32, #tpu.memory_space<vmem>>
      tpu.wait_dma2 semaphore(%run_scoped3A : memref<!tpu.dma_semaphore, #tpu.memory_space<semaphore_mem>>) src(%dma_wait3A_113 : memref<120x64xf32, #tpu.memory_space<vmem>>) dst(%dma_wait3A_110 : memref<120x64xf32, #tpu.memory_space<vmem_shared>>)
      tpu.yield
    }) : () -> ()
    %mul3A_15 = arith.constant 20000 : i32
    %mul3A_16 = arith.muli %arg1, %mul3A_15 : i32
    "tpu.region"() ({
      %run_scoped3A = tpu.sem_alloc : memref<!tpu.dma_semaphore, #tpu.memory_space<semaphore_mem>>
      %dma_start3A_94 = tpu.memref_slice %arg3[%mul3A_16] : memref<320000xi32, #tpu.memory_space<hbm>> -> memref<20000xi32, #tpu.memory_space<hbm>>
      %dma_start3A_95 = tpu.memref_slice %arg3[%mul3A_16] : memref<320000xi32, #tpu.memory_space<hbm>> -> memref<20000xi32, #tpu.memory_space<hbm>>
      tpu.enqueue_dma source(%dma_start3A_95 : memref<20000xi32, #tpu.memory_space<hbm>>) target(%arg6 : memref<20000xi32, #tpu.memory_space<vmem>>) target_semaphore(%run_scoped3A : memref<!tpu.dma_semaphore, #tpu.memory_space<semaphore_mem>>)
      %dma_wait3A_96 = tpu.memref_slice %arg3[%mul3A_16] : memref<320000xi32, #tpu.memory_space<hbm>> -> memref<20000xi32, #tpu.memory_space<hbm>>
      %dma_wait3A_97 = tpu.memref_slice %arg3[%mul3A_16] : memref<320000xi32, #tpu.memory_space<hbm>> -> memref<20000xi32, #tpu.memory_space<hbm>>
      tpu.wait_dma2 semaphore(%run_scoped3A : memref<!tpu.dma_semaphore, #tpu.memory_space<semaphore_mem>>) src(%dma_wait3A_97 : memref<20000xi32, #tpu.memory_space<hbm>>) dst(%arg6 : memref<20000xi32, #tpu.memory_space<vmem>>)
      tpu.yield
    }) : () -> ()
    %mul3A_17 = arith.constant 20000 : i32
    %mul3A_18 = arith.muli %arg1, %mul3A_17 : i32
    "tpu.region"() ({
      %run_scoped3A = tpu.sem_alloc : memref<!tpu.dma_semaphore, #tpu.memory_space<semaphore_mem>>
      %dma_start3A_94 = tpu.memref_slice %arg4[%mul3A_18] : memref<320000xi32, #tpu.memory_space<hbm>> -> memref<20000xi32, #tpu.memory_space<hbm>>
      %dma_start3A_95 = tpu.memref_slice %arg4[%mul3A_18] : memref<320000xi32, #tpu.memory_space<hbm>> -> memref<20000xi32, #tpu.memory_space<hbm>>
      tpu.enqueue_dma source(%dma_start3A_95 : memref<20000xi32, #tpu.memory_space<hbm>>) target(%arg7 : memref<20000xi32, #tpu.memory_space<vmem>>) target_semaphore(%run_scoped3A : memref<!tpu.dma_semaphore, #tpu.memory_space<semaphore_mem>>)
      %dma_wait3A_96 = tpu.memref_slice %arg4[%mul3A_18] : memref<320000xi32, #tpu.memory_space<hbm>> -> memref<20000xi32, #tpu.memory_space<hbm>>
      %dma_wait3A_97 = tpu.memref_slice %arg4[%mul3A_18] : memref<320000xi32, #tpu.memory_space<hbm>> -> memref<20000xi32, #tpu.memory_space<hbm>>
      tpu.wait_dma2 semaphore(%run_scoped3A : memref<!tpu.dma_semaphore, #tpu.memory_space<semaphore_mem>>) src(%dma_wait3A_97 : memref<20000xi32, #tpu.memory_space<hbm>>) dst(%arg7 : memref<20000xi32, #tpu.memory_space<vmem>>)
      tpu.yield
    }) : () -> ()
    %barrier3A = arith.constant 0 : index
    tpu.barrier barrier_id(%barrier3A)
    %dma_start3A = arith.constant 0 : i32
    %dma_start3A_19 = tpu.memref_slice %arg6[%dma_start3A] : memref<20000xi32, #tpu.memory_space<vmem>> -> memref<128xi32, #tpu.memory_space<vmem>>
    %dma_start3A_20 = arith.constant 0 : i32
    %dma_start3A_21 = arith.constant 0 : i32
    %dma_start3A_22 = tpu.memref_slice %arg2[%arg0, %dma_start3A_20, %dma_start3A_21] : memref<2x10000x64xf32, #tpu.memory_space<hbm>> -> memref<1x10000x64xf32, #tpu.memory_space<hbm>>
    %dma_start3A_23 = tpu.memref_squeeze %dma_start3A_22 : memref<1x10000x64xf32, #tpu.memory_space<hbm>> -> memref<10000x64xf32, #tpu.memory_space<hbm>>
    %dma_start3A_24 = arith.constant 0 : i32
    %dma_start3A_25 = arith.constant 0 : i32
    %dma_start3A_26 = tpu.memref_slice %dma_start3A_23[%dma_start3A_24, %dma_start3A_25] : memref<10000x64xf32, #tpu.memory_space<hbm>> -> memref<10000x64xf32, #tpu.memory_space<hbm>>
    tpu.enqueue_indirect_dma source(%dma_start3A_26 : memref<10000x64xf32, #tpu.memory_space<hbm>>) target(%arg8 : memref<128x64xf32, #tpu.memory_space<vmem>>) offsets(%dma_start3A_19 : memref<128xi32, #tpu.memory_space<vmem>>) semaphore(%arg14 : memref<!tpu.dma_semaphore, #tpu.memory_space<semaphore_mem>>)
    %dma_start3A_27 = arith.constant 128 : i32
    %dma_start3A_28 = tpu.memref_slice %arg6[%dma_start3A_27] : memref<20000xi32, #tpu.memory_space<vmem>> -> memref<128xi32, #tpu.memory_space<vmem>>
    %dma_start3A_29 = arith.constant 0 : i32
    %dma_start3A_30 = arith.constant 0 : i32
    %dma_start3A_31 = tpu.memref_slice %arg2[%arg0, %dma_start3A_29, %dma_start3A_30] : memref<2x10000x64xf32, #tpu.memory_space<hbm>> -> memref<1x10000x64xf32, #tpu.memory_space<hbm>>
    %dma_start3A_32 = tpu.memref_squeeze %dma_start3A_31 : memref<1x10000x64xf32, #tpu.memory_space<hbm>> -> memref<10000x64xf32, #tpu.memory_space<hbm>>
    %dma_start3A_33 = arith.constant 0 : i32
    %dma_start3A_34 = arith.constant 0 : i32
    %dma_start3A_35 = tpu.memref_slice %dma_start3A_32[%dma_start3A_33, %dma_start3A_34] : memref<10000x64xf32, #tpu.memory_space<hbm>> -> memref<10000x64xf32, #tpu.memory_space<hbm>>
    tpu.enqueue_indirect_dma source(%dma_start3A_35 : memref<10000x64xf32, #tpu.memory_space<hbm>>) target(%arg9 : memref<128x64xf32, #tpu.memory_space<vmem>>) offsets(%dma_start3A_28 : memref<128xi32, #tpu.memory_space<vmem>>) semaphore(%arg15 : memref<!tpu.dma_semaphore, #tpu.memory_space<semaphore_mem>>)
    %scan3A_36 = arith.constant 0 : i32
    %scan3A_37 = arith.constant 0 : i32
    %scan3A_38 = arith.constant 39 : i32
    %scan3A_39 = arith.addi %scan3A_37, %scan3A_38 : i32
    %scan3A_40 = arith.constant 1 : i32
    scf.for %scan3A_94 = %scan3A_37 to %scan3A_39 step %scan3A_40  : i32 {
      %mul3A_95 = arith.constant 4 : i32
      %mul3A_96 = arith.muli %mul3A_95, %scan3A_94 : i32
      %add3A_97 = arith.constant 0 : i32
      %add3A_98 = arith.addi %mul3A_96, %add3A_97 : i32
      %ge3A = arith.constant 2 : i32
      %ge3A_99 = arith.cmpi sge, %add3A_98, %ge3A : i32
      %convert_element_type3A = arith.extui %ge3A_99 : i1 to i32
      %cond3A = arith.constant 0 : i32
      %cond3A_100 = arith.cmpi ne, %convert_element_type3A, %cond3A : i32
      scf.if %cond3A_100 {
        %dma_wait3A_215 = arith.constant 0 : i32
        %dma_wait3A_216 = tpu.memref_slice %arg7[%dma_wait3A_215] : memref<20000xi32, #tpu.memory_space<vmem>> -> memref<128xi32, #tpu.memory_space<vmem>>
        %dma_wait3A_217 = arith.constant 0 : i32
        %dma_wait3A_218 = arith.constant 0 : i32
        %dma_wait3A_219 = tpu.memref_slice %arg13[%dma_wait3A_217, %dma_wait3A_218] : memref<10112x64xf32, #tpu.memory_space<vmem_shared>> -> memref<10112x64xf32, #tpu.memory_space<vmem_shared>>
        tpu.wait_indirect_dma semaphore(%arg20 : memref<!tpu.dma_semaphore, #tpu.memory_space<semaphore_mem>>) src(%arg10 : memref<128x64xf32, #tpu.memory_space<vmem>>) dst(%dma_wait3A_219 : memref<10112x64xf32, #tpu.memory_space<vmem_shared>>)
      } else {
      }
      %add3A_101 = arith.constant 2 : i32
      %add3A_102 = arith.addi %add3A_98, %add3A_101 : i32
      %lt3A = arith.constant 156 : i32
      %lt3A_103 = arith.cmpi slt, %add3A_102, %lt3A : i32
      %convert_element_type3A_104 = arith.extui %lt3A_103 : i1 to i32
      %cond3A_105 = arith.constant 0 : i32
      %cond3A_106 = arith.cmpi ne, %convert_element_type3A_104, %cond3A_105 : i32
      scf.if %cond3A_106 {
        %add3A_215 = arith.constant 2 : i32
        %add3A_216 = arith.addi %add3A_98, %add3A_215 : i32
        %mul3A_217 = arith.constant 128 : i32
        %mul3A_218 = arith.muli %add3A_216, %mul3A_217 : i32
        %dma_start3A_219 = tpu.memref_slice %arg6[%mul3A_218] : memref<20000xi32, #tpu.memory_space<vmem>> -> memref<128xi32, #tpu.memory_space<vmem>>
        %dma_start3A_220 = arith.constant 0 : i32
        %dma_start3A_221 = arith.constant 0 : i32
        %dma_start3A_222 = tpu.memref_slice %arg2[%arg0, %dma_start3A_220, %dma_start3A_221] : memref<2x10000x64xf32, #tpu.memory_space<hbm>> -> memref<1x10000x64xf32, #tpu.memory_space<hbm>>
        %dma_start3A_223 = tpu.memref_squeeze %dma_start3A_222 : memref<1x10000x64xf32, #tpu.memory_space<hbm>> -> memref<10000x64xf32, #tpu.memory_space<hbm>>
        %dma_start3A_224 = arith.constant 0 : i32
        %dma_start3A_225 = arith.constant 0 : i32
        %dma_start3A_226 = tpu.memref_slice %dma_start3A_223[%dma_start3A_224, %dma_start3A_225] : memref<10000x64xf32, #tpu.memory_space<hbm>> -> memref<10000x64xf32, #tpu.memory_space<hbm>>
        tpu.enqueue_indirect_dma source(%dma_start3A_226 : memref<10000x64xf32, #tpu.memory_space<hbm>>) target(%arg10 : memref<128x64xf32, #tpu.memory_space<vmem>>) offsets(%dma_start3A_219 : memref<128xi32, #tpu.memory_space<vmem>>) semaphore(%arg16 : memref<!tpu.dma_semaphore, #tpu.memory_space<semaphore_mem>>)
      } else {
      }
      %dma_wait3A_107 = arith.constant 0 : i32
      %dma_wait3A_108 = tpu.memref_slice %arg6[%dma_wait3A_107] : memref<20000xi32, #tpu.memory_space<vmem>> -> memref<128xi32, #tpu.memory_space<vmem>>
      %dma_wait3A_109 = arith.constant 0 : i32
      %dma_wait3A_110 = arith.constant 0 : i32
      %dma_wait3A_111 = tpu.memref_slice %arg2[%arg0, %dma_wait3A_109, %dma_wait3A_110] : memref<2x10000x64xf32, #tpu.memory_space<hbm>> -> memref<1x10000x64xf32, #tpu.memory_space<hbm>>
      %dma_wait3A_112 = tpu.memref_squeeze %dma_wait3A_111 : memref<1x10000x64xf32, #tpu.memory_space<hbm>> -> memref<10000x64xf32, #tpu.memory_space<hbm>>
      %dma_wait3A_113 = arith.constant 0 : i32
      %dma_wait3A_114 = arith.constant 0 : i32
      %dma_wait3A_115 = tpu.memref_slice %dma_wait3A_112[%dma_wait3A_113, %dma_wait3A_114] : memref<10000x64xf32, #tpu.memory_space<hbm>> -> memref<10000x64xf32, #tpu.memory_space<hbm>>
      tpu.wait_indirect_dma semaphore(%arg14 : memref<!tpu.dma_semaphore, #tpu.memory_space<semaphore_mem>>) src(%dma_wait3A_115 : memref<10000x64xf32, #tpu.memory_space<hbm>>) dst(%arg8 : memref<128x64xf32, #tpu.memory_space<vmem>>)
      %mul3A_116 = arith.constant 128 : i32
      %mul3A_117 = arith.muli %add3A_98, %mul3A_116 : i32
      %dma_start3A_118 = tpu.memref_slice %arg7[%mul3A_117] : memref<20000xi32, #tpu.memory_space<vmem>> -> memref<128xi32, #tpu.memory_space<vmem>>
      %dma_start3A_119 = arith.constant 0 : i32
      %dma_start3A_120 = arith.constant 0 : i32
      %dma_start3A_121 = tpu.memref_slice %arg13[%dma_start3A_119, %dma_start3A_120] : memref<10112x64xf32, #tpu.memory_space<vmem_shared>> -> memref<10112x64xf32, #tpu.memory_space<vmem_shared>>
      tpu.enqueue_indirect_dma source(%arg8 : memref<128x64xf32, #tpu.memory_space<vmem>>) target(%dma_start3A_121 : memref<10112x64xf32, #tpu.memory_space<vmem_shared>>) offsets(%dma_start3A_118 : memref<128xi32, #tpu.memory_space<vmem>>) semaphore(%arg18 : memref<!tpu.dma_semaphore, #tpu.memory_space<semaphore_mem>>) {add = true}
      %mul3A_122 = arith.constant 4 : i32
      %mul3A_123 = arith.muli %mul3A_122, %scan3A_94 : i32
      %add3A_124 = arith.constant 1 : i32
      %add3A_125 = arith.addi %mul3A_123, %add3A_124 : i32
      %ge3A_126 = arith.constant 2 : i32
      %ge3A_127 = arith.cmpi sge, %add3A_125, %ge3A_126 : i32
      %convert_element_type3A_128 = arith.extui %ge3A_127 : i1 to i32
      %cond3A_129 = arith.constant 0 : i32
      %cond3A_130 = arith.cmpi ne, %convert_element_type3A_128, %cond3A_129 : i32
      scf.if %cond3A_130 {
        %dma_wait3A_215 = arith.constant 0 : i32
        %dma_wait3A_216 = tpu.memref_slice %arg7[%dma_wait3A_215] : memref<20000xi32, #tpu.memory_space<vmem>> -> memref<128xi32, #tpu.memory_space<vmem>>
        %dma_wait3A_217 = arith.constant 0 : i32
        %dma_wait3A_218 = arith.constant 0 : i32
        %dma_wait3A_219 = tpu.memref_slice %arg13[%dma_wait3A_217, %dma_wait3A_218] : memref<10112x64xf32, #tpu.memory_space<vmem_shared>> -> memref<10112x64xf32, #tpu.memory_space<vmem_shared>>
        tpu.wait_indirect_dma semaphore(%arg21 : memref<!tpu.dma_semaphore, #tpu.memory_space<semaphore_mem>>) src(%arg11 : memref<128x64xf32, #tpu.memory_space<vmem>>) dst(%dma_wait3A_219 : memref<10112x64xf32, #tpu.memory_space<vmem_shared>>)
      } else {
      }
      %add3A_131 = arith.constant 2 : i32
      %add3A_132 = arith.addi %add3A_125, %add3A_131 : i32
      %lt3A_133 = arith.constant 156 : i32
      %lt3A_134 = arith.cmpi slt, %add3A_132, %lt3A_133 : i32
      %convert_element_type3A_135 = arith.extui %lt3A_134 : i1 to i32
      %cond3A_136 = arith.constant 0 : i32
      %cond3A_137 = arith.cmpi ne, %convert_element_type3A_135, %cond3A_136 : i32
      scf.if %cond3A_137 {
        %add3A_215 = arith.constant 2 : i32
        %add3A_216 = arith.addi %add3A_125, %add3A_215 : i32
        %mul3A_217 = arith.constant 128 : i32
        %mul3A_218 = arith.muli %add3A_216, %mul3A_217 : i32
        %dma_start3A_219 = tpu.memref_slice %arg6[%mul3A_218] : memref<20000xi32, #tpu.memory_space<vmem>> -> memref<128xi32, #tpu.memory_space<vmem>>
        %dma_start3A_220 = arith.constant 0 : i32
        %dma_start3A_221 = arith.constant 0 : i32
        %dma_start3A_222 = tpu.memref_slice %arg2[%arg0, %dma_start3A_220, %dma_start3A_221] : memref<2x10000x64xf32, #tpu.memory_space<hbm>> -> memref<1x10000x64xf32, #tpu.memory_space<hbm>>
        %dma_start3A_223 = tpu.memref_squeeze %dma_start3A_222 : memref<1x10000x64xf32, #tpu.memory_space<hbm>> -> memref<10000x64xf32, #tpu.memory_space<hbm>>
        %dma_start3A_224 = arith.constant 0 : i32
        %dma_start3A_225 = arith.constant 0 : i32
        %dma_start3A_226 = tpu.memref_slice %dma_start3A_223[%dma_start3A_224, %dma_start3A_225] : memref<10000x64xf32, #tpu.memory_space<hbm>> -> memref<10000x64xf32, #tpu.memory_space<hbm>>
        tpu.enqueue_indirect_dma source(%dma_start3A_226 : memref<10000x64xf32, #tpu.memory_space<hbm>>) target(%arg11 : memref<128x64xf32, #tpu.memory_space<vmem>>) offsets(%dma_start3A_219 : memref<128xi32, #tpu.memory_space<vmem>>) semaphore(%arg17 : memref<!tpu.dma_semaphore, #tpu.memory_space<semaphore_mem>>)
      } else {
      }
      %dma_wait3A_138 = arith.constant 0 : i32
      %dma_wait3A_139 = tpu.memref_slice %arg6[%dma_wait3A_138] : memref<20000xi32, #tpu.memory_space<vmem>> -> memref<128xi32, #tpu.memory_space<vmem>>
      %dma_wait3A_140 = arith.constant 0 : i32
      %dma_wait3A_141 = arith.constant 0 : i32
      %dma_wait3A_142 = tpu.memref_slice %arg2[%arg0, %dma_wait3A_140, %dma_wait3A_141] : memref<2x10000x64xf32, #tpu.memory_space<hbm>> -> memref<1x10000x64xf32, #tpu.memory_space<hbm>>
      %dma_wait3A_143 = tpu.memref_squeeze %dma_wait3A_142 : memref<1x10000x64xf32, #tpu.memory_space<hbm>> -> memref<10000x64xf32, #tpu.memory_space<hbm>>
      %dma_wait3A_144 = arith.constant 0 : i32
      %dma_wait3A_145 = arith.constant 0 : i32
      %dma_wait3A_146 = tpu.memref_slice %dma_wait3A_143[%dma_wait3A_144, %dma_wait3A_145] : memref<10000x64xf32, #tpu.memory_space<hbm>> -> memref<10000x64xf32, #tpu.memory_space<hbm>>
      tpu.wait_indirect_dma semaphore(%arg15 : memref<!tpu.dma_semaphore, #tpu.memory_space<semaphore_mem>>) src(%dma_wait3A_146 : memref<10000x64xf32, #tpu.memory_space<hbm>>) dst(%arg9 : memref<128x64xf32, #tpu.memory_space<vmem>>)
      %mul3A_147 = arith.constant 128 : i32
      %mul3A_148 = arith.muli %add3A_125, %mul3A_147 : i32
      %dma_start3A_149 = tpu.memref_slice %arg7[%mul3A_148] : memref<20000xi32, #tpu.memory_space<vmem>> -> memref<128xi32, #tpu.memory_space<vmem>>
      %dma_start3A_150 = arith.constant 0 : i32
      %dma_start3A_151 = arith.constant 0 : i32
      %dma_start3A_152 = tpu.memref_slice %arg13[%dma_start3A_150, %dma_start3A_151] : memref<10112x64xf32, #tpu.memory_space<vmem_shared>> -> memref<10112x64xf32, #tpu.memory_space<vmem_shared>>
      tpu.enqueue_indirect_dma source(%arg9 : memref<128x64xf32, #tpu.memory_space<vmem>>) target(%dma_start3A_152 : memref<10112x64xf32, #tpu.memory_space<vmem_shared>>) offsets(%dma_start3A_149 : memref<128xi32, #tpu.memory_space<vmem>>) semaphore(%arg19 : memref<!tpu.dma_semaphore, #tpu.memory_space<semaphore_mem>>) {add = true}
      %mul3A_153 = arith.constant 4 : i32
      %mul3A_154 = arith.muli %mul3A_153, %scan3A_94 : i32
      %add3A_155 = arith.constant 2 : i32
      %add3A_156 = arith.addi %mul3A_154, %add3A_155 : i32
      %ge3A_157 = arith.constant 2 : i32
      %ge3A_158 = arith.cmpi sge, %add3A_156, %ge3A_157 : i32
      %convert_element_type3A_159 = arith.extui %ge3A_158 : i1 to i32
      %cond3A_160 = arith.constant 0 : i32
      %cond3A_161 = arith.cmpi ne, %convert_element_type3A_159, %cond3A_160 : i32
      scf.if %cond3A_161 {
        %dma_wait3A_215 = arith.constant 0 : i32
        %dma_wait3A_216 = tpu.memref_slice %arg7[%dma_wait3A_215] : memref<20000xi32, #tpu.memory_space<vmem>> -> memref<128xi32, #tpu.memory_space<vmem>>
        %dma_wait3A_217 = arith.constant 0 : i32
        %dma_wait3A_218 = arith.constant 0 : i32
        %dma_wait3A_219 = tpu.memref_slice %arg13[%dma_wait3A_217, %dma_wait3A_218] : memref<10112x64xf32, #tpu.memory_space<vmem_shared>> -> memref<10112x64xf32, #tpu.memory_space<vmem_shared>>
        tpu.wait_indirect_dma semaphore(%arg18 : memref<!tpu.dma_semaphore, #tpu.memory_space<semaphore_mem>>) src(%arg8 : memref<128x64xf32, #tpu.memory_space<vmem>>) dst(%dma_wait3A_219 : memref<10112x64xf32, #tpu.memory_space<vmem_shared>>)
      } else {
      }
      %add3A_162 = arith.constant 2 : i32
      %add3A_163 = arith.addi %add3A_156, %add3A_162 : i32
      %lt3A_164 = arith.constant 156 : i32
      %lt3A_165 = arith.cmpi slt, %add3A_163, %lt3A_164 : i32
      %convert_element_type3A_166 = arith.extui %lt3A_165 : i1 to i32
      %cond3A_167 = arith.constant 0 : i32
      %cond3A_168 = arith.cmpi ne, %convert_element_type3A_166, %cond3A_167 : i32
      scf.if %cond3A_168 {
        %add3A_215 = arith.constant 2 : i32
        %add3A_216 = arith.addi %add3A_156, %add3A_215 : i32
        %mul3A_217 = arith.constant 128 : i32
        %mul3A_218 = arith.muli %add3A_216, %mul3A_217 : i32
        %dma_start3A_219 = tpu.memref_slice %arg6[%mul3A_218] : memref<20000xi32, #tpu.memory_space<vmem>> -> memref<128xi32, #tpu.memory_space<vmem>>
        %dma_start3A_220 = arith.constant 0 : i32
        %dma_start3A_221 = arith.constant 0 : i32
        %dma_start3A_222 = tpu.memref_slice %arg2[%arg0, %dma_start3A_220, %dma_start3A_221] : memref<2x10000x64xf32, #tpu.memory_space<hbm>> -> memref<1x10000x64xf32, #tpu.memory_space<hbm>>
        %dma_start3A_223 = tpu.memref_squeeze %dma_start3A_222 : memref<1x10000x64xf32, #tpu.memory_space<hbm>> -> memref<10000x64xf32, #tpu.memory_space<hbm>>
        %dma_start3A_224 = arith.constant 0 : i32
        %dma_start3A_225 = arith.constant 0 : i32
        %dma_start3A_226 = tpu.memref_slice %dma_start3A_223[%dma_start3A_224, %dma_start3A_225] : memref<10000x64xf32, #tpu.memory_space<hbm>> -> memref<10000x64xf32, #tpu.memory_space<hbm>>
        tpu.enqueue_indirect_dma source(%dma_start3A_226 : memref<10000x64xf32, #tpu.memory_space<hbm>>) target(%arg8 : memref<128x64xf32, #tpu.memory_space<vmem>>) offsets(%dma_start3A_219 : memref<128xi32, #tpu.memory_space<vmem>>) semaphore(%arg14 : memref<!tpu.dma_semaphore, #tpu.memory_space<semaphore_mem>>)
      } else {
      }
      %dma_wait3A_169 = arith.constant 0 : i32
      %dma_wait3A_170 = tpu.memref_slice %arg6[%dma_wait3A_169] : memref<20000xi32, #tpu.memory_space<vmem>> -> memref<128xi32, #tpu.memory_space<vmem>>
      %dma_wait3A_171 = arith.constant 0 : i32
      %dma_wait3A_172 = arith.constant 0 : i32
      %dma_wait3A_173 = tpu.memref_slice %arg2[%arg0, %dma_wait3A_171, %dma_wait3A_172] : memref<2x10000x64xf32, #tpu.memory_space<hbm>> -> memref<1x10000x64xf32, #tpu.memory_space<hbm>>
      %dma_wait3A_174 = tpu.memref_squeeze %dma_wait3A_173 : memref<1x10000x64xf32, #tpu.memory_space<hbm>> -> memref<10000x64xf32, #tpu.memory_space<hbm>>
      %dma_wait3A_175 = arith.constant 0 : i32
      %dma_wait3A_176 = arith.constant 0 : i32
      %dma_wait3A_177 = tpu.memref_slice %dma_wait3A_174[%dma_wait3A_175, %dma_wait3A_176] : memref<10000x64xf32, #tpu.memory_space<hbm>> -> memref<10000x64xf32, #tpu.memory_space<hbm>>
      tpu.wait_indirect_dma semaphore(%arg16 : memref<!tpu.dma_semaphore, #tpu.memory_space<semaphore_mem>>) src(%dma_wait3A_177 : memref<10000x64xf32, #tpu.memory_space<hbm>>) dst(%arg10 : memref<128x64xf32, #tpu.memory_space<vmem>>)
      %mul3A_178 = arith.constant 128 : i32
      %mul3A_179 = arith.muli %add3A_156, %mul3A_178 : i32
      %dma_start3A_180 = tpu.memref_slice %arg7[%mul3A_179] : memref<20000xi32, #tpu.memory_space<vmem>> -> memref<128xi32, #tpu.memory_space<vmem>>
      %dma_start3A_181 = arith.constant 0 : i32
      %dma_start3A_182 = arith.constant 0 : i32
      %dma_start3A_183 = tpu.memref_slice %arg13[%dma_start3A_181, %dma_start3A_182] : memref<10112x64xf32, #tpu.memory_space<vmem_shared>> -> memref<10112x64xf32, #tpu.memory_space<vmem_shared>>
      tpu.enqueue_indirect_dma source(%arg10 : memref<128x64xf32, #tpu.memory_space<vmem>>) target(%dma_start3A_183 : memref<10112x64xf32, #tpu.memory_space<vmem_shared>>) offsets(%dma_start3A_180 : memref<128xi32, #tpu.memory_space<vmem>>) semaphore(%arg20 : memref<!tpu.dma_semaphore, #tpu.memory_space<semaphore_mem>>) {add = true}
      %mul3A_184 = arith.constant 4 : i32
      %mul3A_185 = arith.muli %mul3A_184, %scan3A_94 : i32
      %add3A_186 = arith.constant 3 : i32
      %add3A_187 = arith.addi %mul3A_185, %add3A_186 : i32
      %ge3A_188 = arith.constant 2 : i32
      %ge3A_189 = arith.cmpi sge, %add3A_187, %ge3A_188 : i32
      %convert_element_type3A_190 = arith.extui %ge3A_189 : i1 to i32
      %cond3A_191 = arith.constant 0 : i32
      %cond3A_192 = arith.cmpi ne, %convert_element_type3A_190, %cond3A_191 : i32
      scf.if %cond3A_192 {
        %dma_wait3A_215 = arith.constant 0 : i32
        %dma_wait3A_216 = tpu.memref_slice %arg7[%dma_wait3A_215] : memref<20000xi32, #tpu.memory_space<vmem>> -> memref<128xi32, #tpu.memory_space<vmem>>
        %dma_wait3A_217 = arith.constant 0 : i32
        %dma_wait3A_218 = arith.constant 0 : i32
        %dma_wait3A_219 = tpu.memref_slice %arg13[%dma_wait3A_217, %dma_wait3A_218] : memref<10112x64xf32, #tpu.memory_space<vmem_shared>> -> memref<10112x64xf32, #tpu.memory_space<vmem_shared>>
        tpu.wait_indirect_dma semaphore(%arg19 : memref<!tpu.dma_semaphore, #tpu.memory_space<semaphore_mem>>) src(%arg9 : memref<128x64xf32, #tpu.memory_space<vmem>>) dst(%dma_wait3A_219 : memref<10112x64xf32, #tpu.memory_space<vmem_shared>>)
      } else {
      }
      %add3A_193 = arith.constant 2 : i32
      %add3A_194 = arith.addi %add3A_187, %add3A_193 : i32
      %lt3A_195 = arith.constant 156 : i32
      %lt3A_196 = arith.cmpi slt, %add3A_194, %lt3A_195 : i32
      %convert_element_type3A_197 = arith.extui %lt3A_196 : i1 to i32
      %cond3A_198 = arith.constant 0 : i32
      %cond3A_199 = arith.cmpi ne, %convert_element_type3A_197, %cond3A_198 : i32
      scf.if %cond3A_199 {
        %add3A_215 = arith.constant 2 : i32
        %add3A_216 = arith.addi %add3A_187, %add3A_215 : i32
        %mul3A_217 = arith.constant 128 : i32
        %mul3A_218 = arith.muli %add3A_216, %mul3A_217 : i32
        %dma_start3A_219 = tpu.memref_slice %arg6[%mul3A_218] : memref<20000xi32, #tpu.memory_space<vmem>> -> memref<128xi32, #tpu.memory_space<vmem>>
        %dma_start3A_220 = arith.constant 0 : i32
        %dma_start3A_221 = arith.constant 0 : i32
        %dma_start3A_222 = tpu.memref_slice %arg2[%arg0, %dma_start3A_220, %dma_start3A_221] : memref<2x10000x64xf32, #tpu.memory_space<hbm>> -> memref<1x10000x64xf32, #tpu.memory_space<hbm>>
        %dma_start3A_223 = tpu.memref_squeeze %dma_start3A_222 : memref<1x10000x64xf32, #tpu.memory_space<hbm>> -> memref<10000x64xf32, #tpu.memory_space<hbm>>
        %dma_start3A_224 = arith.constant 0 : i32
        %dma_start3A_225 = arith.constant 0 : i32
        %dma_start3A_226 = tpu.memref_slice %dma_start3A_223[%dma_start3A_224, %dma_start3A_225] : memref<10000x64xf32, #tpu.memory_space<hbm>> -> memref<10000x64xf32, #tpu.memory_space<hbm>>
        tpu.enqueue_indirect_dma source(%dma_start3A_226 : memref<10000x64xf32, #tpu.memory_space<hbm>>) target(%arg9 : memref<128x64xf32, #tpu.memory_space<vmem>>) offsets(%dma_start3A_219 : memref<128xi32, #tpu.memory_space<vmem>>) semaphore(%arg15 : memref<!tpu.dma_semaphore, #tpu.memory_space<semaphore_mem>>)
      } else {
      }
      %dma_wait3A_200 = arith.constant 0 : i32
      %dma_wait3A_201 = tpu.memref_slice %arg6[%dma_wait3A_200] : memref<20000xi32, #tpu.memory_space<vmem>> -> memref<128xi32, #tpu.memory_space<vmem>>
      %dma_wait3A_202 = arith.constant 0 : i32
      %dma_wait3A_203 = arith.constant 0 : i32
      %dma_wait3A_204 = tpu.memref_slice %arg2[%arg0, %dma_wait3A_202, %dma_wait3A_203] : memref<2x10000x64xf32, #tpu.memory_space<hbm>> -> memref<1x10000x64xf32, #tpu.memory_space<hbm>>
      %dma_wait3A_205 = tpu.memref_squeeze %dma_wait3A_204 : memref<1x10000x64xf32, #tpu.memory_space<hbm>> -> memref<10000x64xf32, #tpu.memory_space<hbm>>
      %dma_wait3A_206 = arith.constant 0 : i32
      %dma_wait3A_207 = arith.constant 0 : i32
      %dma_wait3A_208 = tpu.memref_slice %dma_wait3A_205[%dma_wait3A_206, %dma_wait3A_207] : memref<10000x64xf32, #tpu.memory_space<hbm>> -> memref<10000x64xf32, #tpu.memory_space<hbm>>
      tpu.wait_indirect_dma semaphore(%arg17 : memref<!tpu.dma_semaphore, #tpu.memory_space<semaphore_mem>>) src(%dma_wait3A_208 : memref<10000x64xf32, #tpu.memory_space<hbm>>) dst(%arg11 : memref<128x64xf32, #tpu.memory_space<vmem>>)
      %mul3A_209 = arith.constant 128 : i32
      %mul3A_210 = arith.muli %add3A_187, %mul3A_209 : i32
      %dma_start3A_211 = tpu.memref_slice %arg7[%mul3A_210] : memref<20000xi32, #tpu.memory_space<vmem>> -> memref<128xi32, #tpu.memory_space<vmem>>
      %dma_start3A_212 = arith.constant 0 : i32
      %dma_start3A_213 = arith.constant 0 : i32
      %dma_start3A_214 = tpu.memref_slice %arg13[%dma_start3A_212, %dma_start3A_213] : memref<10112x64xf32, #tpu.memory_space<vmem_shared>> -> memref<10112x64xf32, #tpu.memory_space<vmem_shared>>
      tpu.enqueue_indirect_dma source(%arg11 : memref<128x64xf32, #tpu.memory_space<vmem>>) target(%dma_start3A_214 : memref<10112x64xf32, #tpu.memory_space<vmem_shared>>) offsets(%dma_start3A_211 : memref<128xi32, #tpu.memory_space<vmem>>) semaphore(%arg21 : memref<!tpu.dma_semaphore, #tpu.memory_space<semaphore_mem>>) {add = true}
    }
    %scan3A_41 = arith.constant 39 : i32
    %dma_wait3A = arith.constant 0 : i32
    %dma_wait3A_42 = tpu.memref_slice %arg7[%dma_wait3A] : memref<20000xi32, #tpu.memory_space<vmem>> -> memref<128xi32, #tpu.memory_space<vmem>>
    %dma_wait3A_43 = arith.constant 0 : i32
    %dma_wait3A_44 = arith.constant 0 : i32
    %dma_wait3A_45 = tpu.memref_slice %arg13[%dma_wait3A_43, %dma_wait3A_44] : memref<10112x64xf32, #tpu.memory_space<vmem_shared>> -> memref<10112x64xf32, #tpu.memory_space<vmem_shared>>
    tpu.wait_indirect_dma semaphore(%arg20 : memref<!tpu.dma_semaphore, #tpu.memory_space<semaphore_mem>>) src(%arg10 : memref<128x64xf32, #tpu.memory_space<vmem>>) dst(%dma_wait3A_45 : memref<10112x64xf32, #tpu.memory_space<vmem_shared>>)
    %dma_wait3A_46 = arith.constant 0 : i32
    %dma_wait3A_47 = tpu.memref_slice %arg7[%dma_wait3A_46] : memref<20000xi32, #tpu.memory_space<vmem>> -> memref<128xi32, #tpu.memory_space<vmem>>
    %dma_wait3A_48 = arith.constant 0 : i32
    %dma_wait3A_49 = arith.constant 0 : i32
    %dma_wait3A_50 = tpu.memref_slice %arg13[%dma_wait3A_48, %dma_wait3A_49] : memref<10112x64xf32, #tpu.memory_space<vmem_shared>> -> memref<10112x64xf32, #tpu.memory_space<vmem_shared>>
    tpu.wait_indirect_dma semaphore(%arg21 : memref<!tpu.dma_semaphore, #tpu.memory_space<semaphore_mem>>) src(%arg11 : memref<128x64xf32, #tpu.memory_space<vmem>>) dst(%dma_wait3A_50 : memref<10112x64xf32, #tpu.memory_space<vmem_shared>>)
    %dma_start3A_51 = arith.constant 0 : i32
    %dma_start3A_52 = arith.constant 0 : i32
    %dma_start3A_53 = tpu.memref_slice %arg8[%dma_start3A_51, %dma_start3A_52] : memref<128x64xf32, #tpu.memory_space<vmem>> -> memref<32x64xf32, #tpu.memory_space<vmem>>
    %dma_start3A_54 = arith.constant 19968 : i32
    %dma_start3A_55 = tpu.memref_slice %arg6[%dma_start3A_54] : memref<20000xi32, #tpu.memory_space<vmem>> -> memref<32xi32, #tpu.memory_space<vmem>>
    %dma_start3A_56 = arith.constant 0 : i32
    %dma_start3A_57 = arith.constant 0 : i32
    %dma_start3A_58 = tpu.memref_slice %arg2[%arg0, %dma_start3A_56, %dma_start3A_57] : memref<2x10000x64xf32, #tpu.memory_space<hbm>> -> memref<1x10000x64xf32, #tpu.memory_space<hbm>>
    %dma_start3A_59 = tpu.memref_squeeze %dma_start3A_58 : memref<1x10000x64xf32, #tpu.memory_space<hbm>> -> memref<10000x64xf32, #tpu.memory_space<hbm>>
    %dma_start3A_60 = arith.constant 0 : i32
    %dma_start3A_61 = arith.constant 0 : i32
    %dma_start3A_62 = tpu.memref_slice %dma_start3A_59[%dma_start3A_60, %dma_start3A_61] : memref<10000x64xf32, #tpu.memory_space<hbm>> -> memref<10000x64xf32, #tpu.memory_space<hbm>>
    tpu.enqueue_indirect_dma source(%dma_start3A_62 : memref<10000x64xf32, #tpu.memory_space<hbm>>) target(%dma_start3A_53 : memref<32x64xf32, #tpu.memory_space<vmem>>) offsets(%dma_start3A_55 : memref<32xi32, #tpu.memory_space<vmem>>) semaphore(%arg14 : memref<!tpu.dma_semaphore, #tpu.memory_space<semaphore_mem>>)
    %dma_wait3A_63 = arith.constant 0 : i32
    %dma_wait3A_64 = arith.constant 0 : i32
    %dma_wait3A_65 = tpu.memref_slice %arg8[%dma_wait3A_63, %dma_wait3A_64] : memref<128x64xf32, #tpu.memory_space<vmem>> -> memref<32x64xf32, #tpu.memory_space<vmem>>
    %dma_wait3A_66 = arith.constant 19968 : i32
    %dma_wait3A_67 = tpu.memref_slice %arg6[%dma_wait3A_66] : memref<20000xi32, #tpu.memory_space<vmem>> -> memref<32xi32, #tpu.memory_space<vmem>>
    %dma_wait3A_68 = arith.constant 0 : i32
    %dma_wait3A_69 = arith.constant 0 : i32
    %dma_wait3A_70 = tpu.memref_slice %arg2[%arg0, %dma_wait3A_68, %dma_wait3A_69] : memref<2x10000x64xf32, #tpu.memory_space<hbm>> -> memref<1x10000x64xf32, #tpu.memory_space<hbm>>
    %dma_wait3A_71 = tpu.memref_squeeze %dma_wait3A_70 : memref<1x10000x64xf32, #tpu.memory_space<hbm>> -> memref<10000x64xf32, #tpu.memory_space<hbm>>
    %dma_wait3A_72 = arith.constant 0 : i32
    %dma_wait3A_73 = arith.constant 0 : i32
    %dma_wait3A_74 = tpu.memref_slice %dma_wait3A_71[%dma_wait3A_72, %dma_wait3A_73] : memref<10000x64xf32, #tpu.memory_space<hbm>> -> memref<10000x64xf32, #tpu.memory_space<hbm>>
    tpu.wait_indirect_dma semaphore(%arg14 : memref<!tpu.dma_semaphore, #tpu.memory_space<semaphore_mem>>) src(%dma_wait3A_74 : memref<10000x64xf32, #tpu.memory_space<hbm>>) dst(%dma_wait3A_65 : memref<32x64xf32, #tpu.memory_space<vmem>>)
    %dma_start3A_75 = arith.constant 0 : i32
    %dma_start3A_76 = arith.constant 0 : i32
    %dma_start3A_77 = tpu.memref_slice %arg8[%dma_start3A_75, %dma_start3A_76] : memref<128x64xf32, #tpu.memory_space<vmem>> -> memref<32x64xf32, #tpu.memory_space<vmem>>
    %dma_start3A_78 = arith.constant 19968 : i32
    %dma_start3A_79 = tpu.memref_slice %arg7[%dma_start3A_78] : memref<20000xi32, #tpu.memory_space<vmem>> -> memref<32xi32, #tpu.memory_space<vmem>>
    %dma_start3A_80 = arith.constant 0 : i32
    %dma_start3A_81 = arith.constant 0 : i32
    %dma_start3A_82 = tpu.memref_slice %arg13[%dma_start3A_80, %dma_start3A_81] : memref<10112x64xf32, #tpu.memory_space<vmem_shared>> -> memref<10112x64xf32, #tpu.memory_space<vmem_shared>>
    tpu.enqueue_indirect_dma source(%dma_start3A_77 : memref<32x64xf32, #tpu.memory_space<vmem>>) target(%dma_start3A_82 : memref<10112x64xf32, #tpu.memory_space<vmem_shared>>) offsets(%dma_start3A_79 : memref<32xi32, #tpu.memory_space<vmem>>) semaphore(%arg18 : memref<!tpu.dma_semaphore, #tpu.memory_space<semaphore_mem>>) {add = true}
    %dma_wait3A_83 = arith.constant 0 : i32
    %dma_wait3A_84 = arith.constant 0 : i32
    %dma_wait3A_85 = tpu.memref_slice %arg8[%dma_wait3A_83, %dma_wait3A_84] : memref<128x64xf32, #tpu.memory_space<vmem>> -> memref<32x64xf32, #tpu.memory_space<vmem>>
    %dma_wait3A_86 = arith.constant 19968 : i32
    %dma_wait3A_87 = tpu.memref_slice %arg7[%dma_wait3A_86] : memref<20000xi32, #tpu.memory_space<vmem>> -> memref<32xi32, #tpu.memory_space<vmem>>
    %dma_wait3A_88 = arith.constant 0 : i32
    %dma_wait3A_89 = arith.constant 0 : i32
    %dma_wait3A_90 = tpu.memref_slice %arg13[%dma_wait3A_88, %dma_wait3A_89] : memref<10112x64xf32, #tpu.memory_space<vmem_shared>> -> memref<10112x64xf32, #tpu.memory_space<vmem_shared>>
    tpu.wait_indirect_dma semaphore(%arg18 : memref<!tpu.dma_semaphore, #tpu.memory_space<semaphore_mem>>) src(%dma_wait3A_85 : memref<32x64xf32, #tpu.memory_space<vmem>>) dst(%dma_wait3A_90 : memref<10112x64xf32, #tpu.memory_space<vmem_shared>>)
    %barrier3A_91 = arith.constant 0 : index
    tpu.barrier barrier_id(%barrier3A_91)
    %mul3A_92 = arith.constant 64 : i32
    %mul3A_93 = arith.muli %arg0, %mul3A_92 : i32
    "tpu.region"() ({
      %run_scoped3A = tpu.sem_alloc : memref<!tpu.dma_semaphore, #tpu.memory_space<semaphore_mem>>
      %dma_start3A_94 = tpu.memref_slice %arg5[%mul3A_0, %mul3A_93] : memref<10112x128xf32, #tpu.memory_space<hbm>> -> memref<632x64xf32, #tpu.memory_space<hbm>>
      %dma_start3A_95 = arith.constant 0 : i32
      %dma_start3A_96 = tpu.memref_slice %arg13[%mul3A_0, %dma_start3A_95] : memref<10112x64xf32, #tpu.memory_space<vmem_shared>> -> memref<632x64xf32, #tpu.memory_space<vmem_shared>>
      tpu.enqueue_dma source(%dma_start3A_96 : memref<632x64xf32, #tpu.memory_space<vmem_shared>>) target(%dma_start3A_94 : memref<632x64xf32, #tpu.memory_space<hbm>>) target_semaphore(%run_scoped3A : memref<!tpu.dma_semaphore, #tpu.memory_space<semaphore_mem>>)
      %dma_wait3A_97 = tpu.memref_slice %arg5[%mul3A_0, %mul3A_93] : memref<10112x128xf32, #tpu.memory_space<hbm>> -> memref<632x64xf32, #tpu.memory_space<hbm>>
      %dma_wait3A_98 = arith.constant 0 : i32
      %dma_wait3A_99 = tpu.memref_slice %arg13[%mul3A_0, %dma_wait3A_98] : memref<10112x64xf32, #tpu.memory_space<vmem_shared>> -> memref<632x64xf32, #tpu.memory_space<vmem_shared>>
      tpu.wait_dma2 semaphore(%run_scoped3A : memref<!tpu.dma_semaphore, #tpu.memory_space<semaphore_mem>>) src(%dma_wait3A_99 : memref<632x64xf32, #tpu.memory_space<vmem_shared>>) dst(%dma_wait3A_97 : memref<632x64xf32, #tpu.memory_space<hbm>>)
      tpu.yield
    }) : () -> ()
    return
  }
}

#map = affine_map<(d0, d1) -> (0, 0, 0)>
#map1 = affine_map<(d0, d1) -> (0)>
#map2 = affine_map<(d0, d1) -> (0, 0)>
module attributes {stable_mosaic.version = 14 : i64} {
  func.func @seg_sum(%arg0: i32, %arg1: i32, %arg2: memref<2x10000x64xf32, #tpu.memory_space<hbm>>, %arg3: memref<320000xi32, #tpu.memory_space<hbm>>, %arg4: memref<320000xi32, #tpu.memory_space<hbm>>, %arg5: memref<10112x128xf32, #tpu.memory_space<hbm>>, %arg6: memref<20000xi32, #tpu.memory_space<vmem>>, %arg7: memref<20000xi32, #tpu.memory_space<vmem>>, %arg8: memref<128x64xf32, #tpu.memory_space<vmem>>, %arg9: memref<128x64xf32, #tpu.memory_space<vmem>>, %arg10: memref<128x64xf32, #tpu.memory_space<vmem>>, %arg11: memref<128x64xf32, #tpu.memory_space<vmem>>, %arg12: memref<128x64xf32, #tpu.memory_space<vmem>>, %arg13: memref<10112x64xf32, #tpu.memory_space<vmem_shared>>, %arg14: memref<!tpu.dma_semaphore, #tpu.memory_space<semaphore_mem>>, %arg15: memref<!tpu.dma_semaphore, #tpu.memory_space<semaphore_mem>>, %arg16: memref<!tpu.dma_semaphore, #tpu.memory_space<semaphore_mem>>, %arg17: memref<!tpu.dma_semaphore, #tpu.memory_space<semaphore_mem>>, %arg18: memref<!tpu.dma_semaphore, #tpu.memory_space<semaphore_mem>>, %arg19: memref<!tpu.dma_semaphore, #tpu.memory_space<semaphore_mem>>, %arg20: memref<!tpu.dma_semaphore, #tpu.memory_space<semaphore_mem>>, %arg21: memref<!tpu.dma_semaphore, #tpu.memory_space<semaphore_mem>>) attributes {dimension_semantics = [#tpu.dimension_semantics<core_parallel>, #tpu.dimension_semantics<subcore_parallel>], iteration_bounds = array<i64: 2, 16>, scalar_prefetch = 0 : i64, scratch_operands = 16 : i64, tpu.core_type = #tpu.core_type<sc_vector_subcore>, window_params = [{transform_indices = #map}, {transform_indices = #map1}, {transform_indices = #map1}, {transform_indices = #map2}]} {
    %mul3A = arith.constant 632 : i32
    %mul3A_0 = arith.muli %arg1, %mul3A : i32
    %scan3A = arith.constant 0 : i32
    %scan3A_1 = arith.constant 0 : i32
    %scan3A_2 = arith.constant 128 : i32
    %scan3A_3 = arith.addi %scan3A_1, %scan3A_2 : i32
    %scan3A_4 = arith.constant 1 : i32
    scf.for %scan3A_94 = %scan3A_1 to %scan3A_3 step %scan3A_4  : i32 {
      %broadcast_in_dim3A = arith.constant 0.000000e+00 : f32
      %broadcast_in_dim3A_95 = vector.broadcast %broadcast_in_dim3A : f32 to vector<16xf32>
      %swap3A = arith.index_cast %scan3A_94 : i32 to index
      %swap3A_96 = arith.constant 0 : index
      %swap3A_97 = tpu.vector_load %arg12[%swap3A, %swap3A_96] {strides = array<i32>} : memref<128x64xf32, #tpu.memory_space<vmem>>, vector<1x16xf32>,
      %swap3A_98 = vector.shape_cast %swap3A_97 : vector<1x16xf32> to vector<16xf32>
      %swap3A_99 = vector.shape_cast %broadcast_in_dim3A_95 : vector<16xf32> to vector<1x16xf32>
      tpu.vector_store %arg12[%swap3A, %swap3A_96], %swap3A_99 {strides = array<i32>} : memref<128x64xf32, #tpu.memory_space<vmem>>, vector<1x16xf32>,
      %broadcast_in_dim3A_100 = arith.constant 0.000000e+00 : f32
      %broadcast_in_dim3A_101 = vector.broadcast %broadcast_in_dim3A_100 : f32 to vector<16xf32>
      %swap3A_102 = arith.index_cast %scan3A_94 : i32 to index
      %swap3A_103 = arith.constant 16 : index
      %swap3A_104 = tpu.vector_load %arg12[%swap3A_102, %swap3A_103] {strides = array<i32>} : memref<128x64xf32, #tpu.memory_space<vmem>>, vector<1x16xf32>,
      %swap3A_105 = vector.shape_cast %swap3A_104 : vector<1x16xf32> to vector<16xf32>
      %swap3A_106 = vector.shape_cast %broadcast_in_dim3A_101 : vector<16xf32> to vector<1x16xf32>
      tpu.vector_store %arg12[%swap3A_102, %swap3A_103], %swap3A_106 {strides = array<i32>} : memref<128x64xf32, #tpu.memory_space<vmem>>, vector<1x16xf32>,
      %broadcast_in_dim3A_107 = arith.constant 0.000000e+00 : f32
      %broadcast_in_dim3A_108 = vector.broadcast %broadcast_in_dim3A_107 : f32 to vector<16xf32>
      %swap3A_109 = arith.index_cast %scan3A_94 : i32 to index
      %swap3A_110 = arith.constant 32 : index
      %swap3A_111 = tpu.vector_load %arg12[%swap3A_109, %swap3A_110] {strides = array<i32>} : memref<128x64xf32, #tpu.memory_space<vmem>>, vector<1x16xf32>,
      %swap3A_112 = vector.shape_cast %swap3A_111 : vector<1x16xf32> to vector<16xf32>
      %swap3A_113 = vector.shape_cast %broadcast_in_dim3A_108 : vector<16xf32> to vector<1x16xf32>
      tpu.vector_store %arg12[%swap3A_109, %swap3A_110], %swap3A_113 {strides = array<i32>} : memref<128x64xf32, #tpu.memory_space<vmem>>, vector<1x16xf32>,
      %broadcast_in_dim3A_114 = arith.constant 0.000000e+00 : f32
      %broadcast_in_dim3A_115 = vector.broadcast %broadcast_in_dim3A_114 : f32 to vector<16xf32>
      %swap3A_116 = arith.index_cast %scan3A_94 : i32 to index
      %swap3A_117 = arith.constant 48 : index
      %swap3A_118 = tpu.vector_load %arg12[%swap3A_116, %swap3A_117] {strides = array<i32>} : memref<128x64xf32, #tpu.memory_space<vmem>>, vector<1x16xf32>,
      %swap3A_119 = vector.shape_cast %swap3A_118 : vector<1x16xf32> to vector<16xf32>
      %swap3A_120 = vector.shape_cast %broadcast_in_dim3A_115 : vector<16xf32> to vector<1x16xf32>
      tpu.vector_store %arg12[%swap3A_116, %swap3A_117], %swap3A_120 {strides = array<i32>} : memref<128x64xf32, #tpu.memory_space<vmem>>, vector<1x16xf32>,
    }
    %scan3A_5 = arith.constant 128 : i32
    %add3A = arith.constant 0 : i32
    %add3A_6 = arith.addi %mul3A_0, %add3A : i32
    "tpu.region"() ({
      %run_scoped3A = tpu.sem_alloc : memref<!tpu.dma_semaphore, #tpu.memory_space<semaphore_mem>>
      %dma_start3A_94 = arith.constant 0 : i32
      %dma_start3A_95 = arith.constant 0 : i32
      %dma_start3A_96 = tpu.memref_slice %arg12[%dma_start3A_94, %dma_start3A_95] : memref<128x64xf32, #tpu.memory_space<vmem>> -> memref<128x64xf32, #tpu.memory_space<vmem>>
      %dma_start3A_97 = arith.constant 0 : i32
      %dma_start3A_98 = tpu.memref_slice %arg13[%add3A_6, %dma_start3A_97] : memref<10112x64xf32, #tpu.memory_space<vmem_shared>> -> memref<128x64xf32, #tpu.memory_space<vmem_shared>>
      %dma_start3A_99 = arith.constant 0 : i32
      %dma_start3A_100 = tpu.memref_slice %arg13[%add3A_6, %dma_start3A_99] : memref<10112x64xf32, #tpu.memory_space<vmem_shared>> -> memref<128x64xf32, #tpu.memory_space<vmem_shared>>
      %dma_start3A_101 = arith.constant 0 : i32
      %dma_start3A_102 = arith.constant 0 : i32
      %dma_start3A_103 = tpu.memref_slice %arg12[%dma_start3A_101, %dma_start3A_102] : memref<128x64xf32, #tpu.memory_space<vmem>> -> memref<128x64xf32, #tpu.memory_space<vmem>>
      tpu.enqueue_dma source(%dma_start3A_103 : memref<128x64xf32, #tpu.memory_space<vmem>>) target(%dma_start3A_100 : memref<128x64xf32, #tpu.memory_space<vmem_shared>>) target_semaphore(%run_scoped3A : memref<!tpu.dma_semaphore, #tpu.memory_space<semaphore_mem>>)
      %dma_wait3A_104 = arith.constant 0 : i32
      %dma_wait3A_105 = arith.constant 0 : i32
      %dma_wait3A_106 = tpu.memref_slice %arg12[%dma_wait3A_104, %dma_wait3A_105] : memref<128x64xf32, #tpu.memory_space<vmem>> -> memref<128x64xf32, #tpu.memory_space<vmem>>
      %dma_wait3A_107 = arith.constant 0 : i32
      %dma_wait3A_108 = tpu.memref_slice %arg13[%add3A_6, %dma_wait3A_107] : memref<10112x64xf32, #tpu.memory_space<vmem_shared>> -> memref<128x64xf32, #tpu.memory_space<vmem_shared>>
      %dma_wait3A_109 = arith.constant 0 : i32
      %dma_wait3A_110 = tpu.memref_slice %arg13[%add3A_6, %dma_wait3A_109] : memref<10112x64xf32, #tpu.memory_space<vmem_shared>> -> memref<128x64xf32, #tpu.memory_space<vmem_shared>>
      %dma_wait3A_111 = arith.constant 0 : i32
      %dma_wait3A_112 = arith.constant 0 : i32
      %dma_wait3A_113 = tpu.memref_slice %arg12[%dma_wait3A_111, %dma_wait3A_112] : memref<128x64xf32, #tpu.memory_space<vmem>> -> memref<128x64xf32, #tpu.memory_space<vmem>>
      tpu.wait_dma2 semaphore(%run_scoped3A : memref<!tpu.dma_semaphore, #tpu.memory_space<semaphore_mem>>) src(%dma_wait3A_113 : memref<128x64xf32, #tpu.memory_space<vmem>>) dst(%dma_wait3A_110 : memref<128x64xf32, #tpu.memory_space<vmem_shared>>)
      tpu.yield
    }) : () -> ()
    %add3A_7 = arith.constant 128 : i32
    %add3A_8 = arith.addi %mul3A_0, %add3A_7 : i32
    "tpu.region"() ({
      %run_scoped3A = tpu.sem_alloc : memref<!tpu.dma_semaphore, #tpu.memory_space<semaphore_mem>>
      %dma_start3A_94 = arith.constant 0 : i32
      %dma_start3A_95 = arith.constant 0 : i32
      %dma_start3A_96 = tpu.memref_slice %arg12[%dma_start3A_94, %dma_start3A_95] : memref<128x64xf32, #tpu.memory_space<vmem>> -> memref<128x64xf32, #tpu.memory_space<vmem>>
      %dma_start3A_97 = arith.constant 0 : i32
      %dma_start3A_98 = tpu.memref_slice %arg13[%add3A_8, %dma_start3A_97] : memref<10112x64xf32, #tpu.memory_space<vmem_shared>> -> memref<128x64xf32, #tpu.memory_space<vmem_shared>>
      %dma_start3A_99 = arith.constant 0 : i32
      %dma_start3A_100 = tpu.memref_slice %arg13[%add3A_8, %dma_start3A_99] : memref<10112x64xf32, #tpu.memory_space<vmem_shared>> -> memref<128x64xf32, #tpu.memory_space<vmem_shared>>
      %dma_start3A_101 = arith.constant 0 : i32
      %dma_start3A_102 = arith.constant 0 : i32
      %dma_start3A_103 = tpu.memref_slice %arg12[%dma_start3A_101, %dma_start3A_102] : memref<128x64xf32, #tpu.memory_space<vmem>> -> memref<128x64xf32, #tpu.memory_space<vmem>>
      tpu.enqueue_dma source(%dma_start3A_103 : memref<128x64xf32, #tpu.memory_space<vmem>>) target(%dma_start3A_100 : memref<128x64xf32, #tpu.memory_space<vmem_shared>>) target_semaphore(%run_scoped3A : memref<!tpu.dma_semaphore, #tpu.memory_space<semaphore_mem>>)
      %dma_wait3A_104 = arith.constant 0 : i32
      %dma_wait3A_105 = arith.constant 0 : i32
      %dma_wait3A_106 = tpu.memref_slice %arg12[%dma_wait3A_104, %dma_wait3A_105] : memref<128x64xf32, #tpu.memory_space<vmem>> -> memref<128x64xf32, #tpu.memory_space<vmem>>
      %dma_wait3A_107 = arith.constant 0 : i32
      %dma_wait3A_108 = tpu.memref_slice %arg13[%add3A_8, %dma_wait3A_107] : memref<10112x64xf32, #tpu.memory_space<vmem_shared>> -> memref<128x64xf32, #tpu.memory_space<vmem_shared>>
      %dma_wait3A_109 = arith.constant 0 : i32
      %dma_wait3A_110 = tpu.memref_slice %arg13[%add3A_8, %dma_wait3A_109] : memref<10112x64xf32, #tpu.memory_space<vmem_shared>> -> memref<128x64xf32, #tpu.memory_space<vmem_shared>>
      %dma_wait3A_111 = arith.constant 0 : i32
      %dma_wait3A_112 = arith.constant 0 : i32
      %dma_wait3A_113 = tpu.memref_slice %arg12[%dma_wait3A_111, %dma_wait3A_112] : memref<128x64xf32, #tpu.memory_space<vmem>> -> memref<128x64xf32, #tpu.memory_space<vmem>>
      tpu.wait_dma2 semaphore(%run_scoped3A : memref<!tpu.dma_semaphore, #tpu.memory_space<semaphore_mem>>) src(%dma_wait3A_113 : memref<128x64xf32, #tpu.memory_space<vmem>>) dst(%dma_wait3A_110 : memref<128x64xf32, #tpu.memory_space<vmem_shared>>)
      tpu.yield
    }) : () -> ()
    %add3A_9 = arith.constant 256 : i32
    %add3A_10 = arith.addi %mul3A_0, %add3A_9 : i32
    "tpu.region"() ({
      %run_scoped3A = tpu.sem_alloc : memref<!tpu.dma_semaphore, #tpu.memory_space<semaphore_mem>>
      %dma_start3A_94 = arith.constant 0 : i32
      %dma_start3A_95 = arith.constant 0 : i32
      %dma_start3A_96 = tpu.memref_slice %arg12[%dma_start3A_94, %dma_start3A_95] : memref<128x64xf32, #tpu.memory_space<vmem>> -> memref<128x64xf32, #tpu.memory_space<vmem>>
      %dma_start3A_97 = arith.constant 0 : i32
      %dma_start3A_98 = tpu.memref_slice %arg13[%add3A_10, %dma_start3A_97] : memref<10112x64xf32, #tpu.memory_space<vmem_shared>> -> memref<128x64xf32, #tpu.memory_space<vmem_shared>>
      %dma_start3A_99 = arith.constant 0 : i32
      %dma_start3A_100 = tpu.memref_slice %arg13[%add3A_10, %dma_start3A_99] : memref<10112x64xf32, #tpu.memory_space<vmem_shared>> -> memref<128x64xf32, #tpu.memory_space<vmem_shared>>
      %dma_start3A_101 = arith.constant 0 : i32
      %dma_start3A_102 = arith.constant 0 : i32
      %dma_start3A_103 = tpu.memref_slice %arg12[%dma_start3A_101, %dma_start3A_102] : memref<128x64xf32, #tpu.memory_space<vmem>> -> memref<128x64xf32, #tpu.memory_space<vmem>>
      tpu.enqueue_dma source(%dma_start3A_103 : memref<128x64xf32, #tpu.memory_space<vmem>>) target(%dma_start3A_100 : memref<128x64xf32, #tpu.memory_space<vmem_shared>>) target_semaphore(%run_scoped3A : memref<!tpu.dma_semaphore, #tpu.memory_space<semaphore_mem>>)
      %dma_wait3A_104 = arith.constant 0 : i32
      %dma_wait3A_105 = arith.constant 0 : i32
      %dma_wait3A_106 = tpu.memref_slice %arg12[%dma_wait3A_104, %dma_wait3A_105] : memref<128x64xf32, #tpu.memory_space<vmem>> -> memref<128x64xf32, #tpu.memory_space<vmem>>
      %dma_wait3A_107 = arith.constant 0 : i32
      %dma_wait3A_108 = tpu.memref_slice %arg13[%add3A_10, %dma_wait3A_107] : memref<10112x64xf32, #tpu.memory_space<vmem_shared>> -> memref<128x64xf32, #tpu.memory_space<vmem_shared>>
      %dma_wait3A_109 = arith.constant 0 : i32
      %dma_wait3A_110 = tpu.memref_slice %arg13[%add3A_10, %dma_wait3A_109] : memref<10112x64xf32, #tpu.memory_space<vmem_shared>> -> memref<128x64xf32, #tpu.memory_space<vmem_shared>>
      %dma_wait3A_111 = arith.constant 0 : i32
      %dma_wait3A_112 = arith.constant 0 : i32
      %dma_wait3A_113 = tpu.memref_slice %arg12[%dma_wait3A_111, %dma_wait3A_112] : memref<128x64xf32, #tpu.memory_space<vmem>> -> memref<128x64xf32, #tpu.memory_space<vmem>>
      tpu.wait_dma2 semaphore(%run_scoped3A : memref<!tpu.dma_semaphore, #tpu.memory_space<semaphore_mem>>) src(%dma_wait3A_113 : memref<128x64xf32, #tpu.memory_space<vmem>>) dst(%dma_wait3A_110 : memref<128x64xf32, #tpu.memory_space<vmem_shared>>)
      tpu.yield
    }) : () -> ()
    %add3A_11 = arith.constant 384 : i32
    %add3A_12 = arith.addi %mul3A_0, %add3A_11 : i32
    "tpu.region"() ({
      %run_scoped3A = tpu.sem_alloc : memref<!tpu.dma_semaphore, #tpu.memory_space<semaphore_mem>>
      %dma_start3A_94 = arith.constant 0 : i32
      %dma_start3A_95 = arith.constant 0 : i32
      %dma_start3A_96 = tpu.memref_slice %arg12[%dma_start3A_94, %dma_start3A_95] : memref<128x64xf32, #tpu.memory_space<vmem>> -> memref<128x64xf32, #tpu.memory_space<vmem>>
      %dma_start3A_97 = arith.constant 0 : i32
      %dma_start3A_98 = tpu.memref_slice %arg13[%add3A_12, %dma_start3A_97] : memref<10112x64xf32, #tpu.memory_space<vmem_shared>> -> memref<128x64xf32, #tpu.memory_space<vmem_shared>>
      %dma_start3A_99 = arith.constant 0 : i32
      %dma_start3A_100 = tpu.memref_slice %arg13[%add3A_12, %dma_start3A_99] : memref<10112x64xf32, #tpu.memory_space<vmem_shared>> -> memref<128x64xf32, #tpu.memory_space<vmem_shared>>
      %dma_start3A_101 = arith.constant 0 : i32
      %dma_start3A_102 = arith.constant 0 : i32
      %dma_start3A_103 = tpu.memref_slice %arg12[%dma_start3A_101, %dma_start3A_102] : memref<128x64xf32, #tpu.memory_space<vmem>> -> memref<128x64xf32, #tpu.memory_space<vmem>>
      tpu.enqueue_dma source(%dma_start3A_103 : memref<128x64xf32, #tpu.memory_space<vmem>>) target(%dma_start3A_100 : memref<128x64xf32, #tpu.memory_space<vmem_shared>>) target_semaphore(%run_scoped3A : memref<!tpu.dma_semaphore, #tpu.memory_space<semaphore_mem>>)
      %dma_wait3A_104 = arith.constant 0 : i32
      %dma_wait3A_105 = arith.constant 0 : i32
      %dma_wait3A_106 = tpu.memref_slice %arg12[%dma_wait3A_104, %dma_wait3A_105] : memref<128x64xf32, #tpu.memory_space<vmem>> -> memref<128x64xf32, #tpu.memory_space<vmem>>
      %dma_wait3A_107 = arith.constant 0 : i32
      %dma_wait3A_108 = tpu.memref_slice %arg13[%add3A_12, %dma_wait3A_107] : memref<10112x64xf32, #tpu.memory_space<vmem_shared>> -> memref<128x64xf32, #tpu.memory_space<vmem_shared>>
      %dma_wait3A_109 = arith.constant 0 : i32
      %dma_wait3A_110 = tpu.memref_slice %arg13[%add3A_12, %dma_wait3A_109] : memref<10112x64xf32, #tpu.memory_space<vmem_shared>> -> memref<128x64xf32, #tpu.memory_space<vmem_shared>>
      %dma_wait3A_111 = arith.constant 0 : i32
      %dma_wait3A_112 = arith.constant 0 : i32
      %dma_wait3A_113 = tpu.memref_slice %arg12[%dma_wait3A_111, %dma_wait3A_112] : memref<128x64xf32, #tpu.memory_space<vmem>> -> memref<128x64xf32, #tpu.memory_space<vmem>>
      tpu.wait_dma2 semaphore(%run_scoped3A : memref<!tpu.dma_semaphore, #tpu.memory_space<semaphore_mem>>) src(%dma_wait3A_113 : memref<128x64xf32, #tpu.memory_space<vmem>>) dst(%dma_wait3A_110 : memref<128x64xf32, #tpu.memory_space<vmem_shared>>)
      tpu.yield
    }) : () -> ()
    %add3A_13 = arith.constant 512 : i32
    %add3A_14 = arith.addi %mul3A_0, %add3A_13 : i32
    "tpu.region"() ({
      %run_scoped3A = tpu.sem_alloc : memref<!tpu.dma_semaphore, #tpu.memory_space<semaphore_mem>>
      %dma_start3A_94 = arith.constant 0 : i32
      %dma_start3A_95 = arith.constant 0 : i32
      %dma_start3A_96 = tpu.memref_slice %arg12[%dma_start3A_94, %dma_start3A_95] : memref<128x64xf32, #tpu.memory_space<vmem>> -> memref<120x64xf32, #tpu.memory_space<vmem>>
      %dma_start3A_97 = arith.constant 0 : i32
      %dma_start3A_98 = tpu.memref_slice %arg13[%add3A_14, %dma_start3A_97] : memref<10112x64xf32, #tpu.memory_space<vmem_shared>> -> memref<120x64xf32, #tpu.memory_space<vmem_shared>>
      %dma_start3A_99 = arith.constant 0 : i32
      %dma_start3A_100 = tpu.memref_slice %arg13[%add3A_14, %dma_start3A_99] : memref<10112x64xf32, #tpu.memory_space<vmem_shared>> -> memref<120x64xf32, #tpu.memory_space<vmem_shared>>
      %dma_start3A_101 = arith.constant 0 : i32
      %dma_start3A_102 = arith.constant 0 : i32
      %dma_start3A_103 = tpu.memref_slice %arg12[%dma_start3A_101, %dma_start3A_102] : memref<128x64xf32, #tpu.memory_space<vmem>> -> memref<120x64xf32, #tpu.memory_space<vmem>>
      tpu.enqueue_dma source(%dma_start3A_103 : memref<120x64xf32, #tpu.memory_space<vmem>>) target(%dma_start3A_100 : memref<120x64xf32, #tpu.memory_space<vmem_shared>>) target_semaphore(%run_scoped3A : memref<!tpu.dma_semaphore, #tpu.memory_space<semaphore_mem>>)
      %dma_wait3A_104 = arith.constant 0 : i32
      %dma_wait3A_105 = arith.constant 0 : i32
      %dma_wait3A_106 = tpu.memref_slice %arg12[%dma_wait3A_104, %dma_wait3A_105] : memref<128x64xf32, #tpu.memory_space<vmem>> -> memref<120x64xf32, #tpu.memory_space<vmem>>
      %dma_wait3A_107 = arith.constant 0 : i32
      %dma_wait3A_108 = tpu.memref_slice %arg13[%add3A_14, %dma_wait3A_107] : memref<10112x64xf32, #tpu.memory_space<vmem_shared>> -> memref<120x64xf32, #tpu.memory_space<vmem_shared>>
      %dma_wait3A_109 = arith.constant 0 : i32
      %dma_wait3A_110 = tpu.memref_slice %arg13[%add3A_14, %dma_wait3A_109] : memref<10112x64xf32, #tpu.memory_space<vmem_shared>> -> memref<120x64xf32, #tpu.memory_space<vmem_shared>>
      %dma_wait3A_111 = arith.constant 0 : i32
      %dma_wait3A_112 = arith.constant 0 : i32
      %dma_wait3A_113 = tpu.memref_slice %arg12[%dma_wait3A_111, %dma_wait3A_112] : memref<128x64xf32, #tpu.memory_space<vmem>> -> memref<120x64xf32, #tpu.memory_space<vmem>>
      tpu.wait_dma2 semaphore(%run_scoped3A : memref<!tpu.dma_semaphore, #tpu.memory_space<semaphore_mem>>) src(%dma_wait3A_113 : memref<120x64xf32, #tpu.memory_space<vmem>>) dst(%dma_wait3A_110 : memref<120x64xf32, #tpu.memory_space<vmem_shared>>)
      tpu.yield
    }) : () -> ()
    %mul3A_15 = arith.constant 20000 : i32
    %mul3A_16 = arith.muli %arg1, %mul3A_15 : i32
    "tpu.region"() ({
      %run_scoped3A = tpu.sem_alloc : memref<!tpu.dma_semaphore, #tpu.memory_space<semaphore_mem>>
      %dma_start3A_94 = tpu.memref_slice %arg3[%mul3A_16] : memref<320000xi32, #tpu.memory_space<hbm>> -> memref<20000xi32, #tpu.memory_space<hbm>>
      %dma_start3A_95 = tpu.memref_slice %arg3[%mul3A_16] : memref<320000xi32, #tpu.memory_space<hbm>> -> memref<20000xi32, #tpu.memory_space<hbm>>
      tpu.enqueue_dma source(%dma_start3A_95 : memref<20000xi32, #tpu.memory_space<hbm>>) target(%arg6 : memref<20000xi32, #tpu.memory_space<vmem>>) target_semaphore(%run_scoped3A : memref<!tpu.dma_semaphore, #tpu.memory_space<semaphore_mem>>)
      %dma_wait3A_96 = tpu.memref_slice %arg3[%mul3A_16] : memref<320000xi32, #tpu.memory_space<hbm>> -> memref<20000xi32, #tpu.memory_space<hbm>>
      %dma_wait3A_97 = tpu.memref_slice %arg3[%mul3A_16] : memref<320000xi32, #tpu.memory_space<hbm>> -> memref<20000xi32, #tpu.memory_space<hbm>>
      tpu.wait_dma2 semaphore(%run_scoped3A : memref<!tpu.dma_semaphore, #tpu.memory_space<semaphore_mem>>) src(%dma_wait3A_97 : memref<20000xi32, #tpu.memory_space<hbm>>) dst(%arg6 : memref<20000xi32, #tpu.memory_space<vmem>>)
      tpu.yield
    }) : () -> ()
    %mul3A_17 = arith.constant 20000 : i32
    %mul3A_18 = arith.muli %arg1, %mul3A_17 : i32
    "tpu.region"() ({
      %run_scoped3A = tpu.sem_alloc : memref<!tpu.dma_semaphore, #tpu.memory_space<semaphore_mem>>
      %dma_start3A_94 = tpu.memref_slice %arg4[%mul3A_18] : memref<320000xi32, #tpu.memory_space<hbm>> -> memref<20000xi32, #tpu.memory_space<hbm>>
      %dma_start3A_95 = tpu.memref_slice %arg4[%mul3A_18] : memref<320000xi32, #tpu.memory_space<hbm>> -> memref<20000xi32, #tpu.memory_space<hbm>>
      tpu.enqueue_dma source(%dma_start3A_95 : memref<20000xi32, #tpu.memory_space<hbm>>) target(%arg7 : memref<20000xi32, #tpu.memory_space<vmem>>) target_semaphore(%run_scoped3A : memref<!tpu.dma_semaphore, #tpu.memory_space<semaphore_mem>>)
      %dma_wait3A_96 = tpu.memref_slice %arg4[%mul3A_18] : memref<320000xi32, #tpu.memory_space<hbm>> -> memref<20000xi32, #tpu.memory_space<hbm>>
      %dma_wait3A_97 = tpu.memref_slice %arg4[%mul3A_18] : memref<320000xi32, #tpu.memory_space<hbm>> -> memref<20000xi32, #tpu.memory_space<hbm>>
      tpu.wait_dma2 semaphore(%run_scoped3A : memref<!tpu.dma_semaphore, #tpu.memory_space<semaphore_mem>>) src(%dma_wait3A_97 : memref<20000xi32, #tpu.memory_space<hbm>>) dst(%arg7 : memref<20000xi32, #tpu.memory_space<vmem>>)
      tpu.yield
    }) : () -> ()
    %barrier3A = arith.constant 0 : index
    tpu.barrier barrier_id(%barrier3A)
    %dma_start3A = arith.constant 0 : i32
    %dma_start3A_19 = tpu.memref_slice %arg6[%dma_start3A] : memref<20000xi32, #tpu.memory_space<vmem>> -> memref<128xi32, #tpu.memory_space<vmem>>
    %dma_start3A_20 = arith.constant 0 : i32
    %dma_start3A_21 = arith.constant 0 : i32
    %dma_start3A_22 = tpu.memref_slice %arg2[%arg0, %dma_start3A_20, %dma_start3A_21] : memref<2x10000x64xf32, #tpu.memory_space<hbm>> -> memref<1x10000x64xf32, #tpu.memory_space<hbm>>
    %dma_start3A_23 = tpu.memref_squeeze %dma_start3A_22 : memref<1x10000x64xf32, #tpu.memory_space<hbm>> -> memref<10000x64xf32, #tpu.memory_space<hbm>>
    %dma_start3A_24 = arith.constant 0 : i32
    %dma_start3A_25 = arith.constant 0 : i32
    %dma_start3A_26 = tpu.memref_slice %dma_start3A_23[%dma_start3A_24, %dma_start3A_25] : memref<10000x64xf32, #tpu.memory_space<hbm>> -> memref<10000x64xf32, #tpu.memory_space<hbm>>
    tpu.enqueue_indirect_dma source(%dma_start3A_26 : memref<10000x64xf32, #tpu.memory_space<hbm>>) target(%arg8 : memref<128x64xf32, #tpu.memory_space<vmem>>) offsets(%dma_start3A_19 : memref<128xi32, #tpu.memory_space<vmem>>) semaphore(%arg14 : memref<!tpu.dma_semaphore, #tpu.memory_space<semaphore_mem>>)
    %dma_start3A_27 = arith.constant 128 : i32
    %dma_start3A_28 = tpu.memref_slice %arg6[%dma_start3A_27] : memref<20000xi32, #tpu.memory_space<vmem>> -> memref<128xi32, #tpu.memory_space<vmem>>
    %dma_start3A_29 = arith.constant 0 : i32
    %dma_start3A_30 = arith.constant 0 : i32
    %dma_start3A_31 = tpu.memref_slice %arg2[%arg0, %dma_start3A_29, %dma_start3A_30] : memref<2x10000x64xf32, #tpu.memory_space<hbm>> -> memref<1x10000x64xf32, #tpu.memory_space<hbm>>
    %dma_start3A_32 = tpu.memref_squeeze %dma_start3A_31 : memref<1x10000x64xf32, #tpu.memory_space<hbm>> -> memref<10000x64xf32, #tpu.memory_space<hbm>>
    %dma_start3A_33 = arith.constant 0 : i32
    %dma_start3A_34 = arith.constant 0 : i32
    %dma_start3A_35 = tpu.memref_slice %dma_start3A_32[%dma_start3A_33, %dma_start3A_34] : memref<10000x64xf32, #tpu.memory_space<hbm>> -> memref<10000x64xf32, #tpu.memory_space<hbm>>
    tpu.enqueue_indirect_dma source(%dma_start3A_35 : memref<10000x64xf32, #tpu.memory_space<hbm>>) target(%arg9 : memref<128x64xf32, #tpu.memory_space<vmem>>) offsets(%dma_start3A_28 : memref<128xi32, #tpu.memory_space<vmem>>) semaphore(%arg15 : memref<!tpu.dma_semaphore, #tpu.memory_space<semaphore_mem>>)
    %scan3A_36 = arith.constant 0 : i32
    %scan3A_37 = arith.constant 0 : i32
    %scan3A_38 = arith.constant 39 : i32
    %scan3A_39 = arith.addi %scan3A_37, %scan3A_38 : i32
    %scan3A_40 = arith.constant 1 : i32
    scf.for %scan3A_94 = %scan3A_37 to %scan3A_39 step %scan3A_40  : i32 {
      %mul3A_95 = arith.constant 4 : i32
      %mul3A_96 = arith.muli %mul3A_95, %scan3A_94 : i32
      %add3A_97 = arith.constant 0 : i32
      %add3A_98 = arith.addi %mul3A_96, %add3A_97 : i32
      %ge3A = arith.constant 2 : i32
      %ge3A_99 = arith.cmpi sge, %add3A_98, %ge3A : i32
      %convert_element_type3A = arith.extui %ge3A_99 : i1 to i32
      %cond3A = arith.constant 0 : i32
      %cond3A_100 = arith.cmpi ne, %convert_element_type3A, %cond3A : i32
      scf.if %cond3A_100 {
        %dma_wait3A_215 = arith.constant 0 : i32
        %dma_wait3A_216 = tpu.memref_slice %arg7[%dma_wait3A_215] : memref<20000xi32, #tpu.memory_space<vmem>> -> memref<128xi32, #tpu.memory_space<vmem>>
        %dma_wait3A_217 = arith.constant 0 : i32
        %dma_wait3A_218 = arith.constant 0 : i32
        %dma_wait3A_219 = tpu.memref_slice %arg13[%dma_wait3A_217, %dma_wait3A_218] : memref<10112x64xf32, #tpu.memory_space<vmem_shared>> -> memref<10112x64xf32, #tpu.memory_space<vmem_shared>>
        tpu.wait_indirect_dma semaphore(%arg20 : memref<!tpu.dma_semaphore, #tpu.memory_space<semaphore_mem>>) src(%arg10 : memref<128x64xf32, #tpu.memory_space<vmem>>) dst(%dma_wait3A_219 : memref<10112x64xf32, #tpu.memory_space<vmem_shared>>)
      } else {
      }
      %add3A_101 = arith.constant 2 : i32
      %add3A_102 = arith.addi %add3A_98, %add3A_101 : i32
      %lt3A = arith.constant 156 : i32
      %lt3A_103 = arith.cmpi slt, %add3A_102, %lt3A : i32
      %convert_element_type3A_104 = arith.extui %lt3A_103 : i1 to i32
      %cond3A_105 = arith.constant 0 : i32
      %cond3A_106 = arith.cmpi ne, %convert_element_type3A_104, %cond3A_105 : i32
      scf.if %cond3A_106 {
        %add3A_215 = arith.constant 2 : i32
        %add3A_216 = arith.addi %add3A_98, %add3A_215 : i32
        %mul3A_217 = arith.constant 128 : i32
        %mul3A_218 = arith.muli %add3A_216, %mul3A_217 : i32
        %dma_start3A_219 = tpu.memref_slice %arg6[%mul3A_218] : memref<20000xi32, #tpu.memory_space<vmem>> -> memref<128xi32, #tpu.memory_space<vmem>>
        %dma_start3A_220 = arith.constant 0 : i32
        %dma_start3A_221 = arith.constant 0 : i32
        %dma_start3A_222 = tpu.memref_slice %arg2[%arg0, %dma_start3A_220, %dma_start3A_221] : memref<2x10000x64xf32, #tpu.memory_space<hbm>> -> memref<1x10000x64xf32, #tpu.memory_space<hbm>>
        %dma_start3A_223 = tpu.memref_squeeze %dma_start3A_222 : memref<1x10000x64xf32, #tpu.memory_space<hbm>> -> memref<10000x64xf32, #tpu.memory_space<hbm>>
        %dma_start3A_224 = arith.constant 0 : i32
        %dma_start3A_225 = arith.constant 0 : i32
        %dma_start3A_226 = tpu.memref_slice %dma_start3A_223[%dma_start3A_224, %dma_start3A_225] : memref<10000x64xf32, #tpu.memory_space<hbm>> -> memref<10000x64xf32, #tpu.memory_space<hbm>>
        tpu.enqueue_indirect_dma source(%dma_start3A_226 : memref<10000x64xf32, #tpu.memory_space<hbm>>) target(%arg10 : memref<128x64xf32, #tpu.memory_space<vmem>>) offsets(%dma_start3A_219 : memref<128xi32, #tpu.memory_space<vmem>>) semaphore(%arg16 : memref<!tpu.dma_semaphore, #tpu.memory_space<semaphore_mem>>)
      } else {
      }
      %dma_wait3A_107 = arith.constant 0 : i32
      %dma_wait3A_108 = tpu.memref_slice %arg6[%dma_wait3A_107] : memref<20000xi32, #tpu.memory_space<vmem>> -> memref<128xi32, #tpu.memory_space<vmem>>
      %dma_wait3A_109 = arith.constant 0 : i32
      %dma_wait3A_110 = arith.constant 0 : i32
      %dma_wait3A_111 = tpu.memref_slice %arg2[%arg0, %dma_wait3A_109, %dma_wait3A_110] : memref<2x10000x64xf32, #tpu.memory_space<hbm>> -> memref<1x10000x64xf32, #tpu.memory_space<hbm>>
      %dma_wait3A_112 = tpu.memref_squeeze %dma_wait3A_111 : memref<1x10000x64xf32, #tpu.memory_space<hbm>> -> memref<10000x64xf32, #tpu.memory_space<hbm>>
      %dma_wait3A_113 = arith.constant 0 : i32
      %dma_wait3A_114 = arith.constant 0 : i32
      %dma_wait3A_115 = tpu.memref_slice %dma_wait3A_112[%dma_wait3A_113, %dma_wait3A_114] : memref<10000x64xf32, #tpu.memory_space<hbm>> -> memref<10000x64xf32, #tpu.memory_space<hbm>>
      tpu.wait_indirect_dma semaphore(%arg14 : memref<!tpu.dma_semaphore, #tpu.memory_space<semaphore_mem>>) src(%dma_wait3A_115 : memref<10000x64xf32, #tpu.memory_space<hbm>>) dst(%arg8 : memref<128x64xf32, #tpu.memory_space<vmem>>)
      %mul3A_116 = arith.constant 128 : i32
      %mul3A_117 = arith.muli %add3A_98, %mul3A_116 : i32
      %dma_start3A_118 = tpu.memref_slice %arg7[%mul3A_117] : memref<20000xi32, #tpu.memory_space<vmem>> -> memref<128xi32, #tpu.memory_space<vmem>>
      %dma_start3A_119 = arith.constant 0 : i32
      %dma_start3A_120 = arith.constant 0 : i32
      %dma_start3A_121 = tpu.memref_slice %arg13[%dma_start3A_119, %dma_start3A_120] : memref<10112x64xf32, #tpu.memory_space<vmem_shared>> -> memref<10112x64xf32, #tpu.memory_space<vmem_shared>>
      tpu.enqueue_indirect_dma source(%arg8 : memref<128x64xf32, #tpu.memory_space<vmem>>) target(%dma_start3A_121 : memref<10112x64xf32, #tpu.memory_space<vmem_shared>>) offsets(%dma_start3A_118 : memref<128xi32, #tpu.memory_space<vmem>>) semaphore(%arg18 : memref<!tpu.dma_semaphore, #tpu.memory_space<semaphore_mem>>) {add = true}
      %mul3A_122 = arith.constant 4 : i32
      %mul3A_123 = arith.muli %mul3A_122, %scan3A_94 : i32
      %add3A_124 = arith.constant 1 : i32
      %add3A_125 = arith.addi %mul3A_123, %add3A_124 : i32
      %ge3A_126 = arith.constant 2 : i32
      %ge3A_127 = arith.cmpi sge, %add3A_125, %ge3A_126 : i32
      %convert_element_type3A_128 = arith.extui %ge3A_127 : i1 to i32
      %cond3A_129 = arith.constant 0 : i32
      %cond3A_130 = arith.cmpi ne, %convert_element_type3A_128, %cond3A_129 : i32
      scf.if %cond3A_130 {
        %dma_wait3A_215 = arith.constant 0 : i32
        %dma_wait3A_216 = tpu.memref_slice %arg7[%dma_wait3A_215] : memref<20000xi32, #tpu.memory_space<vmem>> -> memref<128xi32, #tpu.memory_space<vmem>>
        %dma_wait3A_217 = arith.constant 0 : i32
        %dma_wait3A_218 = arith.constant 0 : i32
        %dma_wait3A_219 = tpu.memref_slice %arg13[%dma_wait3A_217, %dma_wait3A_218] : memref<10112x64xf32, #tpu.memory_space<vmem_shared>> -> memref<10112x64xf32, #tpu.memory_space<vmem_shared>>
        tpu.wait_indirect_dma semaphore(%arg21 : memref<!tpu.dma_semaphore, #tpu.memory_space<semaphore_mem>>) src(%arg11 : memref<128x64xf32, #tpu.memory_space<vmem>>) dst(%dma_wait3A_219 : memref<10112x64xf32, #tpu.memory_space<vmem_shared>>)
      } else {
      }
      %add3A_131 = arith.constant 2 : i32
      %add3A_132 = arith.addi %add3A_125, %add3A_131 : i32
      %lt3A_133 = arith.constant 156 : i32
      %lt3A_134 = arith.cmpi slt, %add3A_132, %lt3A_133 : i32
      %convert_element_type3A_135 = arith.extui %lt3A_134 : i1 to i32
      %cond3A_136 = arith.constant 0 : i32
      %cond3A_137 = arith.cmpi ne, %convert_element_type3A_135, %cond3A_136 : i32
      scf.if %cond3A_137 {
        %add3A_215 = arith.constant 2 : i32
        %add3A_216 = arith.addi %add3A_125, %add3A_215 : i32
        %mul3A_217 = arith.constant 128 : i32
        %mul3A_218 = arith.muli %add3A_216, %mul3A_217 : i32
        %dma_start3A_219 = tpu.memref_slice %arg6[%mul3A_218] : memref<20000xi32, #tpu.memory_space<vmem>> -> memref<128xi32, #tpu.memory_space<vmem>>
        %dma_start3A_220 = arith.constant 0 : i32
        %dma_start3A_221 = arith.constant 0 : i32
        %dma_start3A_222 = tpu.memref_slice %arg2[%arg0, %dma_start3A_220, %dma_start3A_221] : memref<2x10000x64xf32, #tpu.memory_space<hbm>> -> memref<1x10000x64xf32, #tpu.memory_space<hbm>>
        %dma_start3A_223 = tpu.memref_squeeze %dma_start3A_222 : memref<1x10000x64xf32, #tpu.memory_space<hbm>> -> memref<10000x64xf32, #tpu.memory_space<hbm>>
        %dma_start3A_224 = arith.constant 0 : i32
        %dma_start3A_225 = arith.constant 0 : i32
        %dma_start3A_226 = tpu.memref_slice %dma_start3A_223[%dma_start3A_224, %dma_start3A_225] : memref<10000x64xf32, #tpu.memory_space<hbm>> -> memref<10000x64xf32, #tpu.memory_space<hbm>>
        tpu.enqueue_indirect_dma source(%dma_start3A_226 : memref<10000x64xf32, #tpu.memory_space<hbm>>) target(%arg11 : memref<128x64xf32, #tpu.memory_space<vmem>>) offsets(%dma_start3A_219 : memref<128xi32, #tpu.memory_space<vmem>>) semaphore(%arg17 : memref<!tpu.dma_semaphore, #tpu.memory_space<semaphore_mem>>)
      } else {
      }
      %dma_wait3A_138 = arith.constant 0 : i32
      %dma_wait3A_139 = tpu.memref_slice %arg6[%dma_wait3A_138] : memref<20000xi32, #tpu.memory_space<vmem>> -> memref<128xi32, #tpu.memory_space<vmem>>
      %dma_wait3A_140 = arith.constant 0 : i32
      %dma_wait3A_141 = arith.constant 0 : i32
      %dma_wait3A_142 = tpu.memref_slice %arg2[%arg0, %dma_wait3A_140, %dma_wait3A_141] : memref<2x10000x64xf32, #tpu.memory_space<hbm>> -> memref<1x10000x64xf32, #tpu.memory_space<hbm>>
      %dma_wait3A_143 = tpu.memref_squeeze %dma_wait3A_142 : memref<1x10000x64xf32, #tpu.memory_space<hbm>> -> memref<10000x64xf32, #tpu.memory_space<hbm>>
      %dma_wait3A_144 = arith.constant 0 : i32
      %dma_wait3A_145 = arith.constant 0 : i32
      %dma_wait3A_146 = tpu.memref_slice %dma_wait3A_143[%dma_wait3A_144, %dma_wait3A_145] : memref<10000x64xf32, #tpu.memory_space<hbm>> -> memref<10000x64xf32, #tpu.memory_space<hbm>>
      tpu.wait_indirect_dma semaphore(%arg15 : memref<!tpu.dma_semaphore, #tpu.memory_space<semaphore_mem>>) src(%dma_wait3A_146 : memref<10000x64xf32, #tpu.memory_space<hbm>>) dst(%arg9 : memref<128x64xf32, #tpu.memory_space<vmem>>)
      %mul3A_147 = arith.constant 128 : i32
      %mul3A_148 = arith.muli %add3A_125, %mul3A_147 : i32
      %dma_start3A_149 = tpu.memref_slice %arg7[%mul3A_148] : memref<20000xi32, #tpu.memory_space<vmem>> -> memref<128xi32, #tpu.memory_space<vmem>>
      %dma_start3A_150 = arith.constant 0 : i32
      %dma_start3A_151 = arith.constant 0 : i32
      %dma_start3A_152 = tpu.memref_slice %arg13[%dma_start3A_150, %dma_start3A_151] : memref<10112x64xf32, #tpu.memory_space<vmem_shared>> -> memref<10112x64xf32, #tpu.memory_space<vmem_shared>>
      tpu.enqueue_indirect_dma source(%arg9 : memref<128x64xf32, #tpu.memory_space<vmem>>) target(%dma_start3A_152 : memref<10112x64xf32, #tpu.memory_space<vmem_shared>>) offsets(%dma_start3A_149 : memref<128xi32, #tpu.memory_space<vmem>>) semaphore(%arg19 : memref<!tpu.dma_semaphore, #tpu.memory_space<semaphore_mem>>) {add = true}
      %mul3A_153 = arith.constant 4 : i32
      %mul3A_154 = arith.muli %mul3A_153, %scan3A_94 : i32
      %add3A_155 = arith.constant 2 : i32
      %add3A_156 = arith.addi %mul3A_154, %add3A_155 : i32
      %ge3A_157 = arith.constant 2 : i32
      %ge3A_158 = arith.cmpi sge, %add3A_156, %ge3A_157 : i32
      %convert_element_type3A_159 = arith.extui %ge3A_158 : i1 to i32
      %cond3A_160 = arith.constant 0 : i32
      %cond3A_161 = arith.cmpi ne, %convert_element_type3A_159, %cond3A_160 : i32
      scf.if %cond3A_161 {
        %dma_wait3A_215 = arith.constant 0 : i32
        %dma_wait3A_216 = tpu.memref_slice %arg7[%dma_wait3A_215] : memref<20000xi32, #tpu.memory_space<vmem>> -> memref<128xi32, #tpu.memory_space<vmem>>
        %dma_wait3A_217 = arith.constant 0 : i32
        %dma_wait3A_218 = arith.constant 0 : i32
        %dma_wait3A_219 = tpu.memref_slice %arg13[%dma_wait3A_217, %dma_wait3A_218] : memref<10112x64xf32, #tpu.memory_space<vmem_shared>> -> memref<10112x64xf32, #tpu.memory_space<vmem_shared>>
        tpu.wait_indirect_dma semaphore(%arg18 : memref<!tpu.dma_semaphore, #tpu.memory_space<semaphore_mem>>) src(%arg8 : memref<128x64xf32, #tpu.memory_space<vmem>>) dst(%dma_wait3A_219 : memref<10112x64xf32, #tpu.memory_space<vmem_shared>>)
      } else {
      }
      %add3A_162 = arith.constant 2 : i32
      %add3A_163 = arith.addi %add3A_156, %add3A_162 : i32
      %lt3A_164 = arith.constant 156 : i32
      %lt3A_165 = arith.cmpi slt, %add3A_163, %lt3A_164 : i32
      %convert_element_type3A_166 = arith.extui %lt3A_165 : i1 to i32
      %cond3A_167 = arith.constant 0 : i32
      %cond3A_168 = arith.cmpi ne, %convert_element_type3A_166, %cond3A_167 : i32
      scf.if %cond3A_168 {
        %add3A_215 = arith.constant 2 : i32
        %add3A_216 = arith.addi %add3A_156, %add3A_215 : i32
        %mul3A_217 = arith.constant 128 : i32
        %mul3A_218 = arith.muli %add3A_216, %mul3A_217 : i32
        %dma_start3A_219 = tpu.memref_slice %arg6[%mul3A_218] : memref<20000xi32, #tpu.memory_space<vmem>> -> memref<128xi32, #tpu.memory_space<vmem>>
        %dma_start3A_220 = arith.constant 0 : i32
        %dma_start3A_221 = arith.constant 0 : i32
        %dma_start3A_222 = tpu.memref_slice %arg2[%arg0, %dma_start3A_220, %dma_start3A_221] : memref<2x10000x64xf32, #tpu.memory_space<hbm>> -> memref<1x10000x64xf32, #tpu.memory_space<hbm>>
        %dma_start3A_223 = tpu.memref_squeeze %dma_start3A_222 : memref<1x10000x64xf32, #tpu.memory_space<hbm>> -> memref<10000x64xf32, #tpu.memory_space<hbm>>
        %dma_start3A_224 = arith.constant 0 : i32
        %dma_start3A_225 = arith.constant 0 : i32
        %dma_start3A_226 = tpu.memref_slice %dma_start3A_223[%dma_start3A_224, %dma_start3A_225] : memref<10000x64xf32, #tpu.memory_space<hbm>> -> memref<10000x64xf32, #tpu.memory_space<hbm>>
        tpu.enqueue_indirect_dma source(%dma_start3A_226 : memref<10000x64xf32, #tpu.memory_space<hbm>>) target(%arg8 : memref<128x64xf32, #tpu.memory_space<vmem>>) offsets(%dma_start3A_219 : memref<128xi32, #tpu.memory_space<vmem>>) semaphore(%arg14 : memref<!tpu.dma_semaphore, #tpu.memory_space<semaphore_mem>>)
      } else {
      }
      %dma_wait3A_169 = arith.constant 0 : i32
      %dma_wait3A_170 = tpu.memref_slice %arg6[%dma_wait3A_169] : memref<20000xi32, #tpu.memory_space<vmem>> -> memref<128xi32, #tpu.memory_space<vmem>>
      %dma_wait3A_171 = arith.constant 0 : i32
      %dma_wait3A_172 = arith.constant 0 : i32
      %dma_wait3A_173 = tpu.memref_slice %arg2[%arg0, %dma_wait3A_171, %dma_wait3A_172] : memref<2x10000x64xf32, #tpu.memory_space<hbm>> -> memref<1x10000x64xf32, #tpu.memory_space<hbm>>
      %dma_wait3A_174 = tpu.memref_squeeze %dma_wait3A_173 : memref<1x10000x64xf32, #tpu.memory_space<hbm>> -> memref<10000x64xf32, #tpu.memory_space<hbm>>
      %dma_wait3A_175 = arith.constant 0 : i32
      %dma_wait3A_176 = arith.constant 0 : i32
      %dma_wait3A_177 = tpu.memref_slice %dma_wait3A_174[%dma_wait3A_175, %dma_wait3A_176] : memref<10000x64xf32, #tpu.memory_space<hbm>> -> memref<10000x64xf32, #tpu.memory_space<hbm>>
      tpu.wait_indirect_dma semaphore(%arg16 : memref<!tpu.dma_semaphore, #tpu.memory_space<semaphore_mem>>) src(%dma_wait3A_177 : memref<10000x64xf32, #tpu.memory_space<hbm>>) dst(%arg10 : memref<128x64xf32, #tpu.memory_space<vmem>>)
      %mul3A_178 = arith.constant 128 : i32
      %mul3A_179 = arith.muli %add3A_156, %mul3A_178 : i32
      %dma_start3A_180 = tpu.memref_slice %arg7[%mul3A_179] : memref<20000xi32, #tpu.memory_space<vmem>> -> memref<128xi32, #tpu.memory_space<vmem>>
      %dma_start3A_181 = arith.constant 0 : i32
      %dma_start3A_182 = arith.constant 0 : i32
      %dma_start3A_183 = tpu.memref_slice %arg13[%dma_start3A_181, %dma_start3A_182] : memref<10112x64xf32, #tpu.memory_space<vmem_shared>> -> memref<10112x64xf32, #tpu.memory_space<vmem_shared>>
      tpu.enqueue_indirect_dma source(%arg10 : memref<128x64xf32, #tpu.memory_space<vmem>>) target(%dma_start3A_183 : memref<10112x64xf32, #tpu.memory_space<vmem_shared>>) offsets(%dma_start3A_180 : memref<128xi32, #tpu.memory_space<vmem>>) semaphore(%arg20 : memref<!tpu.dma_semaphore, #tpu.memory_space<semaphore_mem>>) {add = true}
      %mul3A_184 = arith.constant 4 : i32
      %mul3A_185 = arith.muli %mul3A_184, %scan3A_94 : i32
      %add3A_186 = arith.constant 3 : i32
      %add3A_187 = arith.addi %mul3A_185, %add3A_186 : i32
      %ge3A_188 = arith.constant 2 : i32
      %ge3A_189 = arith.cmpi sge, %add3A_187, %ge3A_188 : i32
      %convert_element_type3A_190 = arith.extui %ge3A_189 : i1 to i32
      %cond3A_191 = arith.constant 0 : i32
      %cond3A_192 = arith.cmpi ne, %convert_element_type3A_190, %cond3A_191 : i32
      scf.if %cond3A_192 {
        %dma_wait3A_215 = arith.constant 0 : i32
        %dma_wait3A_216 = tpu.memref_slice %arg7[%dma_wait3A_215] : memref<20000xi32, #tpu.memory_space<vmem>> -> memref<128xi32, #tpu.memory_space<vmem>>
        %dma_wait3A_217 = arith.constant 0 : i32
        %dma_wait3A_218 = arith.constant 0 : i32
        %dma_wait3A_219 = tpu.memref_slice %arg13[%dma_wait3A_217, %dma_wait3A_218] : memref<10112x64xf32, #tpu.memory_space<vmem_shared>> -> memref<10112x64xf32, #tpu.memory_space<vmem_shared>>
        tpu.wait_indirect_dma semaphore(%arg19 : memref<!tpu.dma_semaphore, #tpu.memory_space<semaphore_mem>>) src(%arg9 : memref<128x64xf32, #tpu.memory_space<vmem>>) dst(%dma_wait3A_219 : memref<10112x64xf32, #tpu.memory_space<vmem_shared>>)
      } else {
      }
      %add3A_193 = arith.constant 2 : i32
      %add3A_194 = arith.addi %add3A_187, %add3A_193 : i32
      %lt3A_195 = arith.constant 156 : i32
      %lt3A_196 = arith.cmpi slt, %add3A_194, %lt3A_195 : i32
      %convert_element_type3A_197 = arith.extui %lt3A_196 : i1 to i32
      %cond3A_198 = arith.constant 0 : i32
      %cond3A_199 = arith.cmpi ne, %convert_element_type3A_197, %cond3A_198 : i32
      scf.if %cond3A_199 {
        %add3A_215 = arith.constant 2 : i32
        %add3A_216 = arith.addi %add3A_187, %add3A_215 : i32
        %mul3A_217 = arith.constant 128 : i32
        %mul3A_218 = arith.muli %add3A_216, %mul3A_217 : i32
        %dma_start3A_219 = tpu.memref_slice %arg6[%mul3A_218] : memref<20000xi32, #tpu.memory_space<vmem>> -> memref<128xi32, #tpu.memory_space<vmem>>
        %dma_start3A_220 = arith.constant 0 : i32
        %dma_start3A_221 = arith.constant 0 : i32
        %dma_start3A_222 = tpu.memref_slice %arg2[%arg0, %dma_start3A_220, %dma_start3A_221] : memref<2x10000x64xf32, #tpu.memory_space<hbm>> -> memref<1x10000x64xf32, #tpu.memory_space<hbm>>
        %dma_start3A_223 = tpu.memref_squeeze %dma_start3A_222 : memref<1x10000x64xf32, #tpu.memory_space<hbm>> -> memref<10000x64xf32, #tpu.memory_space<hbm>>
        %dma_start3A_224 = arith.constant 0 : i32
        %dma_start3A_225 = arith.constant 0 : i32
        %dma_start3A_226 = tpu.memref_slice %dma_start3A_223[%dma_start3A_224, %dma_start3A_225] : memref<10000x64xf32, #tpu.memory_space<hbm>> -> memref<10000x64xf32, #tpu.memory_space<hbm>>
        tpu.enqueue_indirect_dma source(%dma_start3A_226 : memref<10000x64xf32, #tpu.memory_space<hbm>>) target(%arg9 : memref<128x64xf32, #tpu.memory_space<vmem>>) offsets(%dma_start3A_219 : memref<128xi32, #tpu.memory_space<vmem>>) semaphore(%arg15 : memref<!tpu.dma_semaphore, #tpu.memory_space<semaphore_mem>>)
      } else {
      }
      %dma_wait3A_200 = arith.constant 0 : i32
      %dma_wait3A_201 = tpu.memref_slice %arg6[%dma_wait3A_200] : memref<20000xi32, #tpu.memory_space<vmem>> -> memref<128xi32, #tpu.memory_space<vmem>>
      %dma_wait3A_202 = arith.constant 0 : i32
      %dma_wait3A_203 = arith.constant 0 : i32
      %dma_wait3A_204 = tpu.memref_slice %arg2[%arg0, %dma_wait3A_202, %dma_wait3A_203] : memref<2x10000x64xf32, #tpu.memory_space<hbm>> -> memref<1x10000x64xf32, #tpu.memory_space<hbm>>
      %dma_wait3A_205 = tpu.memref_squeeze %dma_wait3A_204 : memref<1x10000x64xf32, #tpu.memory_space<hbm>> -> memref<10000x64xf32, #tpu.memory_space<hbm>>
      %dma_wait3A_206 = arith.constant 0 : i32
      %dma_wait3A_207 = arith.constant 0 : i32
      %dma_wait3A_208 = tpu.memref_slice %dma_wait3A_205[%dma_wait3A_206, %dma_wait3A_207] : memref<10000x64xf32, #tpu.memory_space<hbm>> -> memref<10000x64xf32, #tpu.memory_space<hbm>>
      tpu.wait_indirect_dma semaphore(%arg17 : memref<!tpu.dma_semaphore, #tpu.memory_space<semaphore_mem>>) src(%dma_wait3A_208 : memref<10000x64xf32, #tpu.memory_space<hbm>>) dst(%arg11 : memref<128x64xf32, #tpu.memory_space<vmem>>)
      %mul3A_209 = arith.constant 128 : i32
      %mul3A_210 = arith.muli %add3A_187, %mul3A_209 : i32
      %dma_start3A_211 = tpu.memref_slice %arg7[%mul3A_210] : memref<20000xi32, #tpu.memory_space<vmem>> -> memref<128xi32, #tpu.memory_space<vmem>>
      %dma_start3A_212 = arith.constant 0 : i32
      %dma_start3A_213 = arith.constant 0 : i32
      %dma_start3A_214 = tpu.memref_slice %arg13[%dma_start3A_212, %dma_start3A_213] : memref<10112x64xf32, #tpu.memory_space<vmem_shared>> -> memref<10112x64xf32, #tpu.memory_space<vmem_shared>>
      tpu.enqueue_indirect_dma source(%arg11 : memref<128x64xf32, #tpu.memory_space<vmem>>) target(%dma_start3A_214 : memref<10112x64xf32, #tpu.memory_space<vmem_shared>>) offsets(%dma_start3A_211 : memref<128xi32, #tpu.memory_space<vmem>>) semaphore(%arg21 : memref<!tpu.dma_semaphore, #tpu.memory_space<semaphore_mem>>) {add = true}
    }
    %scan3A_41 = arith.constant 39 : i32
    %dma_wait3A = arith.constant 0 : i32
    %dma_wait3A_42 = tpu.memref_slice %arg7[%dma_wait3A] : memref<20000xi32, #tpu.memory_space<vmem>> -> memref<128xi32, #tpu.memory_space<vmem>>
    %dma_wait3A_43 = arith.constant 0 : i32
    %dma_wait3A_44 = arith.constant 0 : i32
    %dma_wait3A_45 = tpu.memref_slice %arg13[%dma_wait3A_43, %dma_wait3A_44] : memref<10112x64xf32, #tpu.memory_space<vmem_shared>> -> memref<10112x64xf32, #tpu.memory_space<vmem_shared>>
    tpu.wait_indirect_dma semaphore(%arg20 : memref<!tpu.dma_semaphore, #tpu.memory_space<semaphore_mem>>) src(%arg10 : memref<128x64xf32, #tpu.memory_space<vmem>>) dst(%dma_wait3A_45 : memref<10112x64xf32, #tpu.memory_space<vmem_shared>>)
    %dma_wait3A_46 = arith.constant 0 : i32
    %dma_wait3A_47 = tpu.memref_slice %arg7[%dma_wait3A_46] : memref<20000xi32, #tpu.memory_space<vmem>> -> memref<128xi32, #tpu.memory_space<vmem>>
    %dma_wait3A_48 = arith.constant 0 : i32
    %dma_wait3A_49 = arith.constant 0 : i32
    %dma_wait3A_50 = tpu.memref_slice %arg13[%dma_wait3A_48, %dma_wait3A_49] : memref<10112x64xf32, #tpu.memory_space<vmem_shared>> -> memref<10112x64xf32, #tpu.memory_space<vmem_shared>>
    tpu.wait_indirect_dma semaphore(%arg21 : memref<!tpu.dma_semaphore, #tpu.memory_space<semaphore_mem>>) src(%arg11 : memref<128x64xf32, #tpu.memory_space<vmem>>) dst(%dma_wait3A_50 : memref<10112x64xf32, #tpu.memory_space<vmem_shared>>)
    %dma_start3A_51 = arith.constant 0 : i32
    %dma_start3A_52 = arith.constant 0 : i32
    %dma_start3A_53 = tpu.memref_slice %arg8[%dma_start3A_51, %dma_start3A_52] : memref<128x64xf32, #tpu.memory_space<vmem>> -> memref<32x64xf32, #tpu.memory_space<vmem>>
    %dma_start3A_54 = arith.constant 19968 : i32
    %dma_start3A_55 = tpu.memref_slice %arg6[%dma_start3A_54] : memref<20000xi32, #tpu.memory_space<vmem>> -> memref<32xi32, #tpu.memory_space<vmem>>
    %dma_start3A_56 = arith.constant 0 : i32
    %dma_start3A_57 = arith.constant 0 : i32
    %dma_start3A_58 = tpu.memref_slice %arg2[%arg0, %dma_start3A_56, %dma_start3A_57] : memref<2x10000x64xf32, #tpu.memory_space<hbm>> -> memref<1x10000x64xf32, #tpu.memory_space<hbm>>
    %dma_start3A_59 = tpu.memref_squeeze %dma_start3A_58 : memref<1x10000x64xf32, #tpu.memory_space<hbm>> -> memref<10000x64xf32, #tpu.memory_space<hbm>>
    %dma_start3A_60 = arith.constant 0 : i32
    %dma_start3A_61 = arith.constant 0 : i32
    %dma_start3A_62 = tpu.memref_slice %dma_start3A_59[%dma_start3A_60, %dma_start3A_61] : memref<10000x64xf32, #tpu.memory_space<hbm>> -> memref<10000x64xf32, #tpu.memory_space<hbm>>
    tpu.enqueue_indirect_dma source(%dma_start3A_62 : memref<10000x64xf32, #tpu.memory_space<hbm>>) target(%dma_start3A_53 : memref<32x64xf32, #tpu.memory_space<vmem>>) offsets(%dma_start3A_55 : memref<32xi32, #tpu.memory_space<vmem>>) semaphore(%arg14 : memref<!tpu.dma_semaphore, #tpu.memory_space<semaphore_mem>>)
    %dma_wait3A_63 = arith.constant 0 : i32
    %dma_wait3A_64 = arith.constant 0 : i32
    %dma_wait3A_65 = tpu.memref_slice %arg8[%dma_wait3A_63, %dma_wait3A_64] : memref<128x64xf32, #tpu.memory_space<vmem>> -> memref<32x64xf32, #tpu.memory_space<vmem>>
    %dma_wait3A_66 = arith.constant 19968 : i32
    %dma_wait3A_67 = tpu.memref_slice %arg6[%dma_wait3A_66] : memref<20000xi32, #tpu.memory_space<vmem>> -> memref<32xi32, #tpu.memory_space<vmem>>
    %dma_wait3A_68 = arith.constant 0 : i32
    %dma_wait3A_69 = arith.constant 0 : i32
    %dma_wait3A_70 = tpu.memref_slice %arg2[%arg0, %dma_wait3A_68, %dma_wait3A_69] : memref<2x10000x64xf32, #tpu.memory_space<hbm>> -> memref<1x10000x64xf32, #tpu.memory_space<hbm>>
    %dma_wait3A_71 = tpu.memref_squeeze %dma_wait3A_70 : memref<1x10000x64xf32, #tpu.memory_space<hbm>> -> memref<10000x64xf32, #tpu.memory_space<hbm>>
    %dma_wait3A_72 = arith.constant 0 : i32
    %dma_wait3A_73 = arith.constant 0 : i32
    %dma_wait3A_74 = tpu.memref_slice %dma_wait3A_71[%dma_wait3A_72, %dma_wait3A_73] : memref<10000x64xf32, #tpu.memory_space<hbm>> -> memref<10000x64xf32, #tpu.memory_space<hbm>>
    tpu.wait_indirect_dma semaphore(%arg14 : memref<!tpu.dma_semaphore, #tpu.memory_space<semaphore_mem>>) src(%dma_wait3A_74 : memref<10000x64xf32, #tpu.memory_space<hbm>>) dst(%dma_wait3A_65 : memref<32x64xf32, #tpu.memory_space<vmem>>)
    %dma_start3A_75 = arith.constant 0 : i32
    %dma_start3A_76 = arith.constant 0 : i32
    %dma_start3A_77 = tpu.memref_slice %arg8[%dma_start3A_75, %dma_start3A_76] : memref<128x64xf32, #tpu.memory_space<vmem>> -> memref<32x64xf32, #tpu.memory_space<vmem>>
    %dma_start3A_78 = arith.constant 19968 : i32
    %dma_start3A_79 = tpu.memref_slice %arg7[%dma_start3A_78] : memref<20000xi32, #tpu.memory_space<vmem>> -> memref<32xi32, #tpu.memory_space<vmem>>
    %dma_start3A_80 = arith.constant 0 : i32
    %dma_start3A_81 = arith.constant 0 : i32
    %dma_start3A_82 = tpu.memref_slice %arg13[%dma_start3A_80, %dma_start3A_81] : memref<10112x64xf32, #tpu.memory_space<vmem_shared>> -> memref<10112x64xf32, #tpu.memory_space<vmem_shared>>
    tpu.enqueue_indirect_dma source(%dma_start3A_77 : memref<32x64xf32, #tpu.memory_space<vmem>>) target(%dma_start3A_82 : memref<10112x64xf32, #tpu.memory_space<vmem_shared>>) offsets(%dma_start3A_79 : memref<32xi32, #tpu.memory_space<vmem>>) semaphore(%arg18 : memref<!tpu.dma_semaphore, #tpu.memory_space<semaphore_mem>>) {add = true}
    %dma_wait3A_83 = arith.constant 0 : i32
    %dma_wait3A_84 = arith.constant 0 : i32
    %dma_wait3A_85 = tpu.memref_slice %arg8[%dma_wait3A_83, %dma_wait3A_84] : memref<128x64xf32, #tpu.memory_space<vmem>> -> memref<32x64xf32, #tpu.memory_space<vmem>>
    %dma_wait3A_86 = arith.constant 19968 : i32
    %dma_wait3A_87 = tpu.memref_slice %arg7[%dma_wait3A_86] : memref<20000xi32, #tpu.memory_space<vmem>> -> memref<32xi32, #tpu.memory_space<vmem>>
    %dma_wait3A_88 = arith.constant 0 : i32
    %dma_wait3A_89 = arith.constant 0 : i32
    %dma_wait3A_90 = tpu.memref_slice %arg13[%dma_wait3A_88, %dma_wait3A_89] : memref<10112x64xf32, #tpu.memory_space<vmem_shared>> -> memref<10112x64xf32, #tpu.memory_space<vmem_shared>>
    tpu.wait_indirect_dma semaphore(%arg18 : memref<!tpu.dma_semaphore, #tpu.memory_space<semaphore_mem>>) src(%dma_wait3A_85 : memref<32x64xf32, #tpu.memory_space<vmem>>) dst(%dma_wait3A_90 : memref<10112x64xf32, #tpu.memory_space<vmem_shared>>)
    %barrier3A_91 = arith.constant 0 : index
    tpu.barrier barrier_id(%barrier3A_91)
    %mul3A_92 = arith.constant 64 : i32
    %mul3A_93 = arith.muli %arg0, %mul3A_92 : i32
    "tpu.region"() ({
      %run_scoped3A = tpu.sem_alloc : memref<!tpu.dma_semaphore, #tpu.memory_space<semaphore_mem>>
      %dma_start3A_94 = tpu.memref_slice %arg5[%mul3A_0, %mul3A_93] : memref<10112x128xf32, #tpu.memory_space<hbm>> -> memref<632x64xf32, #tpu.memory_space<hbm>>
      %dma_start3A_95 = arith.constant 0 : i32
      %dma_start3A_96 = tpu.memref_slice %arg13[%mul3A_0, %dma_start3A_95] : memref<10112x64xf32, #tpu.memory_space<vmem_shared>> -> memref<632x64xf32, #tpu.memory_space<vmem_shared>>
      tpu.enqueue_dma source(%dma_start3A_96 : memref<632x64xf32, #tpu.memory_space<vmem_shared>>) target(%dma_start3A_94 : memref<632x64xf32, #tpu.memory_space<hbm>>) target_semaphore(%run_scoped3A : memref<!tpu.dma_semaphore, #tpu.memory_space<semaphore_mem>>)
      %dma_wait3A_97 = tpu.memref_slice %arg5[%mul3A_0, %mul3A_93] : memref<10112x128xf32, #tpu.memory_space<hbm>> -> memref<632x64xf32, #tpu.memory_space<hbm>>
      %dma_wait3A_98 = arith.constant 0 : i32
      %dma_wait3A_99 = tpu.memref_slice %arg13[%mul3A_0, %dma_wait3A_98] : memref<10112x64xf32, #tpu.memory_space<vmem_shared>> -> memref<632x64xf32, #tpu.memory_space<vmem_shared>>
      tpu.wait_dma2 semaphore(%run_scoped3A : memref<!tpu.dma_semaphore, #tpu.memory_space<semaphore_mem>>) src(%dma_wait3A_99 : memref<632x64xf32, #tpu.memory_space<vmem_shared>>) dst(%dma_wait3A_97 : memref<632x64xf32, #tpu.memory_space<hbm>>)
      tpu.yield
    }) : () -> ()
    return
  }
}

module attributes {stable_mosaic.version = 14 : i64} {
  func.func @sage_dense1(%arg0: i32, %arg1: memref<1000x128xf32, #tpu.memory_space<vmem>>, %arg2: memref<2x10112x16xf32, #tpu.memory_space<vmem>>, %arg3: memref<1000x128xf32, #tpu.memory_space<vmem>>, %arg4: memref<256x128xf32, #tpu.memory_space<vmem>>, %arg5: memref<1x256xf32, #tpu.memory_space<vmem>>, %arg6: memref<256x128xf32, #tpu.memory_space<vmem>>, %arg7: memref<128x256xf32, #tpu.memory_space<vmem>>, %arg8: memref<128x256xf32, #tpu.memory_space<vmem>>, %arg9: memref<1x128xf32, #tpu.memory_space<vmem>>, %arg10: memref<2x1000x64xf32, #tpu.memory_space<vmem>>, %arg11: memref<1000x128xf32, #tpu.memory_space<vmem>>) attributes {dimension_semantics = [#tpu.dimension_semantics<arbitrary>], iteration_bounds = array<i64: 10>, scalar_prefetch = 0 : i64, scratch_operands = 0 : i64, tpu.core_type = #tpu.core_type<tc>, window_params = [{transform_indices = @transform_0, window_bounds = array<i64: 1000, 128>}, {pipeline_mode = #tpu.pipeline_mode<synchronous>, transform_indices = @transform_1, window_bounds = array<i64: 2, 10112, 16>}, {transform_indices = @transform_2, window_bounds = array<i64: 1000, 128>}, {pipeline_mode = #tpu.pipeline_mode<synchronous>, transform_indices = @transform_3, window_bounds = array<i64: 256, 128>}, {pipeline_mode = #tpu.pipeline_mode<synchronous>, transform_indices = @transform_4, window_bounds = array<i64: 1, 256>}, {pipeline_mode = #tpu.pipeline_mode<synchronous>, transform_indices = @transform_5, window_bounds = array<i64: 256, 128>}, {pipeline_mode = #tpu.pipeline_mode<synchronous>, transform_indices = @transform_6, window_bounds = array<i64: 128, 256>}, {pipeline_mode = #tpu.pipeline_mode<synchronous>, transform_indices = @transform_7, window_bounds = array<i64: 128, 256>}, {pipeline_mode = #tpu.pipeline_mode<synchronous>, transform_indices = @transform_8, window_bounds = array<i64: 1, 128>}, {transform_indices = @transform_9, window_bounds = array<i64: 2, 1000, 64>}, {transform_indices = @transform_10, window_bounds = array<i64: 1000, 128>}]} {
    %mul3A = arith.constant 1000 : i32
    %mul3A_0 = arith.muli %arg0, %mul3A : i32
    %get3A = arith.constant 0 : index
    %get3A_1 = arith.index_cast %mul3A_0 : i32 to index
    %get3A_2 = arith.constant 0 : index
    %get3A_3 = vector.load %arg2[%get3A, %get3A_1, %get3A_2] : memref<2x10112x16xf32, #tpu.memory_space<vmem>>, vector<1x1000x1xf32>
    %get3A_4 = vector.shape_cast %get3A_3 : vector<1x1000x1xf32> to vector<1000x1xf32>
    %mul3A_5 = arith.constant 1000 : i32
    %mul3A_6 = arith.muli %arg0, %mul3A_5 : i32
    %get3A_7 = arith.constant 1 : index
    %get3A_8 = arith.index_cast %mul3A_6 : i32 to index
    %get3A_9 = arith.constant 0 : index
    %get3A_10 = vector.load %arg2[%get3A_7, %get3A_8, %get3A_9] : memref<2x10112x16xf32, #tpu.memory_space<vmem>>, vector<1x1000x1xf32>
    %get3A_11 = vector.shape_cast %get3A_10 : vector<1x1000x1xf32> to vector<1000x1xf32>
    %add3A = arith.addf %get3A_4, %get3A_11 : vector<1000x1xf32>
    %max3A = arith.constant 1.000000e+00 : f32
    %max3A_12 = vector.broadcast %max3A : f32 to vector<1000x1xf32>
    %max3A_13 = arith.maximumf %add3A, %max3A_12 : vector<1000x1xf32>
    %div3A = arith.constant 1.000000e+00 : f32
    %div3A_14 = vector.broadcast %div3A : f32 to vector<1000x1xf32>
    %div3A_15 = arith.divf %div3A_14, %max3A_13 : vector<1000x1xf32>
    %get3A_16 = arith.constant 0 : index
    %get3A_17 = arith.constant 0 : index
    %get3A_18 = vector.load %arg1[%get3A_16, %get3A_17] : memref<1000x128xf32, #tpu.memory_space<vmem>>, vector<1000x128xf32>
    %mul3A_19 = vector.broadcast %div3A_15 : vector<1000x1xf32> to vector<1000x128xf32>
    %mul3A_20 = arith.mulf %get3A_18, %mul3A_19 : vector<1000x128xf32>
    %get3A_21 = arith.constant 0 : index
    %get3A_22 = arith.constant 0 : index
    %get3A_23 = vector.load %arg4[%get3A_21, %get3A_22] : memref<256x128xf32, #tpu.memory_space<vmem>>, vector<256x128xf32>
    %dot_general3A = arith.constant dense<0.000000e+00> : vector<1000x256xf32>
    %dot_general3A_24 = tpu.matmul %mul3A_20, %get3A_23, %dot_general3A {dimension_numbers = #tpu.dot_dimension_numbers<[1], [1], [0], [0], [0, 0, 1, 0], [], []>, transpose_lhs_hint = false} : vector<1000x128xf32>, vector<256x128xf32>, vector<1000x256xf32> -> vector<1000x256xf32>
    %get3A_25 = arith.constant 0 : index
    %get3A_26 = arith.constant 0 : index
    %get3A_27 = vector.load %arg5[%get3A_25, %get3A_26] : memref<1x256xf32, #tpu.memory_space<vmem>>, vector<1x256xf32>
    %add3A_28 = vector.broadcast %get3A_27 : vector<1x256xf32> to vector<1000x256xf32>
    %add3A_29 = arith.addf %dot_general3A_24, %add3A_28 : vector<1000x256xf32>
    %get3A_30 = arith.constant 0 : index
    %get3A_31 = arith.constant 0 : index
    %get3A_32 = vector.load %arg3[%get3A_30, %get3A_31] : memref<1000x128xf32, #tpu.memory_space<vmem>>, vector<1000x128xf32>
    %get3A_33 = arith.constant 0 : index
    %get3A_34 = arith.constant 0 : index
    %get3A_35 = vector.load %arg6[%get3A_33, %get3A_34] : memref<256x128xf32, #tpu.memory_space<vmem>>, vector<256x128xf32>
    %dot_general3A_36 = arith.constant dense<0.000000e+00> : vector<1000x256xf32>
    %dot_general3A_37 = tpu.matmul %get3A_32, %get3A_35, %dot_general3A_36 {dimension_numbers = #tpu.dot_dimension_numbers<[1], [1], [0], [0], [0, 0, 1, 0], [], []>, transpose_lhs_hint = false} : vector<1000x128xf32>, vector<256x128xf32>, vector<1000x256xf32> -> vector<1000x256xf32>
    %add3A_38 = arith.addf %add3A_29, %dot_general3A_37 : vector<1000x256xf32>
    %get3A_39 = arith.constant 0 : index
    %get3A_40 = arith.constant 0 : index
    %get3A_41 = vector.load %arg7[%get3A_39, %get3A_40] : memref<128x256xf32, #tpu.memory_space<vmem>>, vector<128x256xf32>
    %dot_general3A_42 = arith.constant dense<0.000000e+00> : vector<1000x128xf32>
    %dot_general3A_43 = tpu.matmul %add3A_38, %get3A_41, %dot_general3A_42 {dimension_numbers = #tpu.dot_dimension_numbers<[1], [1], [0], [0], [0, 0, 1, 0], [], []>, transpose_lhs_hint = false} : vector<1000x256xf32>, vector<128x256xf32>, vector<1000x128xf32> -> vector<1000x128xf32>
    %slice3A = vector.extract_strided_slice %dot_general3A_43 {offsets = [0, 0], sizes = [1000, 64], strides = [1, 1]} : vector<1000x128xf32> to vector<1000x64xf32>
    %swap3A = arith.constant 0 : index
    %swap3A_44 = arith.constant 0 : index
    %swap3A_45 = arith.constant 0 : index
    %swap3A_46 = vector.load %arg10[%swap3A, %swap3A_44, %swap3A_45] : memref<2x1000x64xf32, #tpu.memory_space<vmem>>, vector<1x1000x64xf32>
    %swap3A_47 = vector.shape_cast %swap3A_46 : vector<1x1000x64xf32> to vector<1000x64xf32>
    %swap3A_48 = vector.shape_cast %slice3A : vector<1000x64xf32> to vector<1x1000x64xf32>
    tpu.vector_store %arg10[%swap3A, %swap3A_44, %swap3A_45], %swap3A_48 {strides = array<i32>} : memref<2x1000x64xf32, #tpu.memory_space<vmem>>, vector<1x1000x64xf32>,
    %slice3A_49 = vector.extract_strided_slice %dot_general3A_43 {offsets = [0, 64], sizes = [1000, 64], strides = [1, 1]} : vector<1000x128xf32> to vector<1000x64xf32>
    %swap3A_50 = arith.constant 1 : index
    %swap3A_51 = arith.constant 0 : index
    %swap3A_52 = arith.constant 0 : index
    %swap3A_53 = vector.load %arg10[%swap3A_50, %swap3A_51, %swap3A_52] : memref<2x1000x64xf32, #tpu.memory_space<vmem>>, vector<1x1000x64xf32>
    %swap3A_54 = vector.shape_cast %swap3A_53 : vector<1x1000x64xf32> to vector<1000x64xf32>
    %swap3A_55 = vector.shape_cast %slice3A_49 : vector<1000x64xf32> to vector<1x1000x64xf32>
    tpu.vector_store %arg10[%swap3A_50, %swap3A_51, %swap3A_52], %swap3A_55 {strides = array<i32>} : memref<2x1000x64xf32, #tpu.memory_space<vmem>>, vector<1x1000x64xf32>,
    %get3A_56 = arith.constant 0 : index
    %get3A_57 = arith.constant 0 : index
    %get3A_58 = vector.load %arg8[%get3A_56, %get3A_57] : memref<128x256xf32, #tpu.memory_space<vmem>>, vector<128x256xf32>
    %dot_general3A_59 = arith.constant dense<0.000000e+00> : vector<1000x128xf32>
    %dot_general3A_60 = tpu.matmul %add3A_38, %get3A_58, %dot_general3A_59 {dimension_numbers = #tpu.dot_dimension_numbers<[1], [1], [0], [0], [0, 0, 1, 0], [], []>, transpose_lhs_hint = false} : vector<1000x256xf32>, vector<128x256xf32>, vector<1000x128xf32> -> vector<1000x128xf32>
    %get3A_61 = arith.constant 0 : index
    %get3A_62 = arith.constant 0 : index
    %get3A_63 = vector.load %arg9[%get3A_61, %get3A_62] : memref<1x128xf32, #tpu.memory_space<vmem>>, vector<1x128xf32>
    %add3A_64 = vector.broadcast %get3A_63 : vector<1x128xf32> to vector<1000x128xf32>
    %add3A_65 = arith.addf %dot_general3A_60, %add3A_64 : vector<1000x128xf32>
    %swap3A_66 = arith.constant 0 : index
    %swap3A_67 = arith.constant 0 : index
    %swap3A_68 = vector.load %arg11[%swap3A_66, %swap3A_67] : memref<1000x128xf32, #tpu.memory_space<vmem>>, vector<1000x128xf32>
    tpu.vector_store %arg11[%swap3A_66, %swap3A_67], %add3A_65 {strides = array<i32>} : memref<1000x128xf32, #tpu.memory_space<vmem>>, vector<1000x128xf32>,
    return
  }
  func.func @transform_0(%arg0: i32) -> (i32, i32) {
    %c0_i32 = arith.constant 0 : i32
    %c0_i32_0 = arith.constant 0 : i32
    return %arg0, %c0_i32 : i32, i32
  }
  func.func @transform_1(%arg0: i32) -> (i32, i32, i32) {
    %c0_i32 = arith.constant 0 : i32
    %c0_i32_0 = arith.constant 0 : i32
    %c0_i32_1 = arith.constant 0 : i32
    %c0_i32_2 = arith.constant 0 : i32
    return %c0_i32, %c0_i32_0, %c0_i32_1 : i32, i32, i32
  }
  func.func @transform_2(%arg0: i32) -> (i32, i32) {
    %c0_i32 = arith.constant 0 : i32
    %c0_i32_0 = arith.constant 0 : i32
    return %arg0, %c0_i32 : i32, i32
  }
  func.func @transform_3(%arg0: i32) -> (i32, i32) {
    %c0_i32 = arith.constant 0 : i32
    %c0_i32_0 = arith.constant 0 : i32
    %c0_i32_1 = arith.constant 0 : i32
    return %c0_i32, %c0_i32_0 : i32, i32
  }
  func.func @transform_4(%arg0: i32) -> (i32, i32) {
    %c0_i32 = arith.constant 0 : i32
    %c0_i32_0 = arith.constant 0 : i32
    %c0_i32_1 = arith.constant 0 : i32
    return %c0_i32, %c0_i32_0 : i32, i32
  }
  func.func @transform_5(%arg0: i32) -> (i32, i32) {
    %c0_i32 = arith.constant 0 : i32
    %c0_i32_0 = arith.constant 0 : i32
    %c0_i32_1 = arith.constant 0 : i32
    return %c0_i32, %c0_i32_0 : i32, i32
  }
  func.func @transform_6(%arg0: i32) -> (i32, i32) {
    %c0_i32 = arith.constant 0 : i32
    %c0_i32_0 = arith.constant 0 : i32
    %c0_i32_1 = arith.constant 0 : i32
    return %c0_i32, %c0_i32_0 : i32, i32
  }
  func.func @transform_7(%arg0: i32) -> (i32, i32) {
    %c0_i32 = arith.constant 0 : i32
    %c0_i32_0 = arith.constant 0 : i32
    %c0_i32_1 = arith.constant 0 : i32
    return %c0_i32, %c0_i32_0 : i32, i32
  }
  func.func @transform_8(%arg0: i32) -> (i32, i32) {
    %c0_i32 = arith.constant 0 : i32
    %c0_i32_0 = arith.constant 0 : i32
    %c0_i32_1 = arith.constant 0 : i32
    return %c0_i32, %c0_i32_0 : i32, i32
  }
  func.func @transform_9(%arg0: i32) -> (i32, i32, i32) {
    %c0_i32 = arith.constant 0 : i32
    %c0_i32_0 = arith.constant 0 : i32
    %c0_i32_1 = arith.constant 0 : i32
    return %c0_i32, %arg0, %c0_i32_0 : i32, i32, i32
  }
  func.func @transform_10(%arg0: i32) -> (i32, i32) {
    %c0_i32 = arith.constant 0 : i32
    %c0_i32_0 = arith.constant 0 : i32
    return %arg0, %c0_i32 : i32, i32
  }
}

module attributes {stable_mosaic.version = 14 : i64} {
  func.func @sage_dense2(%arg0: i32, %arg1: memref<1000x128xf32, #tpu.memory_space<vmem>>, %arg2: memref<2x10112x16xf32, #tpu.memory_space<vmem>>, %arg3: memref<1000x128xf32, #tpu.memory_space<vmem>>, %arg4: memref<1000x128xf32, #tpu.memory_space<vmem>>) attributes {dimension_semantics = [#tpu.dimension_semantics<arbitrary>], iteration_bounds = array<i64: 10>, scalar_prefetch = 0 : i64, scratch_operands = 0 : i64, tpu.core_type = #tpu.core_type<tc>, window_params = [{transform_indices = @transform_0, window_bounds = array<i64: 1000, 128>}, {pipeline_mode = #tpu.pipeline_mode<synchronous>, transform_indices = @transform_1, window_bounds = array<i64: 2, 10112, 16>}, {transform_indices = @transform_2, window_bounds = array<i64: 1000, 128>}, {transform_indices = @transform_3, window_bounds = array<i64: 1000, 128>}]} {
    %mul3A = arith.constant 1000 : i32
    %mul3A_0 = arith.muli %arg0, %mul3A : i32
    %get3A = arith.constant 0 : index
    %get3A_1 = arith.index_cast %mul3A_0 : i32 to index
    %get3A_2 = arith.constant 0 : index
    %get3A_3 = vector.load %arg2[%get3A, %get3A_1, %get3A_2] : memref<2x10112x16xf32, #tpu.memory_space<vmem>>, vector<1x1000x1xf32>
    %get3A_4 = vector.shape_cast %get3A_3 : vector<1x1000x1xf32> to vector<1000x1xf32>
    %mul3A_5 = arith.constant 1000 : i32
    %mul3A_6 = arith.muli %arg0, %mul3A_5 : i32
    %get3A_7 = arith.constant 1 : index
    %get3A_8 = arith.index_cast %mul3A_6 : i32 to index
    %get3A_9 = arith.constant 0 : index
    %get3A_10 = vector.load %arg2[%get3A_7, %get3A_8, %get3A_9] : memref<2x10112x16xf32, #tpu.memory_space<vmem>>, vector<1x1000x1xf32>
    %get3A_11 = vector.shape_cast %get3A_10 : vector<1x1000x1xf32> to vector<1000x1xf32>
    %add3A = arith.addf %get3A_4, %get3A_11 : vector<1000x1xf32>
    %max3A = arith.constant 1.000000e+00 : f32
    %max3A_12 = vector.broadcast %max3A : f32 to vector<1000x1xf32>
    %max3A_13 = arith.maximumf %add3A, %max3A_12 : vector<1000x1xf32>
    %div3A = arith.constant 1.000000e+00 : f32
    %div3A_14 = vector.broadcast %div3A : f32 to vector<1000x1xf32>
    %div3A_15 = arith.divf %div3A_14, %max3A_13 : vector<1000x1xf32>
    %get3A_16 = arith.constant 0 : index
    %get3A_17 = arith.constant 0 : index
    %get3A_18 = vector.load %arg1[%get3A_16, %get3A_17] : memref<1000x128xf32, #tpu.memory_space<vmem>>, vector<1000x128xf32>
    %mul3A_19 = vector.broadcast %div3A_15 : vector<1000x1xf32> to vector<1000x128xf32>
    %mul3A_20 = arith.mulf %get3A_18, %mul3A_19 : vector<1000x128xf32>
    %get3A_21 = arith.constant 0 : index
    %get3A_22 = arith.constant 0 : index
    %get3A_23 = vector.load %arg3[%get3A_21, %get3A_22] : memref<1000x128xf32, #tpu.memory_space<vmem>>, vector<1000x128xf32>
    %add3A_24 = arith.addf %mul3A_20, %get3A_23 : vector<1000x128xf32>
    %swap3A = arith.constant 0 : index
    %swap3A_25 = arith.constant 0 : index
    %swap3A_26 = vector.load %arg4[%swap3A, %swap3A_25] : memref<1000x128xf32, #tpu.memory_space<vmem>>, vector<1000x128xf32>
    tpu.vector_store %arg4[%swap3A, %swap3A_25], %add3A_24 {strides = array<i32>} : memref<1000x128xf32, #tpu.memory_space<vmem>>, vector<1000x128xf32>,
    return
  }
  func.func @transform_0(%arg0: i32) -> (i32, i32) {
    %c0_i32 = arith.constant 0 : i32
    %c0_i32_0 = arith.constant 0 : i32
    return %arg0, %c0_i32 : i32, i32
  }
  func.func @transform_1(%arg0: i32) -> (i32, i32, i32) {
    %c0_i32 = arith.constant 0 : i32
    %c0_i32_0 = arith.constant 0 : i32
    %c0_i32_1 = arith.constant 0 : i32
    %c0_i32_2 = arith.constant 0 : i32
    return %c0_i32, %c0_i32_0, %c0_i32_1 : i32, i32, i32
  }
  func.func @transform_2(%arg0: i32) -> (i32, i32) {
    %c0_i32 = arith.constant 0 : i32
    %c0_i32_0 = arith.constant 0 : i32
    return %arg0, %c0_i32 : i32, i32
  }
  func.func @transform_3(%arg0: i32) -> (i32, i32) {
    %c0_i32 = arith.constant 0 : i32
    %c0_i32_0 = arith.constant 0 : i32
    return %arg0, %c0_i32 : i32, i32
  }
}

</mosaic_0001>

<sc_bundles>
// kernel: deg_count.3.cloned.1.call-start
scs
__scs_entry_jumppad:
0x0: {  	(pc) =	sbr.rel $0x88, $3  }
0x1: {  	(tag) =	ssettag $0x0;
	lr =	simm.s32 $0x1  }
0x2: {  	[smem:$0x3F99] =	sst lr;
	_ =	strace $0xD0000000  }
0x3: {  	_ = 	snop  }
0x4: {  	_ = 	snop  }
0x5: {  	_ = 	snop  }
0x6: {  	_ = 	snop  }
0x7: {  	_ = 	snop  }
__scs_overlays_trampoline_lowered:
0x8: {  	[smem:$0x3FA8] =	sst s0  }
0x9: {  	[smem:$0x3FA9] =	sst s1  }
0xa: {  	[smem:$0x3FAA] =	sst s2  }
0xb: {  	[smem:$0x3FAB] =	sst s3  }
0xc: {  	[smem:$0x3FAC] =	sst s4  }
0xd: {  	[smem:$0x3FAD] =	sst s5  }
0xe: {  	[smem:$0x3FAE] =	sst s6  }
0xf: {  	[smem:$0x3FAF] =	sst s7  }
0x10: {  	[smem:$0x3FB0] =	sst s8  }
0x11: {  	[smem:$0x3FB1] =	sst s9;
	s0 =	simm.s32 @!p0 $0x0  }
0x12: {  	s1 =	sld [smem:$0x3F97];
	s0 =	simm.s32 @p0 $0x1  }
0x13: {  	[smem:$0x3FB2] =	sst s0;
	s0 =	simm.s32 @!p1 $0x0  }
0x14: {  	s2 =	sld [smem:$0x3F96];
	s0 =	simm.s32 @p1 $0x1  }
0x15: {  	[smem:$0x3FB3] =	sst s0;
	s0 =	simm.s32 @!p2 $0x0  }
0x16: {  	s3 =	sld [smem:$0x3FDB];
	s0 =	simm.s32 @p2 $0x1  }
0x17: {  	s4 =	simm.s32 $0x1BF5;
	[smem:$0x3FB5] =	sst s0  }
0x18: {  	s0 =	sld [smem:$0x3F98];
	_ =	swait.ge [sflag:s4], $0x0  }
0x19: {  	s7 =	sld [smem:$0x3F99]  }
0x1a: {  	s8 =	sadd.s32 $0xFFFFE003, lr  }
0x1b: {  	s9 =	sadd.s32 $0xFFFFFEF7, lr;
	s5 =	simm.s32 $0xFFFFFFFF;
	p2 =	slt.u32 s8, $0xFFFFF086  }
0x1c: {  	p1 =	slt.u32 s9, $0xF7A;
	s5 =	simm.s32 @!p2 $0x0  }
0x1d: {  	s5 =	simm.s32 @p1 $0x1;
	p0 =	seq.s32 s7, s2  }
0x1e: {  	s7 =	smul.u32 @!p0 $0xF7A, s2;
	p2 =	seq.s32 @!p0 s5, $0x0  }
0x1f: {  	s9 =	smul.u32 $0xF7A, s1;
	s8 =	simm.s32 @!p0 $0x1BF5;
	p2 =	por !p2, p0  }
0x20: {  	[sflag:s8] =	ssyncset.s32 @!p0 $0xFFFFF086;
	s6 =	sadd.s32 @!p0 s3, s7;
	s7 =	simm.s32 @!p0 $0x108  }
0x21: {  	s3 =	sadd.s32 s3, s9;
	s6 =	sadd.s32 @!p0 $0x88, s6;
	s7 =	simm.s32 @p2 $0x1082  }
0x22: {  	[simem:s7], [sflag:s8] =	dma.local @!p0 [hbm:s6], $0xF7A  }
0x23: {  	s9 =	sor.u32 $0xD0000000, s2;
	s6 =	simm.s32 $0x108;
	_ =	swait.ge @!p0 [sflag:s8], $0x0  }
0x24: {  	s3 =	sadd.s32 $0x88, s3;
	s6 =	simm.s32 @!p1 $0x1082;
	[sflag:s4] =	ssyncset.s32 $0xFFFFF086  }
0x25: {  	[simem:s6], [sflag:s4] =	dma.local [hbm:s3], $0xF7A  }
0x26: {  	[smem:$0x3F99] =	sst s1;
	(tag) =	ssettag s2;
	_ =	strace s9  }
0x27: {  	s1 =	sld [smem:$0x3FA9]  }
0x28: {  	s2 =	sld [smem:$0x3FAA]  }
0x29: {  	s4 =	sld [smem:$0x3FAC]  }
0x2a: {  	p0 =	seq.s32 s5, $0x0;
	s5 =	sld [smem:$0x3FAD]  }
0x2b: {  	s6 =	sld [smem:$0x3FAE]  }
0x2c: {  	s7 =	sld [smem:$0x3FAF]  }
0x2d: {  	s3 =	simm.s32 $0x108;
	s8 =	sld [smem:$0x3FB0]  }
0x2e: {  	s3 =	simm.s32 @!p0 $0x1082;
	s9 =	sld [smem:$0x3FB1]  }
0x2f: {  	lr =	sadd.s32 s0, s3;
	s0 =	sld [smem:$0x3FA8]  }
0x30: {  	s3 =	sld [smem:$0x3FAB]  }
0x31: {  	[smem:$0x3FB4] =	sst s10  }
0x32: {  	s10 =	sld [smem:$0x3FB2];
	_ =	sdelay $0x3  }
0x33: {  	p0 =	seq.s32 s10, $0x1;
	s10 =	sld [smem:$0x3FB4];
	_ =	sdelay $0x3  }
0x34: {  	[smem:$0x3FB4] =	sst s10  }
0x35: {  	s10 =	sld [smem:$0x3FB3];
	_ =	sdelay $0x3  }
0x36: {  	p1 =	seq.s32 s10, $0x1;
	s10 =	sld [smem:$0x3FB4];
	_ =	sdelay $0x3  }
0x37: {  	[smem:$0x3FB4] =	sst s10  }
0x38: {  	s10 =	sld [smem:$0x3FB5]  }
0x39: {  	_ = 	snop;
	(pc) =	sbr.ind lr, $3  }
0x3a: {  	_ = 	snop  }
0x3b: {  	_ = 	snop  }
0x3c: {  	p2 =	seq.s32 s10, $0x1;
	s10 =	sld [smem:$0x3FB4]  }
0x3d: {  	_ =	shalt  }
0x3e: {  	_ =	shalt  }
0x3f: {  	_ =	shalt  }
0x40: {  	_ =	shalt  }
0x41: {  	_ =	shalt  }
0x42: {  	_ =	shalt  }
0x43: {  	_ =	shalt  }
0x44: {  	_ =	shalt  }
0x45: {  	_ =	shalt  }
0x46: {  	_ =	shalt  }
0x47: {  	_ =	shalt  }
0x48: {  	_ =	shalt  }
0x49: {  	_ =	shalt  }
0x4a: {  	_ =	shalt  }
0x4b: {  	_ =	shalt  }
0x4c: {  	_ =	shalt  }
0x4d: {  	_ =	shalt  }
0x4e: {  	_ =	shalt  }
0x4f: {  	_ =	shalt  }
0x50: {  	_ =	shalt  }
0x51: {  	_ =	shalt  }
0x52: {  	_ =	shalt  }
0x53: {  	_ =	shalt  }
0x54: {  	_ =	shalt  }
0x55: {  	_ =	shalt  }
0x56: {  	_ =	shalt  }
0x57: {  	_ =	shalt  }
0x58: {  	_ =	shalt  }
0x59: {  	_ =	shalt  }
0x5a: {  	_ =	shalt  }
0x5b: {  	_ =	shalt  }
0x5c: {  	_ =	shalt  }
0x5d: {  	_ =	shalt  }
0x5e: {  	_ =	shalt  }
0x5f: {  	_ =	shalt  }
0x60: {  	_ =	shalt  }
0x61: {  	_ =	shalt  }
0x62: {  	_ =	shalt  }
0x63: {  	_ =	shalt  }
0x64: {  	_ =	shalt  }
0x65: {  	_ =	shalt  }
0x66: {  	_ =	shalt  }
0x67: {  	_ =	shalt  }
0x68: {  	_ =	shalt  }
0x69: {  	_ =	shalt  }
0x6a: {  	_ =	shalt  }
0x6b: {  	_ =	shalt  }
0x6c: {  	_ =	shalt  }
0x6d: {  	_ =	shalt  }
0x6e: {  	_ =	shalt  }
0x6f: {  	_ =	shalt  }
0x70: {  	_ =	shalt  }
0x71: {  	_ =	shalt  }
0x72: {  	_ =	shalt  }
0x73: {  	_ =	shalt  }
0x74: {  	_ =	shalt  }
0x75: {  	_ =	shalt  }
0x76: {  	_ =	shalt  }
0x77: {  	_ =	shalt  }
0x78: {  	_ =	shalt  }
0x79: {  	_ =	shalt  }
0x7a: {  	_ =	shalt  }
0x7b: {  	_ =	shalt  }
0x7c: {  	_ =	shalt  }
0x7d: {  	_ =	shalt  }
0x7e: {  	_ =	shalt  }
0x7f: {  	_ =	shalt  }
0x80: {  	_ =	shalt  }
0x81: {  	_ =	shalt  }
0x82: {  	_ =	shalt  }
0x83: {  	_ =	shalt  }
0x84: {  	_ =	shalt  }
0x85: {  	_ =	shalt  }
0x86: {  	_ =	shalt  }
0x87: {  	_ =	shalt  }
.Lfunc_end0:
.L_simem_size_0:
called_computation.1_lowered:
.L_overlay_start_0:
0x88: {  	s2 =	sld [smem:$0x3FD9]  }
0x89: {  	s3 =	sld [smem:$0x3FFE];
	_ =	sdelay $0x1  }
0x8a: {  	s1 =	srdreg.scid  }
0x8b: {  	s0 =	sand.u32 $0x1, s1  }
0x8c: {  	s16 =	sshll.u32 s0, $0xA;
	s2 =	sadd.s32 s3, s2  }
0x8d: {  	s2 =	sadd.s32 s2, s16  }
0x8e: {  	[smem:$0x3FC0] =	sst s2  }
0x8f: {  	_ = 	snop  }
0x90: {  	(tm) =	ssettm $0x1  }
0x91: {  	s17 =	sld [smem:$0x3FFB];
	_ =	sdelay $0x3  }
0x92: {  	_ =	strace s17  }
0x93: {  	s2 =	sld [smem:$0x3FFC];
	_ =	sdelay $0x3  }
0x94: {  	_ =	strace s2  }
0x95: {  	s2 =	sld [smem:$0x3FFD];
	_ =	sdelay $0x3  }
0x96: {  	_ =	strace s2  }
0x97: {  	_ =	strace $0x8FFFFFFF  }
0x98: {  	s18 =	sld [smem:$0x3FDB];
	_ =	sdelay $0x1  }
0x99: {  	s19 =	simm.s32 $_scs_section_size  }
0x9a: {  	s4 =	simm.s32 $_size__tile_overlayer_lowered;
	s5 =	simm.s32 $_tile_overlayer_lowered  }
0x9b: {  	s22 =	simm.s32 $0x1BFF;
	s21 =	sshll.u32 s5, $0x1;
	s2 =	sadd.s32 s19, s18  }
0x9c: {  	s6 =	simm.s32 $0x0;
	s20 =	sshll.u32 s4, $0x1;
	s4 =	sadd.s32 s21, s2  }
0x9d: {  	[timem:s6], [sflag:s22] =	dma.local [hbm:s4], s20  }
0x9e: {  	_ =	swait.ge [sflag:s22], s20  }
0x9f: {  	s3 =	ssub.s32 $0x0, s20;
	[sflag:s22] =	ssyncset.done $0x0  }
0xa0: {  	[sflag:s22] =	ssyncadd.s32 s3;
	_ =	sdelay $0x1  }
0xa1: {  	s23 =	simm.s32 $0x1B8B  }
0xa2: {  	_ =	swait.ge [sflag:s23], $0x1  }
0xa3: {  	[sflag:s23] =	ssyncset.done $0x0  }
0xa4: {  	s25 =	simm.s32 $0x1B8E;
	s24 =	sld [smem:$0x3FFE];
	[sflag:s23] =	ssyncadd.s32 $0xFFFFFFFF  }
0xa5: {  	s26 =	simm.s32 $execute0_lowered;
	[smem:$0x3FD2] =	sst s25  }
0xa6: {  	s4 =	sshll.u32 s26, $0x1;
	_ =	strace $0x80000046;
	[dreg:$0x1] =	wrdreg $0xFFFFFFFF  }
0xa7: {  	s28 =	simm.s32 $_size_execute0_lowered;
	s2 =	sadd.s32 s2, s4;
	[dreg:$0x0] =	wrdreg $0x0  }
0xa8: {  	s4 =	sshll.u32 s28, $0x1;
	[dreg:$0x2] =	wrdreg s2  }
0xa9: {  	[dreg:$0x3] =	wrdreg s4  }
0xaa: {  	[dreg:$0x4] =	wrdreg $0xC0  }
0xab: {  	_ =	task [dreg:s6], $0x5FFFF  }
0xac: {  	[dreg:$0x1] =	wrdreg $0xFFFFFFFF  }
0xad: {  	[dreg:$0x0] =	wrdreg $0x60  }
0xae: {  	[dreg:$0x2] =	wrdreg s24  }
0xaf: {  	[dreg:$0x3] =	wrdreg $0x37100  }
0xb0: {  	[dreg:$0x4] =	wrdreg $0xA  }
0xb1: {  	_ =	task.clear_ibuf [dreg:s6], $0x5FFFF;
	_ =	strace $0x90000046  }
0xb2: {  	s29 =	simm.s32 $0xA;
	_ =	strace $0x80000048  }
0xb3: {  	_ =	swait.ge [sflag:s29], $0x1  }
0xb4: {  	[sflag:s29] =	ssyncadd.s32 $0xFFFFFFFF  }
0xb5: {  	_ =	strace $0x90000048  }
0xb6: {  	_ =	sfence  }
0xb7: {  	s30 =	sld [smem:$0x0];
	_ =	sdelay $0x2  }
0xb8: {  	s31 =	sshll.u32 s1, $0xD;
	s1 =	sshrl.u32 s1, $0x2  }
0xb9: {  	s3 =	sand.u32 $0x4000, s31;
	s1 =	sadd.s32 s1, s30  }
0xba: {  	s0 =	sor.u32 s3, s0;
	s1 =	sshll.u32 s1, $0x11  }
0xbb: {  	s0 =	sor.u32 s1, s0  }
0xbc: {  	s0 =	sadd.s32 $0x8F2B, s0  }
0xbd: {  	[sflag:s0] =	ssyncadd.remote.s32 $0x1  }
0xbe: {  	_ =	sfence.sel $0xFFFF  }
0xbf: {  	[dreg:$0x0] =	wrdreg $0xFFFFFFFF;
	(pc) =	sbr.abs _section_cstart, $3  }
0xc0: {  	[dreg:$0x1] =	wrdreg $0xFFFFFFFF  }
0xc1: {  	_ =	task.clear_ibuf [dreg:s6], $0x2FFFF;
	_ =	strace $0x9FFFFFFF  }
0xc2: {  	(tm) =	ssettm $0x7FFFFFFF  }
0xc3: {  	_ =	shalt  }
tec
execute0_lowered:
.L_overlay_start_1:
0x0: {  	(tag) =	ssettag $0x1  }
0x1: {  	s1 =	srdreg.scid;
	s4 =	rddreg [dreg:$0x0]  }
0x2: {  	s0 =	stileid.u32;
	s2 =	rddreg [dreg:$0x1]  }
0x3: {  	s3 =	simm.s32 $0x0;
	s13 =	simm.s32 $0x2;
	s14 =	simm.s32 $0x80  }
0x4: {  	s15 =	simm.s32 $0x2710;
	s16 =	simm.s32 $0x100;
	s6 =	smul.u32 $0x4E20, s0  }
0x5: {  	s17 =	simm.s32 $0x180;
	s18 =	simm.s32 $0x1;
	s8 =	smul.u32 $0x2780, s0  }
0x6: {  	s19 =	simm.s32 $0x10;
	s5 =	sand.u32 $0x1, s1;
	s9 =	smul.u32 $0x9E00, s0  }
0x7: {  	s20 =	simm.s32 $0x2700;
	s21 =	simm.s32 $0x0;
	s7 =	smul.u32 $0x2710, s5  }
0x8: {  	[smem:$0x7FF] =	sst s3;
	s29 =	smul.u32 $0x27800, s5;
	s5 =	ssub.s32 $0x2, s5  }
0x9: {  	s1 =	rddreg [dreg:$0x2];
	_ =	strace $0x80000047;
	s31 =	sshrl.u32 s5, $0x1  }
0xa: {  	s9 =	sshrl.u32 s9, $0x2;
	s6 =	sadd.s32 s7, s6;
	s30 =	sadd.s32 s8, s29  }
0xb: {  	s12 =	ssub.s32 s5, s31;
	s9 =	sadd.s32 s9, s2;
	s6 =	sshrl.u32 s6, $0x3  }
0xc: {  	s5 =	sadd.s32 $0x800, s9;
	s10 =	sadd.s32 s6, s4;
	s6 =	sshrl.u32 s30, $0x3  }
0xd: {  	s7 =	sadd.s32 $0x1800, s9;
	s11 =	sadd.s32 s6, s4;
	s4 =	sadd.s32 s8, s2  }
0xe: {  	s6 =	sadd.s32 $0x1000, s9;
	s8 =	sadd.s32 $0x2000, s9;
	s9 =	sadd.s32 $0x2C00, s10  }
0xf: {  	v0 =	vimm.f32 $1.000000000e+00;
	v1 =	vimm.f32 $0.0e+00;
	s10 =	sadd.s32 $0x16800, s11;
	s11 =	smax.u32 s12, $0x1;
	s12 =	simm.s32 $0x2F10  }
.LBB2_1:
0x10: {  	s22 =	simm.s32 $0x40;
	s23 =	simm.s32 $0x0  }
.LBB2_2:
0x11: {  	p0 =	sne.s32 s22, $0x1FC0;
	[tilespmem:s23+$0x2710] =	vst v0;
	s24 =	smov.u32 s22;
	s22 =	sadd.s32 $0x40, s22  }
.Ltmp0:
0x12: {  	[tilespmem:s23+$0x2F10] =	vst v1;
	(pc) =	sbr.rel @p0 .LBB2_2-.Ltmp0, $2  }
0x13: {  	_ =	sdelay $0x2  }
0x14: {  	s23 =	sshra.s32 s24, $0x2  }
0x15: {  	[tilespmem:s23+$0x2710] =	vst v0  }
0x16: {  	[tilespmem:s23+$0x2F10] =	vst v1  }
0x17: {  	[spmem:s4] =	stream.linear.scatter [tilespmem:s12], [sflag:$0x2], $0x800, $0x38;
	[tilespmem:$0x5E90] =	vst v63  }
0x18: {  	_ =	swait.ge [sflag:s13], $0x800  }
0x19: {  	[sflag:s13] =	ssyncset.done $0x0  }
0x1a: {  	[sflag:s13] =	ssyncadd.s32 $0xFFFFF800  }
0x1b: {  	[spmem:s5] =	stream.linear.scatter [tilespmem:s12], [sflag:$0x2], $0x800, $0x38;
	[tilespmem:$0x5E90] =	vst v63  }
0x1c: {  	_ =	swait.ge [sflag:s13], $0x800  }
0x1d: {  	[sflag:s13] =	ssyncset.done $0x0  }
0x1e: {  	[sflag:s13] =	ssyncadd.s32 $0xFFFFF800  }
0x1f: {  	[spmem:s6] =	stream.linear.scatter [tilespmem:s12], [sflag:$0x2], $0x800, $0x38;
	[tilespmem:$0x5E90] =	vst v63  }
0x20: {  	_ =	swait.ge [sflag:s13], $0x800  }
0x21: {  	[sflag:s13] =	ssyncset.done $0x0  }
0x22: {  	[sflag:s13] =	ssyncadd.s32 $0xFFFFF800  }
0x23: {  	[spmem:s7] =	stream.linear.scatter [tilespmem:s12], [sflag:$0x2], $0x800, $0x38;
	[tilespmem:$0x5E90] =	vst v63  }
0x24: {  	_ =	swait.ge [sflag:s13], $0x800  }
0x25: {  	[sflag:s13] =	ssyncset.done $0x0  }
0x26: {  	[sflag:s13] =	ssyncadd.s32 $0xFFFFF800  }
0x27: {  	[spmem:s8] =	stream.linear.scatter [tilespmem:s12], [sflag:$0x2], $0x780, $0x38;
	[tilespmem:$0x5E90] =	vst v63  }
0x28: {  	_ =	swait.ge [sflag:s13], $0x780  }
0x29: {  	[sflag:s13] =	ssyncset.done $0x0  }
0x2a: {  	[sflag:s13] =	ssyncadd.s32 $0xFFFFF880  }
0x2b: {  	[tilespmem:s3], [sflag:$0x2] =	stream.linear.gather [hbm4b:s9+s3], $0x2710, $0x38;
	[tilespmem:$0x5E90] =	vst v63  }
0x2c: {  	_ =	swait.ge [sflag:s13], $0x2710  }
0x2d: {  	[sflag:s13] =	ssyncset.done $0x0  }
0x2e: {  	[sflag:s13] =	ssyncadd.s32 $0xFFFFD8F0  }
0x2f: {  	[bflag:$0x0] =	sbarrier.arrive $0xFFFF  }
0x30: {  	[spmem:s2] =	stream.indirect.scatter.add.f32 [tilespmem:s15], [sflag:$0x1], $0x10, s3, s14, $0xb8;
	[tilespmem:$0x5E90] =	vst v63  }
0x31: {  	_ = 	snop  }
0x32: {  	[spmem:s2] =	stream.indirect.scatter.add.f32 [tilespmem:s15], [sflag:$0x1], $0x10, s14, s14, $0xb8;
	[tilespmem:$0x5E90] =	vst v63  }
0x33: {  	_ = 	snop  }
0x34: {  	[spmem:s2] =	stream.indirect.scatter.add.f32 [tilespmem:s15], [sflag:$0x1], $0x10, s16, s14, $0xb8;
	[tilespmem:$0x5E90] =	vst v63  }
0x35: {  	_ = 	snop  }
0x36: {  	[spmem:s2] =	stream.indirect.scatter.add.f32 [tilespmem:s15], [sflag:$0x1], $0x10, s17, s14, $0xb8;
	[tilespmem:$0x5E90] =	vst v63  }
0x37: {  	s22 =	simm.s32 $0x200  }
0x38: {  	[spmem:s2] =	stream.indirect.scatter.add.f32 [tilespmem:s15], [sflag:$0x1], $0x10, s22, s14, $0xb8;
	[tilespmem:$0x5E90] =	vst v63  }
0x39: {  	_ =	swait.ge [sflag:s18], $0x800  }
0x3a: {  	s22 =	simm.s32 $0xA00;
	[sflag:s18] =	ssyncset.done $0x0  }
.LBB2_4:
0x3b: {  	s23 =	sshra.s32 s22, $0x2;
	[sflag:s18] =	ssyncadd.s32 $0xFFFFF800;
	p0 =	sne.s32 s22, $0x9A00  }
0x3c: {  	[spmem:s2] =	stream.indirect.scatter.add.f32 [tilespmem:s15], [sflag:$0x1], $0x10, s23, s14, $0xb8;
	[tilespmem:$0x5E90] =	vst v63  }
.Ltmp1:
0x3d: {  	_ = 	snop;
	(pc) =	sbr.rel @p0 .LBB2_4-.Ltmp1, $4  }
0x3e: {  	_ = 	snop  }
0x3f: {  	s22 =	sadd.s32 $0x200, s22  }
0x40: {  	_ =	swait.ge [sflag:s18], $0x800  }
0x41: {  	[sflag:s18] =	ssyncset.done $0x0  }
0x42: {  	[sflag:s18] =	ssyncadd.s32 $0xFFFFF800  }
0x43: {  	_ =	swait.ge [sflag:s18], $0x800  }
0x44: {  	[sflag:s18] =	ssyncset.done $0x0  }
0x45: {  	[sflag:s18] =	ssyncadd.s32 $0xFFFFF800  }
0x46: {  	_ =	swait.ge [sflag:s18], $0x800  }
0x47: {  	[sflag:s18] =	ssyncset.done $0x0  }
0x48: {  	[sflag:s18] =	ssyncadd.s32 $0xFFFFF800  }
0x49: {  	_ =	swait.ge [sflag:s18], $0x800  }
0x4a: {  	[sflag:s18] =	ssyncset.done $0x0  }
0x4b: {  	[sflag:s18] =	ssyncadd.s32 $0xFFFFF800  }
0x4c: {  	_ =	swait.ge [sflag:s18], $0x800  }
0x4d: {  	[sflag:s18] =	ssyncset.done $0x0  }
0x4e: {  	[sflag:s18] =	ssyncadd.s32 $0xFFFFF800  }
0x4f: {  	[spmem:s2] =	stream.indirect.scatter.add.f32 [tilespmem:s15], [sflag:$0x1], $0x10, s20, s19, $0xb8;
	[tilespmem:$0x5E90] =	vst v63  }
0x50: {  	_ =	swait.ge [sflag:s18], $0x100  }
0x51: {  	s22 =	sshll.u32 s0, $0x6;
	s21 =	sadd.s32 $0x1, s21;
	[sflag:s18] =	ssyncset.done $0x0  }
0x52: {  	s23 =	sshrl.u32 s4, $0x3;
	p0 =	sne.s32 s21, s11;
	[sflag:s18] =	ssyncadd.s32 $0xFFFFFF00  }
.Ltmp2:
0x53: {  	s22 =	sor.u32 $0x1C02, s22;
	[bflag:$0x0] =	sbarrier.arrive $0xFFFF;
	(pc) =	sbr.rel @p0 .LBB2_1-.Ltmp2, $4  }
0x54: {  	[hbm:s10], [sflag:s22] =	dma.local [spmem:s23], $0x4F0  }
0x55: {  	_ =	swait.ge [sflag:s13], $0x4F0  }
0x56: {  	[sflag:s13] =	ssyncset.done $0x0  }
0x57: {  	[sflag:s13] =	ssyncadd.s32 $0xFFFFFB10  }
0x58: {  	_ =	sfence.sel $0x180000  }
0x59: {  	[bflag:$0x0] =	sbarrier.arrive $0xFFFF  }
0x5a: {  	p0 =	sne.s32 s0, $0x0;
	_ =	strace $0x90000047  }
0x5b: {  	s0 =	sadd.s32 @!p0 $0x100000, s1;
	[bflag:$0x2] =	sbarrier.arrive $0xFFFF  }
0x5c: {  	[sflag:s0] =	ssyncadd.tile.s32 @!p0 $0x1;
	_ =	shalt  }
.Lfunc_end2:
_tile_overlayer_lowered:
.L_overlay_start_2:
0x5d: {  	(tag) =	ssettag $0x2  }
0x5e: {  	s0 =	rddreg [dreg:$0x0];
	s2 =	stileid.u32  }
0x5f: {  	s1 =	rddreg [dreg:$0x1];
	p0 =	sne.s32 s2, $0x0  }
0x60: {  	s3 =	rddreg [dreg:$0x2];
	[bflag:$0x3] =	sbarrier.arrive $0xFFFF;
	s2 =	simm.s32 @!p0 $0x1C02  }
0x61: {  	[timem:s3], [sflag:s2] =	dma.local @!p0 [hbm:s0], s1  }
0x62: {  	s0 =	simm.s32 @!p0 $0x2  }
0x63: {  	_ =	swait.ge @!p0 [sflag:s0], s1  }
0x64: {  	s1 =	ssub.s32 @!p0 $0x0, s1;
	[sflag:s0] =	ssyncset.done @!p0 $0x0  }
0x65: {  	[sflag:s0] =	ssyncadd.s32 @!p0 s1  }
0x66: {  	[bflag:$0x3] =	sbarrier.arrive $0xFFFF  }
0x67: {  	_ =	shalt  }

// kernel: seg_sum.4.cloned.1.call-start
scs
__scs_entry_jumppad:
0x0: {  	(pc) =	sbr.rel $0x88, $3  }
0x1: {  	(tag) =	ssettag $0x0;
	lr =	simm.s32 $0x1  }
0x2: {  	[smem:$0x3F99] =	sst lr;
	_ =	strace $0xD0000000  }
0x3: {  	_ = 	snop  }
0x4: {  	_ = 	snop  }
0x5: {  	_ = 	snop  }
0x6: {  	_ = 	snop  }
0x7: {  	_ = 	snop  }
__scs_overlays_trampoline_lowered:
0x8: {  	[smem:$0x3FA8] =	sst s0  }
0x9: {  	[smem:$0x3FA9] =	sst s1  }
0xa: {  	[smem:$0x3FAA] =	sst s2  }
0xb: {  	[smem:$0x3FAB] =	sst s3  }
0xc: {  	[smem:$0x3FAC] =	sst s4  }
0xd: {  	[smem:$0x3FAD] =	sst s5  }
0xe: {  	[smem:$0x3FAE] =	sst s6  }
0xf: {  	[smem:$0x3FAF] =	sst s7  }
0x10: {  	[smem:$0x3FB0] =	sst s8  }
0x11: {  	[smem:$0x3FB1] =	sst s9;
	s0 =	simm.s32 @!p0 $0x0  }
0x12: {  	s1 =	sld [smem:$0x3F97];
	s0 =	simm.s32 @p0 $0x1  }
0x13: {  	[smem:$0x3FB2] =	sst s0;
	s0 =	simm.s32 @!p1 $0x0  }
0x14: {  	s2 =	sld [smem:$0x3F96];
	s0 =	simm.s32 @p1 $0x1  }
0x15: {  	[smem:$0x3FB3] =	sst s0;
	s0 =	simm.s32 @!p2 $0x0  }
0x16: {  	s3 =	sld [smem:$0x3FDB];
	s0 =	simm.s32 @p2 $0x1  }
0x17: {  	s4 =	simm.s32 $0x1BF5;
	[smem:$0x3FB5] =	sst s0  }
0x18: {  	s0 =	sld [smem:$0x3F98];
	_ =	swait.ge [sflag:s4], $0x0  }
0x19: {  	s7 =	sld [smem:$0x3F99]  }
0x1a: {  	s8 =	sadd.s32 $0xFFFFE003, lr  }
0x1b: {  	s9 =	sadd.s32 $0xFFFFFEF7, lr;
	s5 =	simm.s32 $0xFFFFFFFF;
	p2 =	slt.u32 s8, $0xFFFFF086  }
0x1c: {  	p1 =	slt.u32 s9, $0xF7A;
	s5 =	simm.s32 @!p2 $0x0  }
0x1d: {  	s5 =	simm.s32 @p1 $0x1;
	p0 =	seq.s32 s7, s2  }
0x1e: {  	s7 =	smul.u32 @!p0 $0xF7A, s2;
	p2 =	seq.s32 @!p0 s5, $0x0  }
0x1f: {  	s9 =	smul.u32 $0xF7A, s1;
	s8 =	simm.s32 @!p0 $0x1BF5;
	p2 =	por !p2, p0  }
0x20: {  	[sflag:s8] =	ssyncset.s32 @!p0 $0xFFFFF086;
	s6 =	sadd.s32 @!p0 s3, s7;
	s7 =	simm.s32 @!p0 $0x108  }
0x21: {  	s3 =	sadd.s32 s3, s9;
	s6 =	sadd.s32 @!p0 $0x88, s6;
	s7 =	simm.s32 @p2 $0x1082  }
0x22: {  	[simem:s7], [sflag:s8] =	dma.local @!p0 [hbm:s6], $0xF7A  }
0x23: {  	s9 =	sor.u32 $0xD0000000, s2;
	s6 =	simm.s32 $0x108;
	_ =	swait.ge @!p0 [sflag:s8], $0x0  }
0x24: {  	s3 =	sadd.s32 $0x88, s3;
	s6 =	simm.s32 @!p1 $0x1082;
	[sflag:s4] =	ssyncset.s32 $0xFFFFF086  }
0x25: {  	[simem:s6], [sflag:s4] =	dma.local [hbm:s3], $0xF7A  }
0x26: {  	[smem:$0x3F99] =	sst s1;
	(tag) =	ssettag s2;
	_ =	strace s9  }
0x27: {  	s1 =	sld [smem:$0x3FA9]  }
0x28: {  	s2 =	sld [smem:$0x3FAA]  }
0x29: {  	s4 =	sld [smem:$0x3FAC]  }
0x2a: {  	p0 =	seq.s32 s5, $0x0;
	s5 =	sld [smem:$0x3FAD]  }
0x2b: {  	s6 =	sld [smem:$0x3FAE]  }
0x2c: {  	s7 =	sld [smem:$0x3FAF]  }
0x2d: {  	s3 =	simm.s32 $0x108;
	s8 =	sld [smem:$0x3FB0]  }
0x2e: {  	s3 =	simm.s32 @!p0 $0x1082;
	s9 =	sld [smem:$0x3FB1]  }
0x2f: {  	lr =	sadd.s32 s0, s3;
	s0 =	sld [smem:$0x3FA8]  }
0x30: {  	s3 =	sld [smem:$0x3FAB]  }
0x31: {  	[smem:$0x3FB4] =	sst s10  }
0x32: {  	s10 =	sld [smem:$0x3FB2];
	_ =	sdelay $0x3  }
0x33: {  	p0 =	seq.s32 s10, $0x1;
	s10 =	sld [smem:$0x3FB4];
	_ =	sdelay $0x3  }
0x34: {  	[smem:$0x3FB4] =	sst s10  }
0x35: {  	s10 =	sld [smem:$0x3FB3];
	_ =	sdelay $0x3  }
0x36: {  	p1 =	seq.s32 s10, $0x1;
	s10 =	sld [smem:$0x3FB4];
	_ =	sdelay $0x3  }
0x37: {  	[smem:$0x3FB4] =	sst s10  }
0x38: {  	s10 =	sld [smem:$0x3FB5]  }
0x39: {  	_ = 	snop;
	(pc) =	sbr.ind lr, $3  }
0x3a: {  	_ = 	snop  }
0x3b: {  	_ = 	snop  }
0x3c: {  	p2 =	seq.s32 s10, $0x1;
	s10 =	sld [smem:$0x3FB4]  }
0x3d: {  	_ =	shalt  }
0x3e: {  	_ =	shalt  }
0x3f: {  	_ =	shalt  }
0x40: {  	_ =	shalt  }
0x41: {  	_ =	shalt  }
0x42: {  	_ =	shalt  }
0x43: {  	_ =	shalt  }
0x44: {  	_ =	shalt  }
0x45: {  	_ =	shalt  }
0x46: {  	_ =	shalt  }
0x47: {  	_ =	shalt  }
0x48: {  	_ =	shalt  }
0x49: {  	_ =	shalt  }
0x4a: {  	_ =	shalt  }
0x4b: {  	_ =	shalt  }
0x4c: {  	_ =	shalt  }
0x4d: {  	_ =	shalt  }
0x4e: {  	_ =	shalt  }
0x4f: {  	_ =	shalt  }
0x50: {  	_ =	shalt  }
0x51: {  	_ =	shalt  }
0x52: {  	_ =	shalt  }
0x53: {  	_ =	shalt  }
0x54: {  	_ =	shalt  }
0x55: {  	_ =	shalt  }
0x56: {  	_ =	shalt  }
0x57: {  	_ =	shalt  }
0x58: {  	_ =	shalt  }
0x59: {  	_ =	shalt  }
0x5a: {  	_ =	shalt  }
0x5b: {  	_ =	shalt  }
0x5c: {  	_ =	shalt  }
0x5d: {  	_ =	shalt  }
0x5e: {  	_ =	shalt  }
0x5f: {  	_ =	shalt  }
0x60: {  	_ =	shalt  }
0x61: {  	_ =	shalt  }
0x62: {  	_ =	shalt  }
0x63: {  	_ =	shalt  }
0x64: {  	_ =	shalt  }
0x65: {  	_ =	shalt  }
0x66: {  	_ =	shalt  }
0x67: {  	_ =	shalt  }
0x68: {  	_ =	shalt  }
0x69: {  	_ =	shalt  }
0x6a: {  	_ =	shalt  }
0x6b: {  	_ =	shalt  }
0x6c: {  	_ =	shalt  }
0x6d: {  	_ =	shalt  }
0x6e: {  	_ =	shalt  }
0x6f: {  	_ =	shalt  }
0x70: {  	_ =	shalt  }
0x71: {  	_ =	shalt  }
0x72: {  	_ =	shalt  }
0x73: {  	_ =	shalt  }
0x74: {  	_ =	shalt  }
0x75: {  	_ =	shalt  }
0x76: {  	_ =	shalt  }
0x77: {  	_ =	shalt  }
0x78: {  	_ =	shalt  }
0x79: {  	_ =	shalt  }
0x7a: {  	_ =	shalt  }
0x7b: {  	_ =	shalt  }
0x7c: {  	_ =	shalt  }
0x7d: {  	_ =	shalt  }
0x7e: {  	_ =	shalt  }
0x7f: {  	_ =	shalt  }
0x80: {  	_ =	shalt  }
0x81: {  	_ =	shalt  }
0x82: {  	_ =	shalt  }
0x83: {  	_ =	shalt  }
0x84: {  	_ =	shalt  }
0x85: {  	_ =	shalt  }
0x86: {  	_ =	shalt  }
0x87: {  	_ =	shalt  }
.Lfunc_end0:
.L_simem_size_0:
called_computation_lowered:
.L_overlay_start_0:
0x88: {  	s2 =	sld [smem:$0x3FD9]  }
0x89: {  	s3 =	sld [smem:$0x3FFE];
	_ =	sdelay $0x1  }
0x8a: {  	s1 =	srdreg.scid  }
0x8b: {  	s0 =	sand.u32 $0x1, s1  }
0x8c: {  	s17 =	sshll.u32 s0, $0xA;
	s2 =	sadd.s32 s3, s2  }
0x8d: {  	s2 =	sadd.s32 s2, s17  }
0x8e: {  	[smem:$0x3FC0] =	sst s2  }
0x8f: {  	_ = 	snop  }
0x90: {  	s18 =	sld [smem:$0x3FD0];
	(tm) =	ssettm $0x1  }
0x91: {  	s19 =	sld [smem:$0x3FFB];
	_ =	sdelay $0x3  }
0x92: {  	_ =	strace s19  }
0x93: {  	s2 =	sld [smem:$0x3FFC];
	_ =	sdelay $0x3  }
0x94: {  	_ =	strace s2  }
0x95: {  	s2 =	sld [smem:$0x3FFD];
	_ =	sdelay $0x3  }
0x96: {  	_ =	strace s2  }
0x97: {  	_ =	strace $0x8FFFFFFF  }
0x98: {  	s20 =	sld [smem:$0x3FDB];
	_ =	sdelay $0x1  }
0x99: {  	s4 =	simm.s32 $_scs_section_size  }
0x9a: {  	s5 =	simm.s32 $_size__tile_overlayer_lowered;
	s6 =	simm.s32 $_tile_overlayer_lowered  }
0x9b: {  	s7 =	simm.s32 $0x1BFF;
	s21 =	sshll.u32 s6, $0x1;
	s4 =	sadd.s32 s4, s20  }
0x9c: {  	s22 =	simm.s32 $0x0;
	s5 =	sshll.u32 s5, $0x1;
	s6 =	sadd.s32 s21, s4  }
0x9d: {  	[timem:s22], [sflag:s7] =	dma.local [hbm:s6], s5  }
0x9e: {  	_ =	swait.ge [sflag:s7], s5  }
0x9f: {  	s5 =	ssub.s32 $0x0, s5;
	[sflag:s7] =	ssyncset.done $0x0  }
0xa0: {  	[sflag:s7] =	ssyncadd.s32 s5;
	_ =	sdelay $0x1  }
0xa1: {  	s23 =	simm.s32 $0x1B8B  }
0xa2: {  	_ =	swait.ge [sflag:s23], $0x1  }
0xa3: {  	[sflag:s23] =	ssyncset.done $0x0  }
0xa4: {  	[sflag:s23] =	ssyncadd.s32 $0xFFFFFFFF  }
0xa5: {  	s5 =	sld [smem:$0x0]  }
0xa6: {  	s6 =	sand.u32 $0xFFFFFFFE, s1  }
0xa7: {  	p0 =	sne.s32 s1, s6  }
0xa8: {  	s6 =	sshll.u32 @p0 s6, $0xE  }
0xa9: {  	s6 =	sadd.s32 @p0 $0x11B8D, s6;
	s7 =	sshll.u32 @p0 s5, $0x11  }
0xaa: {  	s6 =	sor.u32 @p0 s7, s6  }
0xab: {  	[sflag:s6] =	ssyncadd.remote.s32 @p0 $0x1;
	_ =	sdelay $0x1  }
0xac: {  	s6 =	simm.s32 @p0 $0x1B8D  }
0xad: {  	_ =	swait.eq @p0 [sflag:s6], $0x1  }
0xae: {  	[sflag:s6] =	ssyncadd.s32 @p0 $0xFFFFFFFF  }
0xaf: {  	s7 =	sshll.u32 @!p0 s1, $0xE  }
0xb0: {  	s7 =	sor.u32 @!p0 $0x4000, s7;
	s6 =	simm.s32 @!p0 $0x1B8D  }
0xb1: {  	s5 =	sshll.u32 @!p0 s5, $0x11;
	s7 =	sadd.s32 @!p0 $0x11B8D, s7;
	_ =	swait.eq @!p0 [sflag:s6], $0x1  }
0xb2: {  	s5 =	sor.u32 @!p0 s5, s7;
	[sflag:s6] =	ssyncadd.s32 @!p0 $0xFFFFFFFF  }
0xb3: {  	s25 =	simm.s32 $0x1B8E;
	s24 =	sld [smem:$0x3FFE];
	[sflag:s5] =	ssyncadd.remote.s32 @!p0 $0x1  }
0xb4: {  	s26 =	simm.s32 $execute0_lowered;
	[smem:$0x3FD2] =	sst s25  }
0xb5: {  	s6 =	sshll.u32 s26, $0x1;
	_ =	strace $0x80000049;
	[dreg:$0x1] =	wrdreg $0xFFFFFFFF  }
0xb6: {  	s28 =	simm.s32 $_size_execute0_lowered;
	s4 =	sadd.s32 s4, s6;
	[dreg:$0x0] =	wrdreg $0x0  }
0xb7: {  	s6 =	sshll.u32 s28, $0x1;
	[dreg:$0x2] =	wrdreg s4  }
0xb8: {  	[dreg:$0x3] =	wrdreg s6  }
0xb9: {  	[dreg:$0x4] =	wrdreg $0xC0  }
0xba: {  	_ =	task [dreg:s22], $0x5FFFF  }
0xbb: {  	[dreg:$0x1] =	wrdreg $0xFFFFFFFF  }
0xbc: {  	[dreg:$0x0] =	wrdreg $0x60  }
0xbd: {  	[dreg:$0x2] =	wrdreg s18  }
0xbe: {  	[dreg:$0x3] =	wrdreg s24  }
0xbf: {  	[dreg:$0x4] =	wrdreg $0x13C400  }
0xc0: {  	[dreg:$0x5] =	wrdreg $0x9  }
0xc1: {  	_ =	task.clear_ibuf [dreg:s22], $0x6FFFF;
	_ =	strace $0x90000049  }
0xc2: {  	s29 =	simm.s32 $0x9;
	_ =	strace $0x8000004B  }
0xc3: {  	_ =	swait.ge [sflag:s29], $0x1  }
0xc4: {  	[sflag:s29] =	ssyncadd.s32 $0xFFFFFFFF  }
0xc5: {  	_ =	strace $0x9000004B  }
0xc6: {  	_ =	sfence  }
0xc7: {  	s30 =	sld [smem:$0x0];
	_ =	sdelay $0x2  }
0xc8: {  	s31 =	sshll.u32 s1, $0xD;
	s1 =	sshrl.u32 s1, $0x2  }
0xc9: {  	s4 =	sand.u32 $0x4000, s31;
	s1 =	sadd.s32 s1, s30  }
0xca: {  	s0 =	sor.u32 s4, s0;
	s1 =	sshll.u32 s1, $0x11  }
0xcb: {  	s0 =	sor.u32 s1, s0  }
0xcc: {  	s0 =	sadd.s32 $0x8F2B, s0  }
0xcd: {  	[sflag:s0] =	ssyncadd.remote.s32 $0x1  }
0xce: {  	_ =	sfence.sel $0xFFFF  }
0xcf: {  	[dreg:$0x0] =	wrdreg $0xFFFFFFFF;
	(pc) =	sbr.abs _section_cstart, $3  }
0xd0: {  	[dreg:$0x1] =	wrdreg $0xFFFFFFFF  }
0xd1: {  	_ =	task.clear_ibuf [dreg:s22], $0x2FFFF;
	_ =	strace $0x9FFFFFFF  }
0xd2: {  	(tm) =	ssettm $0x7FFFFFFF  }
0xd3: {  	_ =	shalt  }
tec
execute0_lowered:
.L_overlay_start_1:
0x0: {  	(tag) =	ssettag $0x1  }
0x1: {  	s0 =	rddreg [dreg:$0x0]  }
0x2: {  	s1 =	rddreg [dreg:$0x1]  }
0x3: {  	s2 =	rddreg [dreg:$0x2];
	s7 =	stileid.u32;
	s3 =	simm.s32 $0x0  }
0x4: {  	s5 =	srdreg.scid;
	s14 =	simm.s32 $0x11C40;
	s15 =	simm.s32 $0x9  }
0x5: {  	s16 =	simm.s32 $0x4E20;
	s17 =	simm.s32 $0x80;
	s18 =	simm.s32 $0x9C40  }
0x6: {  	s19 =	simm.s32 $0xBC40;
	s21 =	simm.s32 $0xDC40;
	s22 =	simm.s32 $0x1  }
0x7: {  	s28 =	simm.s32 $0x5;
	s30 =	simm.s32 $0x3;
	s20 =	simm.s32 $0x4  }
0x8: {  	s29 =	simm.s32 $0x8;
	s31 =	simm.s32 $0x20;
	s4 =	smul.u32 $0x9C4, s7  }
0x9: {  	s6 =	smul.u32 $0x13C00, s7;
	[smem:$0x7FF] =	sst s3;
	s8 =	sand.u32 $0x1, s5  }
0xa: {  	s23 =	smul.u32 $0x27800, s7;
	_ =	strace $0x8000004A;
	s24 =	sshll.u32 s8, $0x6  }
0xb: {  	s25 =	ssub.s32 $0x2, s8;
	s11 =	smul.u32 $0x13880, s8;
	s10 =	sadd.s32 s4, s1  }
0xc: {  	s4 =	sor.u32 s24, s6;
	s5 =	sshrl.u32 s23, $0x2;
	s9 =	sshrl.u32 s25, $0x1  }
0xd: {  	s24 =	simm.s32 $0xFC40;
	s26 =	sshrl.u32 s4, $0x3;
	s4 =	sadd.s32 s5, s2  }
0xe: {  	s13 =	ssub.s32 s25, s9;
	s9 =	sadd.s32 $0xCA00, s10;
	s10 =	sadd.s32 $0x2C00, s10  }
0xf: {  	s11 =	sadd.s32 s0, s11;
	s25 =	simm.s32 $0x2;
	s0 =	simm.s32 $0x6  }
0x10: {  	s1 =	sadd.s32 s26, s1;
	s5 =	sadd.s32 $0x2000, s4;
	s6 =	sadd.s32 $0x4000, s4  }
0x11: {  	s7 =	sadd.s32 $0x6000, s4;
	s8 =	sadd.s32 $0x8000, s4;
	s13 =	smax.u32 s13, $0x1  }
0x12: {  	v0 =	vimm.f32 $0.0e+00;
	s26 =	simm.s32 $0x7;
	[dreg:$0x4] =	wrdreg s5;
	s12 =	sadd.s32 $0x20600, s1  }
.LBB2_1:
0x13: {  	s23 =	simm.s32 $0x100;
	s1 =	simm.s32 $0x0  }
.LBB2_2:
0x14: {  	p0 =	sne.s32 s23, $0x7F00;
	[tilespmem:s1+$0x11C70] =	vst v0;
	s5 =	smov.u32 s23;
	s23 =	sadd.s32 $0x100, s23  }
.Ltmp0:
0x15: {  	[tilespmem:s1+$0x11C60] =	vst v0;
	(pc) =	sbr.rel @p0 .LBB2_2-.Ltmp0, $3  }
0x16: {  	[tilespmem:s1+$0x11C40] =	vst v0  }
0x17: {  	[tilespmem:s1+$0x11C50] =	vst v0;
	_ =	sdelay $0x1  }
0x18: {  	s1 =	sshra.s32 s5, $0x2  }
0x19: {  	[tilespmem:s1+$0x11C70] =	vst v0  }
0x1a: {  	[tilespmem:s1+$0x11C60] =	vst v0  }
0x1b: {  	[tilespmem:s1+$0x11C40] =	vst v0  }
0x1c: {  	[tilespmem:s1+$0x11C50] =	vst v0  }
0x1d: {  	[spmem:s4] =	stream.linear.scatter [tilespmem:s14], [sflag:$0x9], $0x2000, $0x38;
	[tilespmem:$0x1DA40] =	vst v63  }
0x1e: {  	_ =	swait.ge [sflag:s15], $0x2000  }
0x1f: {  	[sflag:s15] =	ssyncset.done $0x0  }
0x20: {  	s5 =	rddreg [dreg:$0x4];
	[sflag:s15] =	ssyncadd.s32 $0xFFFFE000  }
0x21: {  	[spmem:s5] =	stream.linear.scatter [tilespmem:s14], [sflag:$0x9], $0x2000, $0x38;
	[tilespmem:$0x1DA40] =	vst v63  }
0x22: {  	_ =	swait.ge [sflag:s15], $0x2000  }
0x23: {  	[sflag:s15] =	ssyncset.done $0x0  }
0x24: {  	[sflag:s15] =	ssyncadd.s32 $0xFFFFE000  }
0x25: {  	[spmem:s6] =	stream.linear.scatter [tilespmem:s14], [sflag:$0x9], $0x2000, $0x38;
	[tilespmem:$0x1DA40] =	vst v63  }
0x26: {  	_ =	swait.ge [sflag:s15], $0x2000  }
0x27: {  	[sflag:s15] =	ssyncset.done $0x0  }
0x28: {  	[sflag:s15] =	ssyncadd.s32 $0xFFFFE000  }
0x29: {  	[spmem:s7] =	stream.linear.scatter [tilespmem:s14], [sflag:$0x9], $0x2000, $0x38;
	[tilespmem:$0x1DA40] =	vst v63  }
0x2a: {  	_ =	swait.ge [sflag:s15], $0x2000  }
0x2b: {  	[sflag:s15] =	ssyncset.done $0x0  }
0x2c: {  	[sflag:s15] =	ssyncadd.s32 $0xFFFFE000  }
0x2d: {  	[spmem:s8] =	stream.linear.scatter [tilespmem:s14], [sflag:$0x9], $0x1E00, $0x38;
	[tilespmem:$0x1DA40] =	vst v63  }
0x2e: {  	_ =	swait.ge [sflag:s15], $0x1E00  }
0x2f: {  	[sflag:s15] =	ssyncset.done $0x0  }
0x30: {  	s23 =	simm.s32 $0x0;
	[sflag:s15] =	ssyncadd.s32 $0xFFFFE200  }
0x31: {  	[tilespmem:s23], [sflag:$0x9] =	stream.linear.gather [hbm4b:s9+s23], $0x4E20, $0x38;
	[tilespmem:$0x1DA40] =	vst v63  }
0x32: {  	_ =	swait.ge [sflag:s15], $0x4E20  }
0x33: {  	[sflag:s15] =	ssyncset.done $0x0  }
0x34: {  	[sflag:s15] =	ssyncadd.s32 $0xFFFFB1E0  }
0x35: {  	[tilespmem:s16], [sflag:$0x9] =	stream.linear.gather [hbm4b:s10+s23], $0x4E20, $0x38;
	[tilespmem:$0x1DA40] =	vst v63  }
0x36: {  	_ =	swait.ge [sflag:s15], $0x4E20  }
0x37: {  	[sflag:s15] =	ssyncset.done $0x0  }
0x38: {  	[sflag:s15] =	ssyncadd.s32 $0xFFFFB1E0  }
0x39: {  	[bflag:$0x0] =	sbarrier.arrive $0xFFFF  }
0x3a: {  	[tilespmem:s18], [sflag:$0x1] =	stream.indirect.gather [hbm4b:s11+s17], $0x40, s23, s17, $0xb8;
	[tilespmem:$0x1DA40] =	vst v63  }
0x3b: {  	_ = 	snop  }
0x3c: {  	[tilespmem:s19], [sflag:$0x2] =	stream.indirect.gather [hbm4b:s11+s17], $0x40, s17, s17, $0xb8;
	[tilespmem:$0x1DA40] =	vst v63  }
0x3d: {  	s5 =	simm.s32 $0x100  }
0x3e: {  	[tilespmem:s21], [sflag:$0x3] =	stream.indirect.gather [hbm4b:s11+s17], $0x40, s5, s17, $0xb8;
	[tilespmem:$0x1DA40] =	vst v63  }
0x3f: {  	_ =	swait.ge [sflag:s22], $0x2000  }
0x40: {  	[sflag:s22] =	ssyncset.done $0x0  }
0x41: {  	[sflag:s22] =	ssyncadd.s32 $0xFFFFE000  }
0x42: {  	[spmem:s2] =	stream.indirect.scatter.add.f32 [tilespmem:s18], [sflag:$0x5], $0x40, s16, s17, $0xb8;
	[tilespmem:$0x1DA40] =	vst v63  }
0x43: {  	s23 =	simm.s32 $0x180  }
0x44: {  	[tilespmem:s24], [sflag:$0x4] =	stream.indirect.gather [hbm4b:s11+s17], $0x40, s23, s17, $0xb8;
	[tilespmem:$0x1DA40] =	vst v63  }
0x45: {  	_ =	swait.ge [sflag:s25], $0x2000  }
0x46: {  	[sflag:s25] =	ssyncset.done $0x0  }
0x47: {  	s5 =	simm.s32 $0x4EA0;
	[sflag:s25] =	ssyncadd.s32 $0xFFFFE000  }
0x48: {  	[spmem:s2] =	stream.indirect.scatter.add.f32 [tilespmem:s19], [sflag:$0x6], $0x40, s5, s17, $0xb8;
	[tilespmem:$0x1DA40] =	vst v63  }
0x49: {  	_ =	swait.ge [sflag:s28], $0x2000  }
0x4a: {  	[sflag:s28] =	ssyncset.done $0x0  }
0x4b: {  	s23 =	simm.s32 $0x200;
	[sflag:s28] =	ssyncadd.s32 $0xFFFFE000  }
0x4c: {  	[tilespmem:s18], [sflag:$0x1] =	stream.indirect.gather [hbm4b:s11+s17], $0x40, s23, s17, $0xb8;
	[tilespmem:$0x1DA40] =	vst v63  }
0x4d: {  	_ =	swait.ge [sflag:s30], $0x2000  }
0x4e: {  	[sflag:s30] =	ssyncset.done $0x0  }
0x4f: {  	s5 =	simm.s32 $0x4F20;
	[sflag:s30] =	ssyncadd.s32 $0xFFFFE000  }
0x50: {  	[spmem:s2] =	stream.indirect.scatter.add.f32 [tilespmem:s21], [sflag:$0x7], $0x40, s5, s17, $0xb8;
	[tilespmem:$0x1DA40] =	vst v63  }
0x51: {  	_ =	swait.ge [sflag:s0], $0x2000  }
0x52: {  	[sflag:s0] =	ssyncset.done $0x0  }
0x53: {  	s23 =	simm.s32 $0x280;
	[sflag:s0] =	ssyncadd.s32 $0xFFFFE000  }
0x54: {  	[tilespmem:s19], [sflag:$0x2] =	stream.indirect.gather [hbm4b:s11+s17], $0x40, s23, s17, $0xb8;
	[tilespmem:$0x1DA40] =	vst v63  }
0x55: {  	_ =	swait.ge [sflag:s20], $0x2000  }
0x56: {  	[sflag:s20] =	ssyncset.done $0x0  }
0x57: {  	s5 =	simm.s32 $0x4FA0;
	[sflag:s20] =	ssyncadd.s32 $0xFFFFE000  }
0x58: {  	[spmem:s2] =	stream.indirect.scatter.add.f32 [tilespmem:s24], [sflag:$0x8], $0x40, s5, s17, $0xb8;
	[tilespmem:$0x1DA40] =	vst v63  }
0x59: {  	_ =	swait.ge [sflag:s26], $0x2000  }
0x5a: {  	[sflag:s26] =	ssyncset.done $0x0  }
0x5b: {  	s23 =	simm.s32 $0x300;
	[sflag:s26] =	ssyncadd.s32 $0xFFFFE000  }
0x5c: {  	[tilespmem:s21], [sflag:$0x3] =	stream.indirect.gather [hbm4b:s11+s17], $0x40, s23, s17, $0xb8;
	[tilespmem:$0x1DA40] =	vst v63  }
0x5d: {  	_ =	swait.ge [sflag:s22], $0x2000  }
0x5e: {  	[sflag:s22] =	ssyncset.done $0x0  }
0x5f: {  	s5 =	simm.s32 $0x5020;
	[sflag:s22] =	ssyncadd.s32 $0xFFFFE000  }
0x60: {  	[spmem:s2] =	stream.indirect.scatter.add.f32 [tilespmem:s18], [sflag:$0x5], $0x40, s5, s17, $0xb8;
	[tilespmem:$0x1DA40] =	vst v63  }
0x61: {  	_ =	swait.ge [sflag:s29], $0x2000  }
0x62: {  	[sflag:s29] =	ssyncset.done $0x0  }
0x63: {  	s23 =	simm.s32 $0x380;
	[sflag:s29] =	ssyncadd.s32 $0xFFFFE000  }
0x64: {  	[tilespmem:s24], [sflag:$0x4] =	stream.indirect.gather [hbm4b:s11+s17], $0x40, s23, s17, $0xb8;
	[tilespmem:$0x1DA40] =	vst v63  }
0x65: {  	_ =	swait.ge [sflag:s25], $0x2000  }
0x66: {  	[sflag:s25] =	ssyncset.done $0x0  }
0x67: {  	s5 =	simm.s32 $0x50A0;
	[sflag:s25] =	ssyncadd.s32 $0xFFFFE000  }
0x68: {  	[spmem:s2] =	stream.indirect.scatter.add.f32 [tilespmem:s19], [sflag:$0x6], $0x40, s5, s17, $0xb8;
	[tilespmem:$0x1DA40] =	vst v63  }
0x69: {  	_ =	swait.ge [sflag:s28], $0x2000  }
0x6a: {  	[sflag:s28] =	ssyncset.done $0x0  }
0x6b: {  	s23 =	simm.s32 $0x400;
	[sflag:s28] =	ssyncadd.s32 $0xFFFFE000  }
0x6c: {  	[tilespmem:s18], [sflag:$0x1] =	stream.indirect.gather [hbm4b:s11+s17], $0x40, s23, s17, $0xb8;
	[tilespmem:$0x1DA40] =	vst v63  }
0x6d: {  	_ =	swait.ge [sflag:s30], $0x2000  }
0x6e: {  	[sflag:s30] =	ssyncset.done $0x0  }
0x6f: {  	s5 =	simm.s32 $0x5120;
	[sflag:s30] =	ssyncadd.s32 $0xFFFFE000  }
0x70: {  	[spmem:s2] =	stream.indirect.scatter.add.f32 [tilespmem:s21], [sflag:$0x7], $0x40, s5, s17, $0xb8;
	[tilespmem:$0x1DA40] =	vst v63  }
0x71: {  	_ =	swait.ge [sflag:s0], $0x2000  }
0x72: {  	[sflag:s0] =	ssyncset.done $0x0  }
0x73: {  	s23 =	simm.s32 $0x480;
	[sflag:s0] =	ssyncadd.s32 $0xFFFFE000  }
0x74: {  	[tilespmem:s19], [sflag:$0x2] =	stream.indirect.gather [hbm4b:s11+s17], $0x40, s23, s17, $0xb8;
	[tilespmem:$0x1DA40] =	vst v63  }
0x75: {  	_ =	swait.ge [sflag:s20], $0x2000  }
0x76: {  	[sflag:s20] =	ssyncset.done $0x0  }
0x77: {  	s1 =	simm.s32 $0x51A0;
	s23 =	simm.s32 $0x800;
	[sflag:s20] =	ssyncadd.s32 $0xFFFFE000  }
.LBB2_4:
0x78: {  	[spmem:s2] =	stream.indirect.scatter.add.f32 [tilespmem:s24], [sflag:$0x8], $0x40, s1, s17, $0xb8;
	[tilespmem:$0x1DA40] =	vst v63  }
0x79: {  	s1 =	smov.u32 s23  }
0x7a: {  	p0 =	sne.s32 s23, $0x12000;
	s23 =	sadd.s32 $0x800, s23;
	_ =	swait.ge [sflag:s26], $0x2000  }
0x7b: {  	s1 =	sshra.s32 s1, $0x2;
	[sflag:s26] =	ssyncset.done $0x0  }
0x7c: {  	s5 =	sadd.s32 $0x300, s1;
	[sflag:s26] =	ssyncadd.s32 $0xFFFFE000  }
0x7d: {  	[tilespmem:s21], [sflag:$0x3] =	stream.indirect.gather [hbm4b:s11+s17], $0x40, s5, s17, $0xb8;
	[tilespmem:$0x1DA40] =	vst v63  }
0x7e: {  	_ =	swait.ge [sflag:s22], $0x2000  }
0x7f: {  	[sflag:s22] =	ssyncset.done $0x0  }
0x80: {  	s5 =	sadd.s32 $0x5020, s1;
	[sflag:s22] =	ssyncadd.s32 $0xFFFFE000  }
0x81: {  	[spmem:s2] =	stream.indirect.scatter.add.f32 [tilespmem:s18], [sflag:$0x5], $0x40, s5, s17, $0xb8;
	[tilespmem:$0x1DA40] =	vst v63  }
0x82: {  	_ =	swait.ge [sflag:s29], $0x2000  }
0x83: {  	[sflag:s29] =	ssyncset.done $0x0  }
0x84: {  	s5 =	sadd.s32 $0x380, s1;
	[sflag:s29] =	ssyncadd.s32 $0xFFFFE000  }
0x85: {  	[tilespmem:s24], [sflag:$0x4] =	stream.indirect.gather [hbm4b:s11+s17], $0x40, s5, s17, $0xb8;
	[tilespmem:$0x1DA40] =	vst v63  }
0x86: {  	_ =	swait.ge [sflag:s25], $0x2000  }
0x87: {  	[sflag:s25] =	ssyncset.done $0x0  }
0x88: {  	s5 =	sadd.s32 $0x50A0, s1;
	[sflag:s25] =	ssyncadd.s32 $0xFFFFE000  }
0x89: {  	[spmem:s2] =	stream.indirect.scatter.add.f32 [tilespmem:s19], [sflag:$0x6], $0x40, s5, s17, $0xb8;
	[tilespmem:$0x1DA40] =	vst v63  }
0x8a: {  	_ =	swait.ge [sflag:s28], $0x2000  }
0x8b: {  	[sflag:s28] =	ssyncset.done $0x0  }
0x8c: {  	s5 =	sadd.s32 $0x400, s1;
	[sflag:s28] =	ssyncadd.s32 $0xFFFFE000  }
0x8d: {  	[tilespmem:s18], [sflag:$0x1] =	stream.indirect.gather [hbm4b:s11+s17], $0x40, s5, s17, $0xb8;
	[tilespmem:$0x1DA40] =	vst v63  }
0x8e: {  	_ =	swait.ge [sflag:s30], $0x2000  }
0x8f: {  	[sflag:s30] =	ssyncset.done $0x0  }
0x90: {  	s5 =	sadd.s32 $0x5120, s1;
	[sflag:s30] =	ssyncadd.s32 $0xFFFFE000  }
0x91: {  	[spmem:s2] =	stream.indirect.scatter.add.f32 [tilespmem:s21], [sflag:$0x7], $0x40, s5, s17, $0xb8;
	[tilespmem:$0x1DA40] =	vst v63  }
0x92: {  	_ =	swait.ge [sflag:s0], $0x2000  }
0x93: {  	[sflag:s0] =	ssyncset.done $0x0  }
.Ltmp1:
0x94: {  	s5 =	sadd.s32 $0x480, s1;
	[sflag:s0] =	ssyncadd.s32 $0xFFFFE000;
	(pc) =	sbr.rel @p0 .LBB2_4-.Ltmp1, $4  }
0x95: {  	[tilespmem:s19], [sflag:$0x2] =	stream.indirect.gather [hbm4b:s11+s17], $0x40, s5, s17, $0xb8;
	[tilespmem:$0x1DA40] =	vst v63  }
0x96: {  	_ =	swait.ge [sflag:s20], $0x2000  }
0x97: {  	[sflag:s20] =	ssyncset.done $0x0  }
0x98: {  	s1 =	sadd.s32 $0x51A0, s1;
	[sflag:s20] =	ssyncadd.s32 $0xFFFFE000  }
0x99: {  	[spmem:s2] =	stream.indirect.scatter.add.f32 [tilespmem:s24], [sflag:$0x8], $0x40, s1, s17, $0xb8;
	[tilespmem:$0x1DA40] =	vst v63  }
0x9a: {  	_ =	swait.ge [sflag:s26], $0x2000  }
0x9b: {  	[sflag:s26] =	ssyncset.done $0x0  }
0x9c: {  	s23 =	simm.s32 $0x4D00;
	[sflag:s26] =	ssyncadd.s32 $0xFFFFE000  }
0x9d: {  	[tilespmem:s21], [sflag:$0x3] =	stream.indirect.gather [hbm4b:s11+s17], $0x40, s23, s17, $0xb8;
	[tilespmem:$0x1DA40] =	vst v63  }
0x9e: {  	_ =	swait.ge [sflag:s22], $0x2000  }
0x9f: {  	[sflag:s22] =	ssyncset.done $0x0  }
0xa0: {  	s5 =	simm.s32 $0x9A20;
	[sflag:s22] =	ssyncadd.s32 $0xFFFFE000  }
0xa1: {  	[spmem:s2] =	stream.indirect.scatter.add.f32 [tilespmem:s18], [sflag:$0x5], $0x40, s5, s17, $0xb8;
	[tilespmem:$0x1DA40] =	vst v63  }
0xa2: {  	_ =	swait.ge [sflag:s29], $0x2000  }
0xa3: {  	[sflag:s29] =	ssyncset.done $0x0  }
0xa4: {  	s23 =	simm.s32 $0x4D80;
	[sflag:s29] =	ssyncadd.s32 $0xFFFFE000  }
0xa5: {  	[tilespmem:s24], [sflag:$0x4] =	stream.indirect.gather [hbm4b:s11+s17], $0x40, s23, s17, $0xb8;
	[tilespmem:$0x1DA40] =	vst v63  }
0xa6: {  	_ =	swait.ge [sflag:s25], $0x2000  }
0xa7: {  	[sflag:s25] =	ssyncset.done $0x0  }
0xa8: {  	s5 =	simm.s32 $0x9AA0;
	[sflag:s25] =	ssyncadd.s32 $0xFFFFE000  }
0xa9: {  	[spmem:s2] =	stream.indirect.scatter.add.f32 [tilespmem:s19], [sflag:$0x6], $0x40, s5, s17, $0xb8;
	[tilespmem:$0x1DA40] =	vst v63  }
0xaa: {  	_ =	swait.ge [sflag:s28], $0x2000  }
0xab: {  	[sflag:s28] =	ssyncset.done $0x0  }
0xac: {  	[sflag:s28] =	ssyncadd.s32 $0xFFFFE000  }
0xad: {  	_ =	swait.ge [sflag:s30], $0x2000  }
0xae: {  	[sflag:s30] =	ssyncset.done $0x0  }
0xaf: {  	s23 =	simm.s32 $0x9B20;
	[sflag:s30] =	ssyncadd.s32 $0xFFFFE000  }
0xb0: {  	[spmem:s2] =	stream.indirect.scatter.add.f32 [tilespmem:s21], [sflag:$0x7], $0x40, s23, s17, $0xb8;
	[tilespmem:$0x1DA40] =	vst v63  }
0xb1: {  	_ =	swait.ge [sflag:s0], $0x2000  }
0xb2: {  	[sflag:s0] =	ssyncset.done $0x0  }
0xb3: {  	[sflag:s0] =	ssyncadd.s32 $0xFFFFE000  }
0xb4: {  	_ =	swait.ge [sflag:s20], $0x2000  }
0xb5: {  	[sflag:s20] =	ssyncset.done $0x0  }
0xb6: {  	s5 =	simm.s32 $0x9BA0;
	[sflag:s20] =	ssyncadd.s32 $0xFFFFE000  }
0xb7: {  	[spmem:s2] =	stream.indirect.scatter.add.f32 [tilespmem:s24], [sflag:$0x8], $0x40, s5, s17, $0xb8;
	[tilespmem:$0x1DA40] =	vst v63  }
0xb8: {  	_ =	swait.ge [sflag:s26], $0x2000  }
0xb9: {  	[sflag:s26] =	ssyncset.done $0x0  }
0xba: {  	[sflag:s26] =	ssyncadd.s32 $0xFFFFE000  }
0xbb: {  	_ =	swait.ge [sflag:s29], $0x2000  }
0xbc: {  	[sflag:s29] =	ssyncset.done $0x0  }
0xbd: {  	s23 =	simm.s32 $0x4E00;
	[sflag:s29] =	ssyncadd.s32 $0xFFFFE000  }
0xbe: {  	[tilespmem:s18], [sflag:$0x1] =	stream.indirect.gather [hbm4b:s11+s31], $0x40, s23, s31, $0xb8;
	[tilespmem:$0x1DA40] =	vst v63  }
0xbf: {  	_ =	swait.ge [sflag:s22], $0x800  }
0xc0: {  	[sflag:s22] =	ssyncset.done $0x0  }
0xc1: {  	s5 =	simm.s32 $0x9C20;
	[sflag:s22] =	ssyncadd.s32 $0xFFFFF800  }
0xc2: {  	[spmem:s2] =	stream.indirect.scatter.add.f32 [tilespmem:s18], [sflag:$0x5], $0x40, s5, s31, $0xb8;
	[tilespmem:$0x1DA40] =	vst v63  }
0xc3: {  	s3 =	sadd.s32 $0x1, s3;
	s23 =	stileid.u32;
	_ =	swait.ge [sflag:s28], $0x800  }
0xc4: {  	p0 =	sne.s32 s3, s13;
	s1 =	sshll.u32 s23, $0x6;
	[sflag:s28] =	ssyncset.done $0x0  }
0xc5: {  	s23 =	simm.s32 $0x10;
	s1 =	sor.u32 $0x1C09, s1;
	[sflag:s28] =	ssyncadd.s32 $0xFFFFF800  }
.Ltmp2:
0xc6: {  	s5 =	sshrl.u32 s4, $0x3;
	[bflag:$0x0] =	sbarrier.arrive $0xFFFF;
	(pc) =	sbr.rel @p0 .LBB2_1-.Ltmp2, $4  }
0xc7: {  	[hbm:s12@s23], [sflag:s1] =	dma.strided [spmem:s5@s29], $0x13C0, s22, $0x8   }
0xc8: {  	_ =	swait.ge [sflag:s15], $0x13C0  }
0xc9: {  	[sflag:s15] =	ssyncset.done $0x0  }
0xca: {  	[sflag:s15] =	ssyncadd.s32 $0xFFFFEC40  }
0xcb: {  	_ =	sfence.sel $0x180000  }
0xcc: {  	[bflag:$0x0] =	sbarrier.arrive $0xFFFF  }
0xcd: {  	_ =	strace $0x9000004A  }
0xce: {  	s0 =	stileid.u32;
	[bflag:$0x2] =	sbarrier.arrive $0xFFFF  }
0xcf: {  	p0 =	sne.s32 s0, $0x0;
	s0 =	rddreg [dreg:$0x3]  }
0xd0: {  	s0 =	sadd.s32 @!p0 $0x100000, s0  }
0xd1: {  	[sflag:s0] =	ssyncadd.tile.s32 @!p0 $0x1;
	_ =	shalt  }
.Lfunc_end2:
_tile_overlayer_lowered:
.L_overlay_start_2:
0xd2: {  	(tag) =	ssettag $0x2  }
0xd3: {  	s0 =	rddreg [dreg:$0x0];
	s2 =	stileid.u32  }
0xd4: {  	s1 =	rddreg [dreg:$0x1];
	p0 =	sne.s32 s2, $0x0  }
0xd5: {  	s3 =	rddreg [dreg:$0x2];
	[bflag:$0x3] =	sbarrier.arrive $0xFFFF;
	s2 =	simm.s32 @!p0 $0x1C09  }
0xd6: {  	[timem:s3], [sflag:s2] =	dma.local @!p0 [hbm:s0], s1  }
0xd7: {  	s0 =	simm.s32 @!p0 $0x9  }
0xd8: {  	_ =	swait.ge @!p0 [sflag:s0], s1  }
0xd9: {  	s1 =	ssub.s32 @!p0 $0x0, s1;
	[sflag:s0] =	ssyncset.done @!p0 $0x0  }
0xda: {  	[sflag:s0] =	ssyncadd.s32 @!p0 s1  }
0xdb: {  	[bflag:$0x3] =	sbarrier.arrive $0xFFFF  }
0xdc: {  	_ =	shalt  }

// kernel: seg_sum.7.cloned.1.call-start
scs
__scs_entry_jumppad:
0x0: {  	(pc) =	sbr.rel $0x88, $3  }
0x1: {  	(tag) =	ssettag $0x0;
	lr =	simm.s32 $0x1  }
0x2: {  	[smem:$0x3F99] =	sst lr;
	_ =	strace $0xD0000000  }
0x3: {  	_ = 	snop  }
0x4: {  	_ = 	snop  }
0x5: {  	_ = 	snop  }
0x6: {  	_ = 	snop  }
0x7: {  	_ = 	snop  }
__scs_overlays_trampoline_lowered:
0x8: {  	[smem:$0x3FA8] =	sst s0  }
0x9: {  	[smem:$0x3FA9] =	sst s1  }
0xa: {  	[smem:$0x3FAA] =	sst s2  }
0xb: {  	[smem:$0x3FAB] =	sst s3  }
0xc: {  	[smem:$0x3FAC] =	sst s4  }
0xd: {  	[smem:$0x3FAD] =	sst s5  }
0xe: {  	[smem:$0x3FAE] =	sst s6  }
0xf: {  	[smem:$0x3FAF] =	sst s7  }
0x10: {  	[smem:$0x3FB0] =	sst s8  }
0x11: {  	[smem:$0x3FB1] =	sst s9;
	s0 =	simm.s32 @!p0 $0x0  }
0x12: {  	s1 =	sld [smem:$0x3F97];
	s0 =	simm.s32 @p0 $0x1  }
0x13: {  	[smem:$0x3FB2] =	sst s0;
	s0 =	simm.s32 @!p1 $0x0  }
0x14: {  	s2 =	sld [smem:$0x3F96];
	s0 =	simm.s32 @p1 $0x1  }
0x15: {  	[smem:$0x3FB3] =	sst s0;
	s0 =	simm.s32 @!p2 $0x0  }
0x16: {  	s3 =	sld [smem:$0x3FDB];
	s0 =	simm.s32 @p2 $0x1  }
0x17: {  	s4 =	simm.s32 $0x1BF5;
	[smem:$0x3FB5] =	sst s0  }
0x18: {  	s0 =	sld [smem:$0x3F98];
	_ =	swait.ge [sflag:s4], $0x0  }
0x19: {  	s7 =	sld [smem:$0x3F99]  }
0x1a: {  	s8 =	sadd.s32 $0xFFFFE003, lr  }
0x1b: {  	s9 =	sadd.s32 $0xFFFFFEF7, lr;
	s5 =	simm.s32 $0xFFFFFFFF;
	p2 =	slt.u32 s8, $0xFFFFF086  }
0x1c: {  	p1 =	slt.u32 s9, $0xF7A;
	s5 =	simm.s32 @!p2 $0x0  }
0x1d: {  	s5 =	simm.s32 @p1 $0x1;
	p0 =	seq.s32 s7, s2  }
0x1e: {  	s7 =	smul.u32 @!p0 $0xF7A, s2;
	p2 =	seq.s32 @!p0 s5, $0x0  }
0x1f: {  	s9 =	smul.u32 $0xF7A, s1;
	s8 =	simm.s32 @!p0 $0x1BF5;
	p2 =	por !p2, p0  }
0x20: {  	[sflag:s8] =	ssyncset.s32 @!p0 $0xFFFFF086;
	s6 =	sadd.s32 @!p0 s3, s7;
	s7 =	simm.s32 @!p0 $0x108  }
0x21: {  	s3 =	sadd.s32 s3, s9;
	s6 =	sadd.s32 @!p0 $0x88, s6;
	s7 =	simm.s32 @p2 $0x1082  }
0x22: {  	[simem:s7], [sflag:s8] =	dma.local @!p0 [hbm:s6], $0xF7A  }
0x23: {  	s9 =	sor.u32 $0xD0000000, s2;
	s6 =	simm.s32 $0x108;
	_ =	swait.ge @!p0 [sflag:s8], $0x0  }
0x24: {  	s3 =	sadd.s32 $0x88, s3;
	s6 =	simm.s32 @!p1 $0x1082;
	[sflag:s4] =	ssyncset.s32 $0xFFFFF086  }
0x25: {  	[simem:s6], [sflag:s4] =	dma.local [hbm:s3], $0xF7A  }
0x26: {  	[smem:$0x3F99] =	sst s1;
	(tag) =	ssettag s2;
	_ =	strace s9  }
0x27: {  	s1 =	sld [smem:$0x3FA9]  }
0x28: {  	s2 =	sld [smem:$0x3FAA]  }
0x29: {  	s4 =	sld [smem:$0x3FAC]  }
0x2a: {  	p0 =	seq.s32 s5, $0x0;
	s5 =	sld [smem:$0x3FAD]  }
0x2b: {  	s6 =	sld [smem:$0x3FAE]  }
0x2c: {  	s7 =	sld [smem:$0x3FAF]  }
0x2d: {  	s3 =	simm.s32 $0x108;
	s8 =	sld [smem:$0x3FB0]  }
0x2e: {  	s3 =	simm.s32 @!p0 $0x1082;
	s9 =	sld [smem:$0x3FB1]  }
0x2f: {  	lr =	sadd.s32 s0, s3;
	s0 =	sld [smem:$0x3FA8]  }
0x30: {  	s3 =	sld [smem:$0x3FAB]  }
0x31: {  	[smem:$0x3FB4] =	sst s10  }
0x32: {  	s10 =	sld [smem:$0x3FB2];
	_ =	sdelay $0x3  }
0x33: {  	p0 =	seq.s32 s10, $0x1;
	s10 =	sld [smem:$0x3FB4];
	_ =	sdelay $0x3  }
0x34: {  	[smem:$0x3FB4] =	sst s10  }
0x35: {  	s10 =	sld [smem:$0x3FB3];
	_ =	sdelay $0x3  }
0x36: {  	p1 =	seq.s32 s10, $0x1;
	s10 =	sld [smem:$0x3FB4];
	_ =	sdelay $0x3  }
0x37: {  	[smem:$0x3FB4] =	sst s10  }
0x38: {  	s10 =	sld [smem:$0x3FB5]  }
0x39: {  	_ = 	snop;
	(pc) =	sbr.ind lr, $3  }
0x3a: {  	_ = 	snop  }
0x3b: {  	_ = 	snop  }
0x3c: {  	p2 =	seq.s32 s10, $0x1;
	s10 =	sld [smem:$0x3FB4]  }
0x3d: {  	_ =	shalt  }
0x3e: {  	_ =	shalt  }
0x3f: {  	_ =	shalt  }
0x40: {  	_ =	shalt  }
0x41: {  	_ =	shalt  }
0x42: {  	_ =	shalt  }
0x43: {  	_ =	shalt  }
0x44: {  	_ =	shalt  }
0x45: {  	_ =	shalt  }
0x46: {  	_ =	shalt  }
0x47: {  	_ =	shalt  }
0x48: {  	_ =	shalt  }
0x49: {  	_ =	shalt  }
0x4a: {  	_ =	shalt  }
0x4b: {  	_ =	shalt  }
0x4c: {  	_ =	shalt  }
0x4d: {  	_ =	shalt  }
0x4e: {  	_ =	shalt  }
0x4f: {  	_ =	shalt  }
0x50: {  	_ =	shalt  }
0x51: {  	_ =	shalt  }
0x52: {  	_ =	shalt  }
0x53: {  	_ =	shalt  }
0x54: {  	_ =	shalt  }
0x55: {  	_ =	shalt  }
0x56: {  	_ =	shalt  }
0x57: {  	_ =	shalt  }
0x58: {  	_ =	shalt  }
0x59: {  	_ =	shalt  }
0x5a: {  	_ =	shalt  }
0x5b: {  	_ =	shalt  }
0x5c: {  	_ =	shalt  }
0x5d: {  	_ =	shalt  }
0x5e: {  	_ =	shalt  }
0x5f: {  	_ =	shalt  }
0x60: {  	_ =	shalt  }
0x61: {  	_ =	shalt  }
0x62: {  	_ =	shalt  }
0x63: {  	_ =	shalt  }
0x64: {  	_ =	shalt  }
0x65: {  	_ =	shalt  }
0x66: {  	_ =	shalt  }
0x67: {  	_ =	shalt  }
0x68: {  	_ =	shalt  }
0x69: {  	_ =	shalt  }
0x6a: {  	_ =	shalt  }
0x6b: {  	_ =	shalt  }
0x6c: {  	_ =	shalt  }
0x6d: {  	_ =	shalt  }
0x6e: {  	_ =	shalt  }
0x6f: {  	_ =	shalt  }
0x70: {  	_ =	shalt  }
0x71: {  	_ =	shalt  }
0x72: {  	_ =	shalt  }
0x73: {  	_ =	shalt  }
0x74: {  	_ =	shalt  }
0x75: {  	_ =	shalt  }
0x76: {  	_ =	shalt  }
0x77: {  	_ =	shalt  }
0x78: {  	_ =	shalt  }
0x79: {  	_ =	shalt  }
0x7a: {  	_ =	shalt  }
0x7b: {  	_ =	shalt  }
0x7c: {  	_ =	shalt  }
0x7d: {  	_ =	shalt  }
0x7e: {  	_ =	shalt  }
0x7f: {  	_ =	shalt  }
0x80: {  	_ =	shalt  }
0x81: {  	_ =	shalt  }
0x82: {  	_ =	shalt  }
0x83: {  	_ =	shalt  }
0x84: {  	_ =	shalt  }
0x85: {  	_ =	shalt  }
0x86: {  	_ =	shalt  }
0x87: {  	_ =	shalt  }
.Lfunc_end0:
.L_simem_size_0:
called_computation.2_lowered:
.L_overlay_start_0:
0x88: {  	s2 =	sld [smem:$0x3FD9]  }
0x89: {  	s3 =	sld [smem:$0x3FFE];
	_ =	sdelay $0x1  }
0x8a: {  	s1 =	srdreg.scid  }
0x8b: {  	s0 =	sand.u32 $0x1, s1  }
0x8c: {  	s17 =	sshll.u32 s0, $0xA;
	s2 =	sadd.s32 s3, s2  }
0x8d: {  	s2 =	sadd.s32 s2, s17  }
0x8e: {  	[smem:$0x3FC0] =	sst s2  }
0x8f: {  	_ = 	snop  }
0x90: {  	s2 =	sld [smem:$0x3FD0];
	(tm) =	ssettm $0x1  }
0x91: {  	s18 =	sld [smem:$0x3FFB];
	_ =	sdelay $0x3  }
0x92: {  	_ =	strace s18  }
0x93: {  	s3 =	sld [smem:$0x3FFC];
	_ =	sdelay $0x3  }
0x94: {  	_ =	strace s3  }
0x95: {  	s3 =	sld [smem:$0x3FFD];
	_ =	sdelay $0x3  }
0x96: {  	_ =	strace s3  }
0x97: {  	_ =	strace $0x8FFFFFFF  }
0x98: {  	s19 =	sld [smem:$0x3FDB];
	_ =	sdelay $0x1  }
0x99: {  	s4 =	simm.s32 $_scs_section_size  }
0x9a: {  	s5 =	simm.s32 $_size__tile_overlayer_lowered;
	s6 =	simm.s32 $_tile_overlayer_lowered  }
0x9b: {  	s22 =	simm.s32 $0x1BFF;
	s21 =	sshll.u32 s6, $0x1;
	s3 =	sadd.s32 s4, s19  }
0x9c: {  	s7 =	simm.s32 $0x0;
	s20 =	sshll.u32 s5, $0x1;
	s5 =	sadd.s32 s21, s3  }
0x9d: {  	[timem:s7], [sflag:s22] =	dma.local [hbm:s5], s20  }
0x9e: {  	_ =	swait.ge [sflag:s22], s20  }
0x9f: {  	s4 =	ssub.s32 $0x0, s20;
	[sflag:s22] =	ssyncset.done $0x0  }
0xa0: {  	[sflag:s22] =	ssyncadd.s32 s4;
	_ =	sdelay $0x1  }
0xa1: {  	s23 =	simm.s32 $0x1B8B  }
0xa2: {  	_ =	swait.ge [sflag:s23], $0x1  }
0xa3: {  	[sflag:s23] =	ssyncset.done $0x0  }
0xa4: {  	s25 =	simm.s32 $0x1B8E;
	s24 =	sld [smem:$0x3FFE];
	[sflag:s23] =	ssyncadd.s32 $0xFFFFFFFF  }
0xa5: {  	s26 =	simm.s32 $execute0_lowered;
	[smem:$0x3FD2] =	sst s25  }
0xa6: {  	s5 =	sshll.u32 s26, $0x1;
	_ =	strace $0x8000004C;
	[dreg:$0x1] =	wrdreg $0xFFFFFFFF  }
0xa7: {  	s28 =	simm.s32 $_size_execute0_lowered;
	s3 =	sadd.s32 s3, s5;
	[dreg:$0x0] =	wrdreg $0x0  }
0xa8: {  	s5 =	sshll.u32 s28, $0x1;
	[dreg:$0x2] =	wrdreg s3  }
0xa9: {  	[dreg:$0x3] =	wrdreg s5  }
0xaa: {  	[dreg:$0x4] =	wrdreg $0xC0  }
0xab: {  	_ =	task [dreg:s7], $0x5FFFF  }
0xac: {  	[dreg:$0x1] =	wrdreg $0xFFFFFFFF  }
0xad: {  	[dreg:$0x0] =	wrdreg $0x60  }
0xae: {  	[dreg:$0x2] =	wrdreg s2  }
0xaf: {  	[dreg:$0x3] =	wrdreg s24  }
0xb0: {  	[dreg:$0x4] =	wrdreg $0x13C400  }
0xb1: {  	[dreg:$0x5] =	wrdreg $0x9  }
0xb2: {  	_ =	task.clear_ibuf [dreg:s7], $0x6FFFF;
	_ =	strace $0x9000004C  }
0xb3: {  	s29 =	simm.s32 $0x9;
	_ =	strace $0x8000004E  }
0xb4: {  	_ =	swait.ge [sflag:s29], $0x1  }
0xb5: {  	[sflag:s29] =	ssyncadd.s32 $0xFFFFFFFF  }
0xb6: {  	_ =	strace $0x9000004E  }
0xb7: {  	_ =	sfence  }
0xb8: {  	s30 =	sld [smem:$0x0];
	_ =	sdelay $0x2  }
0xb9: {  	s31 =	sshll.u32 s1, $0xD;
	s1 =	sshrl.u32 s1, $0x2  }
0xba: {  	s3 =	sand.u32 $0x4000, s31;
	s1 =	sadd.s32 s1, s30  }
0xbb: {  	s0 =	sor.u32 s3, s0;
	s1 =	sshll.u32 s1, $0x11  }
0xbc: {  	s0 =	sor.u32 s1, s0  }
0xbd: {  	s0 =	sadd.s32 $0x8F2B, s0  }
0xbe: {  	[sflag:s0] =	ssyncadd.remote.s32 $0x1  }
0xbf: {  	_ =	sfence.sel $0xFFFF  }
0xc0: {  	[dreg:$0x0] =	wrdreg $0xFFFFFFFF;
	(pc) =	sbr.abs _section_cstart, $3  }
0xc1: {  	[dreg:$0x1] =	wrdreg $0xFFFFFFFF  }
0xc2: {  	_ =	task.clear_ibuf [dreg:s7], $0x2FFFF;
	_ =	strace $0x9FFFFFFF  }
0xc3: {  	(tm) =	ssettm $0x7FFFFFFF  }
tec
execute0_lowered:
.L_overlay_start_1:
0x0: {  	(tag) =	ssettag $0x1  }
0x1: {  	s0 =	rddreg [dreg:$0x0]  }
0x2: {  	s1 =	rddreg [dreg:$0x1]  }
0x3: {  	s2 =	rddreg [dreg:$0x2];
	s7 =	stileid.u32;
	s3 =	simm.s32 $0x0  }
0x4: {  	s5 =	srdreg.scid;
	s14 =	simm.s32 $0x11C40;
	s15 =	simm.s32 $0x9  }
0x5: {  	s16 =	simm.s32 $0x4E20;
	s17 =	simm.s32 $0x80;
	s18 =	simm.s32 $0x9C40  }
0x6: {  	s19 =	simm.s32 $0xBC40;
	s21 =	simm.s32 $0xDC40;
	s22 =	simm.s32 $0x1  }
0x7: {  	s28 =	simm.s32 $0x5;
	s30 =	simm.s32 $0x3;
	s20 =	simm.s32 $0x4  }
0x8: {  	s29 =	simm.s32 $0x8;
	s31 =	simm.s32 $0x20;
	s4 =	smul.u32 $0x9C4, s7  }
0x9: {  	s6 =	smul.u32 $0x13C00, s7;
	[smem:$0x7FF] =	sst s3;
	s8 =	sand.u32 $0x1, s5  }
0xa: {  	s23 =	smul.u32 $0x27800, s7;
	_ =	strace $0x8000004D;
	s24 =	sshll.u32 s8, $0x6  }
0xb: {  	s25 =	ssub.s32 $0x2, s8;
	s11 =	smul.u32 $0x13880, s8;
	s10 =	sadd.s32 s4, s1  }
0xc: {  	s4 =	sor.u32 s24, s6;
	s5 =	sshrl.u32 s23, $0x2;
	s9 =	sshrl.u32 s25, $0x1  }
0xd: {  	s24 =	simm.s32 $0xFC40;
	s26 =	sshrl.u32 s4, $0x3;
	s4 =	sadd.s32 s5, s2  }
0xe: {  	s13 =	ssub.s32 s25, s9;
	s9 =	sadd.s32 $0xCA00, s10;
	s10 =	sadd.s32 $0x2C00, s10  }
0xf: {  	s11 =	sadd.s32 s0, s11;
	s25 =	simm.s32 $0x2;
	s0 =	simm.s32 $0x6  }
0x10: {  	s1 =	sadd.s32 s26, s1;
	s5 =	sadd.s32 $0x2000, s4;
	s6 =	sadd.s32 $0x4000, s4  }
0x11: {  	s7 =	sadd.s32 $0x6000, s4;
	s8 =	sadd.s32 $0x8000, s4;
	s13 =	smax.u32 s13, $0x1  }
0x12: {  	v0 =	vimm.f32 $0.0e+00;
	s26 =	simm.s32 $0x7;
	[dreg:$0x4] =	wrdreg s5;
	s12 =	sadd.s32 $0x16800, s1  }
.LBB2_1:
0x13: {  	s23 =	simm.s32 $0x100;
	s1 =	simm.s32 $0x0  }
.LBB2_2:
0x14: {  	p0 =	sne.s32 s23, $0x7F00;
	[tilespmem:s1+$0x11C70] =	vst v0;
	s5 =	smov.u32 s23;
	s23 =	sadd.s32 $0x100, s23  }
.Ltmp0:
0x15: {  	[tilespmem:s1+$0x11C60] =	vst v0;
	(pc) =	sbr.rel @p0 .LBB2_2-.Ltmp0, $3  }
0x16: {  	[tilespmem:s1+$0x11C40] =	vst v0  }
0x17: {  	[tilespmem:s1+$0x11C50] =	vst v0;
	_ =	sdelay $0x1  }
0x18: {  	s1 =	sshra.s32 s5, $0x2  }
0x19: {  	[tilespmem:s1+$0x11C70] =	vst v0  }
0x1a: {  	[tilespmem:s1+$0x11C60] =	vst v0  }
0x1b: {  	[tilespmem:s1+$0x11C40] =	vst v0  }
0x1c: {  	[tilespmem:s1+$0x11C50] =	vst v0  }
0x1d: {  	[spmem:s4] =	stream.linear.scatter [tilespmem:s14], [sflag:$0x9], $0x2000, $0x38;
	[tilespmem:$0x1DA40] =	vst v63  }
0x1e: {  	_ =	swait.ge [sflag:s15], $0x2000  }
0x1f: {  	[sflag:s15] =	ssyncset.done $0x0  }
0x20: {  	s5 =	rddreg [dreg:$0x4];
	[sflag:s15] =	ssyncadd.s32 $0xFFFFE000  }
0x21: {  	[spmem:s5] =	stream.linear.scatter [tilespmem:s14], [sflag:$0x9], $0x2000, $0x38;
	[tilespmem:$0x1DA40] =	vst v63  }
0x22: {  	_ =	swait.ge [sflag:s15], $0x2000  }
0x23: {  	[sflag:s15] =	ssyncset.done $0x0  }
0x24: {  	[sflag:s15] =	ssyncadd.s32 $0xFFFFE000  }
0x25: {  	[spmem:s6] =	stream.linear.scatter [tilespmem:s14], [sflag:$0x9], $0x2000, $0x38;
	[tilespmem:$0x1DA40] =	vst v63  }
0x26: {  	_ =	swait.ge [sflag:s15], $0x2000  }
0x27: {  	[sflag:s15] =	ssyncset.done $0x0  }
0x28: {  	[sflag:s15] =	ssyncadd.s32 $0xFFFFE000  }
0x29: {  	[spmem:s7] =	stream.linear.scatter [tilespmem:s14], [sflag:$0x9], $0x2000, $0x38;
	[tilespmem:$0x1DA40] =	vst v63  }
0x2a: {  	_ =	swait.ge [sflag:s15], $0x2000  }
0x2b: {  	[sflag:s15] =	ssyncset.done $0x0  }
0x2c: {  	[sflag:s15] =	ssyncadd.s32 $0xFFFFE000  }
0x2d: {  	[spmem:s8] =	stream.linear.scatter [tilespmem:s14], [sflag:$0x9], $0x1E00, $0x38;
	[tilespmem:$0x1DA40] =	vst v63  }
0x2e: {  	_ =	swait.ge [sflag:s15], $0x1E00  }
0x2f: {  	[sflag:s15] =	ssyncset.done $0x0  }
0x30: {  	s23 =	simm.s32 $0x0;
	[sflag:s15] =	ssyncadd.s32 $0xFFFFE200  }
0x31: {  	[tilespmem:s23], [sflag:$0x9] =	stream.linear.gather [hbm4b:s9+s23], $0x4E20, $0x38;
	[tilespmem:$0x1DA40] =	vst v63  }
0x32: {  	_ =	swait.ge [sflag:s15], $0x4E20  }
0x33: {  	[sflag:s15] =	ssyncset.done $0x0  }
0x34: {  	[sflag:s15] =	ssyncadd.s32 $0xFFFFB1E0  }
0x35: {  	[tilespmem:s16], [sflag:$0x9] =	stream.linear.gather [hbm4b:s10+s23], $0x4E20, $0x38;
	[tilespmem:$0x1DA40] =	vst v63  }
0x36: {  	_ =	swait.ge [sflag:s15], $0x4E20  }
0x37: {  	[sflag:s15] =	ssyncset.done $0x0  }
0x38: {  	[sflag:s15] =	ssyncadd.s32 $0xFFFFB1E0  }
0x39: {  	[bflag:$0x0] =	sbarrier.arrive $0xFFFF  }
0x3a: {  	[tilespmem:s18], [sflag:$0x1] =	stream.indirect.gather [hbm4b:s11+s17], $0x40, s23, s17, $0xb8;
	[tilespmem:$0x1DA40] =	vst v63  }
0x3b: {  	_ = 	snop  }
0x3c: {  	[tilespmem:s19], [sflag:$0x2] =	stream.indirect.gather [hbm4b:s11+s17], $0x40, s17, s17, $0xb8;
	[tilespmem:$0x1DA40] =	vst v63  }
0x3d: {  	s5 =	simm.s32 $0x100  }
0x3e: {  	[tilespmem:s21], [sflag:$0x3] =	stream.indirect.gather [hbm4b:s11+s17], $0x40, s5, s17, $0xb8;
	[tilespmem:$0x1DA40] =	vst v63  }
0x3f: {  	_ =	swait.ge [sflag:s22], $0x2000  }
0x40: {  	[sflag:s22] =	ssyncset.done $0x0  }
0x41: {  	[sflag:s22] =	ssyncadd.s32 $0xFFFFE000  }
0x42: {  	[spmem:s2] =	stream.indirect.scatter.add.f32 [tilespmem:s18], [sflag:$0x5], $0x40, s16, s17, $0xb8;
	[tilespmem:$0x1DA40] =	vst v63  }
0x43: {  	s23 =	simm.s32 $0x180  }
0x44: {  	[tilespmem:s24], [sflag:$0x4] =	stream.indirect.gather [hbm4b:s11+s17], $0x40, s23, s17, $0xb8;
	[tilespmem:$0x1DA40] =	vst v63  }
0x45: {  	_ =	swait.ge [sflag:s25], $0x2000  }
0x46: {  	[sflag:s25] =	ssyncset.done $0x0  }
0x47: {  	s5 =	simm.s32 $0x4EA0;
	[sflag:s25] =	ssyncadd.s32 $0xFFFFE000  }
0x48: {  	[spmem:s2] =	stream.indirect.scatter.add.f32 [tilespmem:s19], [sflag:$0x6], $0x40, s5, s17, $0xb8;
	[tilespmem:$0x1DA40] =	vst v63  }
0x49: {  	_ =	swait.ge [sflag:s28], $0x2000  }
0x4a: {  	[sflag:s28] =	ssyncset.done $0x0  }
0x4b: {  	s23 =	simm.s32 $0x200;
	[sflag:s28] =	ssyncadd.s32 $0xFFFFE000  }
0x4c: {  	[tilespmem:s18], [sflag:$0x1] =	stream.indirect.gather [hbm4b:s11+s17], $0x40, s23, s17, $0xb8;
	[tilespmem:$0x1DA40] =	vst v63  }
0x4d: {  	_ =	swait.ge [sflag:s30], $0x2000  }
0x4e: {  	[sflag:s30] =	ssyncset.done $0x0  }
0x4f: {  	s5 =	simm.s32 $0x4F20;
	[sflag:s30] =	ssyncadd.s32 $0xFFFFE000  }
0x50: {  	[spmem:s2] =	stream.indirect.scatter.add.f32 [tilespmem:s21], [sflag:$0x7], $0x40, s5, s17, $0xb8;
	[tilespmem:$0x1DA40] =	vst v63  }
0x51: {  	_ =	swait.ge [sflag:s0], $0x2000  }
0x52: {  	[sflag:s0] =	ssyncset.done $0x0  }
0x53: {  	s23 =	simm.s32 $0x280;
	[sflag:s0] =	ssyncadd.s32 $0xFFFFE000  }
0x54: {  	[tilespmem:s19], [sflag:$0x2] =	stream.indirect.gather [hbm4b:s11+s17], $0x40, s23, s17, $0xb8;
	[tilespmem:$0x1DA40] =	vst v63  }
0x55: {  	_ =	swait.ge [sflag:s20], $0x2000  }
0x56: {  	[sflag:s20] =	ssyncset.done $0x0  }
0x57: {  	s5 =	simm.s32 $0x4FA0;
	[sflag:s20] =	ssyncadd.s32 $0xFFFFE000  }
0x58: {  	[spmem:s2] =	stream.indirect.scatter.add.f32 [tilespmem:s24], [sflag:$0x8], $0x40, s5, s17, $0xb8;
	[tilespmem:$0x1DA40] =	vst v63  }
0x59: {  	_ =	swait.ge [sflag:s26], $0x2000  }
0x5a: {  	[sflag:s26] =	ssyncset.done $0x0  }
0x5b: {  	s23 =	simm.s32 $0x300;
	[sflag:s26] =	ssyncadd.s32 $0xFFFFE000  }
0x5c: {  	[tilespmem:s21], [sflag:$0x3] =	stream.indirect.gather [hbm4b:s11+s17], $0x40, s23, s17, $0xb8;
	[tilespmem:$0x1DA40] =	vst v63  }
0x5d: {  	_ =	swait.ge [sflag:s22], $0x2000  }
0x5e: {  	[sflag:s22] =	ssyncset.done $0x0  }
0x5f: {  	s5 =	simm.s32 $0x5020;
	[sflag:s22] =	ssyncadd.s32 $0xFFFFE000  }
0x60: {  	[spmem:s2] =	stream.indirect.scatter.add.f32 [tilespmem:s18], [sflag:$0x5], $0x40, s5, s17, $0xb8;
	[tilespmem:$0x1DA40] =	vst v63  }
0x61: {  	_ =	swait.ge [sflag:s29], $0x2000  }
0x62: {  	[sflag:s29] =	ssyncset.done $0x0  }
0x63: {  	s23 =	simm.s32 $0x380;
	[sflag:s29] =	ssyncadd.s32 $0xFFFFE000  }
0x64: {  	[tilespmem:s24], [sflag:$0x4] =	stream.indirect.gather [hbm4b:s11+s17], $0x40, s23, s17, $0xb8;
	[tilespmem:$0x1DA40] =	vst v63  }
0x65: {  	_ =	swait.ge [sflag:s25], $0x2000  }
0x66: {  	[sflag:s25] =	ssyncset.done $0x0  }
0x67: {  	s5 =	simm.s32 $0x50A0;
	[sflag:s25] =	ssyncadd.s32 $0xFFFFE000  }
0x68: {  	[spmem:s2] =	stream.indirect.scatter.add.f32 [tilespmem:s19], [sflag:$0x6], $0x40, s5, s17, $0xb8;
	[tilespmem:$0x1DA40] =	vst v63  }
0x69: {  	_ =	swait.ge [sflag:s28], $0x2000  }
0x6a: {  	[sflag:s28] =	ssyncset.done $0x0  }
0x6b: {  	s23 =	simm.s32 $0x400;
	[sflag:s28] =	ssyncadd.s32 $0xFFFFE000  }
0x6c: {  	[tilespmem:s18], [sflag:$0x1] =	stream.indirect.gather [hbm4b:s11+s17], $0x40, s23, s17, $0xb8;
	[tilespmem:$0x1DA40] =	vst v63  }
0x6d: {  	_ =	swait.ge [sflag:s30], $0x2000  }
0x6e: {  	[sflag:s30] =	ssyncset.done $0x0  }
0x6f: {  	s5 =	simm.s32 $0x5120;
	[sflag:s30] =	ssyncadd.s32 $0xFFFFE000  }
0x70: {  	[spmem:s2] =	stream.indirect.scatter.add.f32 [tilespmem:s21], [sflag:$0x7], $0x40, s5, s17, $0xb8;
	[tilespmem:$0x1DA40] =	vst v63  }
0x71: {  	_ =	swait.ge [sflag:s0], $0x2000  }
0x72: {  	[sflag:s0] =	ssyncset.done $0x0  }
0x73: {  	s23 =	simm.s32 $0x480;
	[sflag:s0] =	ssyncadd.s32 $0xFFFFE000  }
0x74: {  	[tilespmem:s19], [sflag:$0x2] =	stream.indirect.gather [hbm4b:s11+s17], $0x40, s23, s17, $0xb8;
	[tilespmem:$0x1DA40] =	vst v63  }
0x75: {  	_ =	swait.ge [sflag:s20], $0x2000  }
0x76: {  	[sflag:s20] =	ssyncset.done $0x0  }
0x77: {  	s1 =	simm.s32 $0x51A0;
	s23 =	simm.s32 $0x800;
	[sflag:s20] =	ssyncadd.s32 $0xFFFFE000  }
.LBB2_4:
0x78: {  	[spmem:s2] =	stream.indirect.scatter.add.f32 [tilespmem:s24], [sflag:$0x8], $0x40, s1, s17, $0xb8;
	[tilespmem:$0x1DA40] =	vst v63  }
0x79: {  	s1 =	smov.u32 s23  }
0x7a: {  	p0 =	sne.s32 s23, $0x12000;
	s23 =	sadd.s32 $0x800, s23;
	_ =	swait.ge [sflag:s26], $0x2000  }
0x7b: {  	s1 =	sshra.s32 s1, $0x2;
	[sflag:s26] =	ssyncset.done $0x0  }
0x7c: {  	s5 =	sadd.s32 $0x300, s1;
	[sflag:s26] =	ssyncadd.s32 $0xFFFFE000  }
0x7d: {  	[tilespmem:s21], [sflag:$0x3] =	stream.indirect.gather [hbm4b:s11+s17], $0x40, s5, s17, $0xb8;
	[tilespmem:$0x1DA40] =	vst v63  }
0x7e: {  	_ =	swait.ge [sflag:s22], $0x2000  }
0x7f: {  	[sflag:s22] =	ssyncset.done $0x0  }
0x80: {  	s5 =	sadd.s32 $0x5020, s1;
	[sflag:s22] =	ssyncadd.s32 $0xFFFFE000  }
0x81: {  	[spmem:s2] =	stream.indirect.scatter.add.f32 [tilespmem:s18], [sflag:$0x5], $0x40, s5, s17, $0xb8;
	[tilespmem:$0x1DA40] =	vst v63  }
0x82: {  	_ =	swait.ge [sflag:s29], $0x2000  }
0x83: {  	[sflag:s29] =	ssyncset.done $0x0  }
0x84: {  	s5 =	sadd.s32 $0x380, s1;
	[sflag:s29] =	ssyncadd.s32 $0xFFFFE000  }
0x85: {  	[tilespmem:s24], [sflag:$0x4] =	stream.indirect.gather [hbm4b:s11+s17], $0x40, s5, s17, $0xb8;
	[tilespmem:$0x1DA40] =	vst v63  }
0x86: {  	_ =	swait.ge [sflag:s25], $0x2000  }
0x87: {  	[sflag:s25] =	ssyncset.done $0x0  }
0x88: {  	s5 =	sadd.s32 $0x50A0, s1;
	[sflag:s25] =	ssyncadd.s32 $0xFFFFE000  }
0x89: {  	[spmem:s2] =	stream.indirect.scatter.add.f32 [tilespmem:s19], [sflag:$0x6], $0x40, s5, s17, $0xb8;
	[tilespmem:$0x1DA40] =	vst v63  }
0x8a: {  	_ =	swait.ge [sflag:s28], $0x2000  }
0x8b: {  	[sflag:s28] =	ssyncset.done $0x0  }
0x8c: {  	s5 =	sadd.s32 $0x400, s1;
	[sflag:s28] =	ssyncadd.s32 $0xFFFFE000  }
0x8d: {  	[tilespmem:s18], [sflag:$0x1] =	stream.indirect.gather [hbm4b:s11+s17], $0x40, s5, s17, $0xb8;
	[tilespmem:$0x1DA40] =	vst v63  }
0x8e: {  	_ =	swait.ge [sflag:s30], $0x2000  }
0x8f: {  	[sflag:s30] =	ssyncset.done $0x0  }
0x90: {  	s5 =	sadd.s32 $0x5120, s1;
	[sflag:s30] =	ssyncadd.s32 $0xFFFFE000  }
0x91: {  	[spmem:s2] =	stream.indirect.scatter.add.f32 [tilespmem:s21], [sflag:$0x7], $0x40, s5, s17, $0xb8;
	[tilespmem:$0x1DA40] =	vst v63  }
0x92: {  	_ =	swait.ge [sflag:s0], $0x2000  }
0x93: {  	[sflag:s0] =	ssyncset.done $0x0  }
.Ltmp1:
0x94: {  	s5 =	sadd.s32 $0x480, s1;
	[sflag:s0] =	ssyncadd.s32 $0xFFFFE000;
	(pc) =	sbr.rel @p0 .LBB2_4-.Ltmp1, $4  }
0x95: {  	[tilespmem:s19], [sflag:$0x2] =	stream.indirect.gather [hbm4b:s11+s17], $0x40, s5, s17, $0xb8;
	[tilespmem:$0x1DA40] =	vst v63  }
0x96: {  	_ =	swait.ge [sflag:s20], $0x2000  }
0x97: {  	[sflag:s20] =	ssyncset.done $0x0  }
0x98: {  	s1 =	sadd.s32 $0x51A0, s1;
	[sflag:s20] =	ssyncadd.s32 $0xFFFFE000  }
0x99: {  	[spmem:s2] =	stream.indirect.scatter.add.f32 [tilespmem:s24], [sflag:$0x8], $0x40, s1, s17, $0xb8;
	[tilespmem:$0x1DA40] =	vst v63  }
0x9a: {  	_ =	swait.ge [sflag:s26], $0x2000  }
0x9b: {  	[sflag:s26] =	ssyncset.done $0x0  }
0x9c: {  	s23 =	simm.s32 $0x4D00;
	[sflag:s26] =	ssyncadd.s32 $0xFFFFE000  }
0x9d: {  	[tilespmem:s21], [sflag:$0x3] =	stream.indirect.gather [hbm4b:s11+s17], $0x40, s23, s17, $0xb8;
	[tilespmem:$0x1DA40] =	vst v63  }
0x9e: {  	_ =	swait.ge [sflag:s22], $0x2000  }
0x9f: {  	[sflag:s22] =	ssyncset.done $0x0  }
0xa0: {  	s5 =	simm.s32 $0x9A20;
	[sflag:s22] =	ssyncadd.s32 $0xFFFFE000  }
0xa1: {  	[spmem:s2] =	stream.indirect.scatter.add.f32 [tilespmem:s18], [sflag:$0x5], $0x40, s5, s17, $0xb8;
	[tilespmem:$0x1DA40] =	vst v63  }
0xa2: {  	_ =	swait.ge [sflag:s29], $0x2000  }
0xa3: {  	[sflag:s29] =	ssyncset.done $0x0  }
0xa4: {  	s23 =	simm.s32 $0x4D80;
	[sflag:s29] =	ssyncadd.s32 $0xFFFFE000  }
0xa5: {  	[tilespmem:s24], [sflag:$0x4] =	stream.indirect.gather [hbm4b:s11+s17], $0x40, s23, s17, $0xb8;
	[tilespmem:$0x1DA40] =	vst v63  }
0xa6: {  	_ =	swait.ge [sflag:s25], $0x2000  }
0xa7: {  	[sflag:s25] =	ssyncset.done $0x0  }
0xa8: {  	s5 =	simm.s32 $0x9AA0;
	[sflag:s25] =	ssyncadd.s32 $0xFFFFE000  }
0xa9: {  	[spmem:s2] =	stream.indirect.scatter.add.f32 [tilespmem:s19], [sflag:$0x6], $0x40, s5, s17, $0xb8;
	[tilespmem:$0x1DA40] =	vst v63  }
0xaa: {  	_ =	swait.ge [sflag:s28], $0x2000  }
0xab: {  	[sflag:s28] =	ssyncset.done $0x0  }
0xac: {  	[sflag:s28] =	ssyncadd.s32 $0xFFFFE000  }
0xad: {  	_ =	swait.ge [sflag:s30], $0x2000  }
0xae: {  	[sflag:s30] =	ssyncset.done $0x0  }
0xaf: {  	s23 =	simm.s32 $0x9B20;
	[sflag:s30] =	ssyncadd.s32 $0xFFFFE000  }
0xb0: {  	[spmem:s2] =	stream.indirect.scatter.add.f32 [tilespmem:s21], [sflag:$0x7], $0x40, s23, s17, $0xb8;
	[tilespmem:$0x1DA40] =	vst v63  }
0xb1: {  	_ =	swait.ge [sflag:s0], $0x2000  }
0xb2: {  	[sflag:s0] =	ssyncset.done $0x0  }
0xb3: {  	[sflag:s0] =	ssyncadd.s32 $0xFFFFE000  }
0xb4: {  	_ =	swait.ge [sflag:s20], $0x2000  }
0xb5: {  	[sflag:s20] =	ssyncset.done $0x0  }
0xb6: {  	s5 =	simm.s32 $0x9BA0;
	[sflag:s20] =	ssyncadd.s32 $0xFFFFE000  }
0xb7: {  	[spmem:s2] =	stream.indirect.scatter.add.f32 [tilespmem:s24], [sflag:$0x8], $0x40, s5, s17, $0xb8;
	[tilespmem:$0x1DA40] =	vst v63  }
0xb8: {  	_ =	swait.ge [sflag:s26], $0x2000  }
0xb9: {  	[sflag:s26] =	ssyncset.done $0x0  }
0xba: {  	[sflag:s26] =	ssyncadd.s32 $0xFFFFE000  }
0xbb: {  	_ =	swait.ge [sflag:s29], $0x2000  }
0xbc: {  	[sflag:s29] =	ssyncset.done $0x0  }
0xbd: {  	s23 =	simm.s32 $0x4E00;
	[sflag:s29] =	ssyncadd.s32 $0xFFFFE000  }
0xbe: {  	[tilespmem:s18], [sflag:$0x1] =	stream.indirect.gather [hbm4b:s11+s31], $0x40, s23, s31, $0xb8;
	[tilespmem:$0x1DA40] =	vst v63  }
0xbf: {  	_ =	swait.ge [sflag:s22], $0x800  }
0xc0: {  	[sflag:s22] =	ssyncset.done $0x0  }
0xc1: {  	s5 =	simm.s32 $0x9C20;
	[sflag:s22] =	ssyncadd.s32 $0xFFFFF800  }
0xc2: {  	[spmem:s2] =	stream.indirect.scatter.add.f32 [tilespmem:s18], [sflag:$0x5], $0x40, s5, s31, $0xb8;
	[tilespmem:$0x1DA40] =	vst v63  }
0xc3: {  	s3 =	sadd.s32 $0x1, s3;
	s23 =	stileid.u32;
	_ =	swait.ge [sflag:s28], $0x800  }
0xc4: {  	p0 =	sne.s32 s3, s13;
	s1 =	sshll.u32 s23, $0x6;
	[sflag:s28] =	ssyncset.done $0x0  }
0xc5: {  	s23 =	simm.s32 $0x10;
	s1 =	sor.u32 $0x1C09, s1;
	[sflag:s28] =	ssyncadd.s32 $0xFFFFF800  }
.Ltmp2:
0xc6: {  	s5 =	sshrl.u32 s4, $0x3;
	[bflag:$0x0] =	sbarrier.arrive $0xFFFF;
	(pc) =	sbr.rel @p0 .LBB2_1-.Ltmp2, $4  }
0xc7: {  	[hbm:s12@s23], [sflag:s1] =	dma.strided [spmem:s5@s29], $0x13C0, s22, $0x8   }
0xc8: {  	_ =	swait.ge [sflag:s15], $0x13C0  }
0xc9: {  	[sflag:s15] =	ssyncset.done $0x0  }
0xca: {  	[sflag:s15] =	ssyncadd.s32 $0xFFFFEC40  }
0xcb: {  	_ =	sfence.sel $0x180000  }
0xcc: {  	[bflag:$0x0] =	sbarrier.arrive $0xFFFF  }
0xcd: {  	_ =	strace $0x9000004D  }
0xce: {  	s0 =	stileid.u32;
	[bflag:$0x2] =	sbarrier.arrive $0xFFFF  }
0xcf: {  	p0 =	sne.s32 s0, $0x0;
	s0 =	rddreg [dreg:$0x3]  }
0xd0: {  	s0 =	sadd.s32 @!p0 $0x100000, s0  }
0xd1: {  	[sflag:s0] =	ssyncadd.tile.s32 @!p0 $0x1;
	_ =	shalt  }
.Lfunc_end2:
_tile_overlayer_lowered:
.L_overlay_start_2:
0xd2: {  	(tag) =	ssettag $0x2  }
0xd3: {  	s0 =	rddreg [dreg:$0x0];
	s2 =	stileid.u32  }
0xd4: {  	s1 =	rddreg [dreg:$0x1];
	p0 =	sne.s32 s2, $0x0  }
0xd5: {  	s3 =	rddreg [dreg:$0x2];
	[bflag:$0x3] =	sbarrier.arrive $0xFFFF;
	s2 =	simm.s32 @!p0 $0x1C09  }
0xd6: {  	[timem:s3], [sflag:s2] =	dma.local @!p0 [hbm:s0], s1  }
0xd7: {  	s0 =	simm.s32 @!p0 $0x9  }
0xd8: {  	_ =	swait.ge @!p0 [sflag:s0], s1  }
0xd9: {  	s1 =	ssub.s32 @!p0 $0x0, s1;
	[sflag:s0] =	ssyncset.done @!p0 $0x0  }
0xda: {  	[sflag:s0] =	ssyncadd.s32 @!p0 s1  }
0xdb: {  	[bflag:$0x3] =	sbarrier.arrive $0xFFFF  }
0xdc: {  	_ =	shalt  }

</sc_bundles>
